<compile_context>
chip_gen: v7x
topology: tpu7x:2x2x1
jax: 0.10.2.dev20260603
libtpu: 0.0.44.dev20260713+nightly
codegen_flags: <defaults>
</compile_context>

<pallas_src>
import jax
import jax.numpy as jnp
from jax import lax
from jax.experimental import pallas as pl
from jax.experimental.pallas import tpu as pltpu
from jax.experimental.pallas import tpu_sc as plsc

N_NODES = 10000
DEG = 32
WIDTH = 128
BATCH = 1024
LANES = 16

NW = 32
NP = 10240
ROWS_W = NP // NW
BPW = BATCH // NW
TROWS = 1032


def _seed1_body(feats_ref, wagg_ref, bagg_ref, wltop_ref, tbl_ref, u_ref):
    feats = feats_ref[...]
    mc = jnp.maximum(
        jnp.dot(feats, wagg_ref[...], preferred_element_type=jnp.float32)
        + bagg_ref[...], 0.0)
    base = jnp.maximum(bagg_ref[...], 0.0)
    pad = jnp.zeros((TROWS - BATCH - 1, WIDTH), jnp.float32)
    mcx = jnp.concatenate([mc, base, pad], axis=0)
    bits = lax.bitcast_convert_type(
        mcx.astype(jnp.bfloat16).astype(jnp.float32), jnp.int32)
    tbl_ref[...] = (lax.shift_right_logical(bits[:, :WIDTH // 2], 16)
                    | (bits[:, WIDTH // 2:] & jnp.int32(-65536)))
    u_ref[...] = jnp.dot(feats, wltop_ref[...],
                         preferred_element_type=jnp.float32)


def _seed1(feats, W_agg, b_agg2, Wl_top):
    return pl.pallas_call(
        _seed1_body,
        out_shape=(jax.ShapeDtypeStruct((TROWS, WIDTH // 2), jnp.int32),
                   jax.ShapeDtypeStruct((BATCH, WIDTH), jnp.float32)),
    )(feats, W_agg, b_agg2, Wl_top)


def _seed2_body(u_ref, ids_ref, nbd_ref, su_ref, nbsel_ref):
    su_ref[...] = jnp.zeros((NP, WIDTH), jnp.float32)

    def body(i, carry):
        idx = ids_ref[i]
        su_ref[pl.ds(idx, 1), :] = u_ref[pl.ds(i, 1), :]
        nbsel_ref[pl.ds(i, 1), :] = nbd_ref[pl.ds(idx, 1), :]
        return carry

    lax.fori_loop(0, BATCH, body, 0)


def _seed2(u, ids, nbd):
    return pl.pallas_call(
        _seed2_body,
        in_specs=[
            pl.BlockSpec(memory_space=pltpu.VMEM),
            pl.BlockSpec(memory_space=pltpu.SMEM),
            pl.BlockSpec(memory_space=pltpu.VMEM),
        ],
        out_shape=(jax.ShapeDtypeStruct((NP, WIDTH), jnp.float32),
                   jax.ShapeDtypeStruct((BATCH, DEG), jnp.int32)),
    )(u, ids, nbd)


def _aggmax_all_body(tbl_hbm, nbdf_hbm, ids_hbm, out_hbm,
                     tbl_v, pos_v, nbd_v, out_v, ids_v, cb0):
    wid = lax.axis_index("s") * 2 + lax.axis_index("c")
    base = wid * ROWS_W
    pltpu.sync_copy(tbl_hbm, tbl_v)
    pltpu.sync_copy(ids_hbm, ids_v)
    nvalid = N_NODES * DEG - base * DEG

    @pl.when(nvalid >= ROWS_W * DEG)
    def _():
        pltpu.sync_copy(nbdf_hbm.at[pl.ds(base * DEG, ROWS_W * DEG)], nbd_v)

    @pl.when(nvalid < ROWS_W * DEG)
    def _():
        pltpu.sync_copy(
            nbdf_hbm.at[pl.ds(base * DEG, (N_NODES - (NW - 1) * ROWS_W) * DEG)],
            nbd_v.at[pl.ds(0, (N_NODES - (NW - 1) * ROWS_W) * DEG)])

    col = lax.iota(jnp.int32, LANES)

    def pos_init(i, carry):
        pos_v[pl.ds(i * LANES, LANES)] = jnp.full((LANES,), BATCH, jnp.int32)
        return carry

    lax.fori_loop(0, NP // LANES, pos_init, 0)

    def pos_fill(k, carry):
        vals = lax.broadcast(k * LANES, (LANES,)) + col
        plsc.store_scatter(pos_v.at[...], [ids_v[pl.ds(k * LANES, LANES)]], vals)
        return carry

    lax.fori_loop(0, BATCH // LANES, pos_fill, 0)

    nc = WIDTH // (2 * LANES)
    base_accs = tuple(
        plsc.bitcast(tbl_v[pl.ds(BATCH * (WIDTH // 2) + c * LANES, LANES)],
                     jnp.bfloat16)
        for c in range(nc))

    def node(j, carry):
        zero = jnp.zeros((LANES,), jnp.int32)
        nmax = jnp.full((LANES,), N_NODES - 1, jnp.int32)
        a0 = jnp.minimum(jnp.maximum(nbd_v[pl.ds(j * DEG, LANES)], zero), nmax)
        a1 = jnp.minimum(jnp.maximum(nbd_v[pl.ds(j * DEG + LANES, LANES)], zero), nmax)
        p0 = plsc.load_gather(pos_v.at[...], [a0])
        p1 = plsc.load_gather(pos_v.at[...], [a1])
        m0 = p0 < BATCH
        m1 = p1 < BATCH
        plsc.store_compressed(cb0.at[pl.ds(0, LANES)], p0, mask=m0)
        plsc.store_compressed(cb0.at[pl.ds(LANES, LANES)], p1, mask=m1)
        ntot = jnp.sum(m0.astype(jnp.int32) + m1.astype(jnp.int32))
        n0s = plsc.all_reduce_population_count(m0)
        accs = base_accs

        def body(k, accs):
            ks = lax.broadcast(k, (LANES,))
            ks = jnp.where(ks < n0s, ks, ks - n0s + LANES)
            row = plsc.load_gather(cb0.at[...], [ks])
            rb = row * (WIDTH // 2) + col
            return tuple(
                jnp.maximum(accs[c], plsc.bitcast(
                    plsc.load_gather(tbl_v.at[...], [rb + c * LANES]),
                    jnp.bfloat16))
                for c in range(nc))

        accs = lax.fori_loop(0, ntot, body, accs)
        for c in range(nc):
            out_v[pl.ds(j * (WIDTH // 2) + c * LANES, LANES)] = \
                plsc.bitcast(accs[c], jnp.int32)
        return carry

    lax.fori_loop(0, ROWS_W, node, 0)
    pltpu.sync_copy(out_v, out_hbm.at[pl.ds(base * (WIDTH // 2),
                                            ROWS_W * (WIDTH // 2))])


def _aggmax_all(tbl, nbdf, ids):
    return pl.kernel(
        _aggmax_all_body,
        out_type=jax.ShapeDtypeStruct((NP * (WIDTH // 2),), jnp.int32),
        mesh=plsc.VectorSubcoreMesh(core_axis_name="c", subcore_axis_name="s"),
        compiler_params=pltpu.CompilerParams(needs_layout_passes=False),
        scratch_types=[
            pltpu.VMEM((TROWS * (WIDTH // 2),), jnp.int32),
            pltpu.VMEM((NP,), jnp.int32),
            pltpu.VMEM((ROWS_W * DEG,), jnp.int32),
            pltpu.VMEM((ROWS_W * (WIDTH // 2),), jnp.int32),
            pltpu.VMEM((BATCH,), jnp.int32),
            pltpu.VMEM((2 * LANES,), jnp.int32),
        ],
    )(tbl, nbdf, ids)


def _mid_body(su_ref, agg_ref, wlbe_ref, wlbo_ref, blin_ref, wagg_ref,
              bagg_ref, h1_ref, msg1_ref):
    w = agg_ref[...]
    lo = lax.bitcast_convert_type(w << 16, jnp.float32)
    hi = lax.bitcast_convert_type(w & jnp.int32(-65536), jnp.float32)
    h = jnp.maximum(
        su_ref[...]
        + jnp.dot(lo, wlbe_ref[...], preferred_element_type=jnp.float32)
        + jnp.dot(hi, wlbo_ref[...], preferred_element_type=jnp.float32)
        + blin_ref[...], 0.0)
    nrm = jnp.sqrt(jnp.sum(h * h, axis=1, keepdims=True))
    h1 = h / jnp.maximum(nrm, 1e-12)
    h1_ref[...] = h1
    msg1_ref[...] = jnp.maximum(
        jnp.dot(h1, wagg_ref[...], preferred_element_type=jnp.float32)
        + bagg_ref[...], 0.0).T


def _mid(su, aggp2, Wlb_e, Wlb_o, b_lin2, W_agg, b_agg2):
    blk = 512
    return pl.pallas_call(
        _mid_body,
        grid=(NP // blk,),
        in_specs=[
            pl.BlockSpec((blk, WIDTH), lambda i: (i, 0)),
            pl.BlockSpec((blk, WIDTH // 2), lambda i: (i, 0)),
            pl.BlockSpec((WIDTH // 2, WIDTH), lambda i: (0, 0)),
            pl.BlockSpec((WIDTH // 2, WIDTH), lambda i: (0, 0)),
            pl.BlockSpec((1, WIDTH), lambda i: (0, 0)),
            pl.BlockSpec((WIDTH, WIDTH), lambda i: (0, 0)),
            pl.BlockSpec((1, WIDTH), lambda i: (0, 0)),
        ],
        out_specs=(pl.BlockSpec((blk, WIDTH), lambda i: (i, 0)),
                   pl.BlockSpec((WIDTH, blk), lambda i: (0, i))),
        out_shape=(jax.ShapeDtypeStruct((NP, WIDTH), jnp.float32),
                   jax.ShapeDtypeStruct((WIDTH, NP), jnp.float32)),
    )(su, aggp2, Wlb_e, Wlb_o, b_lin2, W_agg, b_agg2)


CPW = WIDTH // NW


def _layer2_body(msg1t_hbm, h1_hbm, nbt_hbm, ids_hbm, sel_out, aggt_out,
                 cols_v, nbt_v, outt_v, ids_v, sel_v, sem):
    wid = lax.axis_index("s") * 2 + lax.axis_index("c")
    pltpu.sync_copy(msg1t_hbm.at[pl.ds(wid * CPW, CPW)], cols_v)
    pltpu.sync_copy(nbt_hbm, nbt_v)
    pltpu.sync_copy(ids_hbm.at[pl.ds(wid * BPW, BPW)], ids_v)
    pltpu.async_copy(h1_hbm.at[ids_v], sel_v, sem).wait()
    pltpu.sync_copy(sel_v, sel_out.at[pl.ds(wid * BPW, BPW)])

    def group(g, carry):
        nbr = nbt_v[pl.ds(g * LANES, LANES)]
        accs = [plsc.load_gather(cols_v.at[...],
                                 [jnp.full((LANES,), c, jnp.int32), nbr])
                for c in range(CPW)]
        for r in range(1, DEG):
            nbr = nbt_v[pl.ds(r * BATCH + g * LANES, LANES)]
            for c in range(CPW):
                accs[c] = jnp.maximum(accs[c], plsc.load_gather(
                    cols_v.at[...],
                    [jnp.full((LANES,), c, jnp.int32), nbr]))
        for c in range(CPW):
            outt_v[pl.ds(c * BATCH + g * LANES, LANES)] = accs[c]
        return carry

    lax.fori_loop(0, BATCH // LANES, group, 0)
    pltpu.sync_copy(outt_v, aggt_out.at[pl.ds(wid * CPW * BATCH, CPW * BATCH)])


def _layer2(msg1t, h1, nbt, ids):
    return pl.kernel(
        _layer2_body,
        out_type=(jax.ShapeDtypeStruct((BATCH, WIDTH), jnp.float32),
                  jax.ShapeDtypeStruct((WIDTH * BATCH,), jnp.float32)),
        mesh=plsc.VectorSubcoreMesh(core_axis_name="c", subcore_axis_name="s"),
        compiler_params=pltpu.CompilerParams(needs_layout_passes=False),
        scratch_types=[
            pltpu.VMEM((CPW, NP), jnp.float32),
            pltpu.VMEM((DEG * BATCH,), jnp.int32),
            pltpu.VMEM((CPW * BATCH,), jnp.float32),
            pltpu.VMEM((BPW,), jnp.int32),
            pltpu.VMEM((BPW, WIDTH), jnp.float32),
            pltpu.SemaphoreType.DMA,
        ],
    )(msg1t, h1, nbt, ids)


def _head_body(sel_ref, aggt_ref, wltop_ref, wlbot_ref, blin_ref, out_ref):
    h = jnp.maximum(
        jnp.dot(sel_ref[...], wltop_ref[...], preferred_element_type=jnp.float32)
        + jnp.dot(aggt_ref[...].T, wlbot_ref[...],
                  preferred_element_type=jnp.float32)
        + blin_ref[...], 0.0)
    nrm = jnp.sqrt(jnp.sum(h * h, axis=1, keepdims=True))
    out_ref[...] = h / jnp.maximum(nrm, 1e-12)


def _head(sel, agg1, Wl_top, Wl_bot, b_lin2):
    return pl.pallas_call(
        _head_body,
        out_shape=jax.ShapeDtypeStruct((BATCH, WIDTH), jnp.float32),
    )(sel, agg1, Wl_top, Wl_bot, b_lin2)


def kernel(nbd, x, W_agg, b_agg, W_lin, b_lin):
    ids = x[:, 0].astype(jnp.int32)
    feats = x[:, 1:]
    Wl_top = W_lin[:WIDTH]
    Wl_bot = W_lin[WIDTH:]
    b_agg2 = b_agg.reshape(1, WIDTH)
    b_lin2 = b_lin.reshape(1, WIDTH)
    nbdf = nbd.reshape(-1)

    tbl, u = _seed1(feats, W_agg, b_agg2, Wl_top)
    aggp = _aggmax_all(tbl.reshape(-1), nbdf, ids)
    su, nbsel = _seed2(u, ids, nbd)
    h1, msg1t = _mid(su, aggp.reshape(NP, WIDTH // 2), Wl_bot[:WIDTH // 2],
                     Wl_bot[WIDTH // 2:], b_lin2, W_agg, b_agg2)
    nbt = nbsel.T.reshape(-1)
    sel, agg1t = _layer2(msg1t, h1, nbt, ids)
    return _head(sel, agg1t.reshape(WIDTH, BATCH), Wl_top, Wl_bot, b_lin2)

# --- scband reference (transcript-rebuilt; emitter-appended) ---
"""Pipeline reference for scband-graph-sage-10239202034211 (READ-ONLY COPY).

The authoritative reference and input builder live on the scoring server;
editing this copy changes nothing except your own understanding.
"""

import jax, jax.numpy as jnp
import numpy as np

N = 10000
DEG = 32
WIDTH = 128
BATCH = 1024
DEPTH = 2


def setup_inputs(seed: int = 0) -> dict:
    key = jax.random.key(seed)
    k1, k2, k3, k4, k5 = jax.random.split(key, 5)
    nbd = jax.random.randint(k1, (N, DEG), 0, N, dtype=jnp.int32)
    node_ids = jax.random.choice(k2, N, shape=(BATCH,), replace=False).astype(jnp.int32)
    feats = jax.random.normal(k3, (BATCH, WIDTH), dtype=jnp.float32)
    x = jnp.concatenate([node_ids.astype(jnp.float32)[:, None], feats], axis=1)
    # Shared parameters: nn.ModuleList([Linear]*depth) shares ONE Linear across layers.
    W_agg = jax.random.normal(k4, (WIDTH, WIDTH), dtype=jnp.float32) / np.sqrt(WIDTH)
    b_agg = jnp.zeros((WIDTH,), dtype=jnp.float32)
    W_lin = jax.random.normal(k5, (2 * WIDTH, WIDTH), dtype=jnp.float32) / np.sqrt(2 * WIDTH)
    b_lin = jnp.zeros((WIDTH,), dtype=jnp.float32)
    return {"nbd": nbd, "x": x, "W_agg": W_agg, "b_agg": b_agg, "W_lin": W_lin, "b_lin": b_lin}


def reference(nbd, x, W_agg, b_agg, W_lin, b_lin):
    # H^0: zeros for all graph nodes, batch rows overwritten with their features
    node_ids = x[:, 0].astype(jnp.int32)
    feats = x[:, 1:]
    n_nodes = nbd.shape[0]
    H = jnp.zeros((n_nodes, feats.shape[1]), dtype=x.dtype).at[node_ids].set(feats)
    for _ in range(DEPTH):
        # aggregator = ReLU(Linear(.)) applied to previous-layer states, then neighbor gather + max
        msg = jax.nn.relu(H @ W_agg + b_agg)            # [N, width]
        gathered = jnp.take(msg, nbd, axis=0)            # [N, deg, width]
        agg = jnp.max(gathered, axis=1)                  # [N, width]
        h = jax.nn.relu(jnp.concatenate([H, agg], axis=1) @ W_lin + b_lin)
        norm = jnp.linalg.norm(h, axis=1, keepdims=True)  # F.normalize(dim=0 on 1-D vec) == per-row L2
        H = h / jnp.maximum(norm, 1e-12)
    return jnp.take(H, node_ids, axis=0)

if __name__ == "__main__":
    import jax
    _d = setup_inputs()
    print(jax.jit(kernel)(*tuple(_d.values())))

</pallas_src>

<mosaic_0001>
#map = affine_map<(d0, d1) -> (0)>
module attributes {stable_mosaic.version = 14 : i64} {
  func.func @_aggmax_all_body(%arg0: i32, %arg1: i32, %arg2: memref<66048xi32, #tpu.memory_space<hbm>>, %arg3: memref<320000xi32, #tpu.memory_space<hbm>>, %arg4: memref<1024xi32, #tpu.memory_space<hbm>>, %arg5: memref<655360xi32, #tpu.memory_space<hbm>>, %arg6: memref<66048xi32, #tpu.memory_space<vmem>>, %arg7: memref<10240xi32, #tpu.memory_space<vmem>>, %arg8: memref<10240xi32, #tpu.memory_space<vmem>>, %arg9: memref<20480xi32, #tpu.memory_space<vmem>>, %arg10: memref<1024xi32, #tpu.memory_space<vmem>>, %arg11: memref<32xi32, #tpu.memory_space<vmem>>) attributes {dimension_semantics = [#tpu.dimension_semantics<core_parallel>, #tpu.dimension_semantics<subcore_parallel>], iteration_bounds = array<i64: 2, 16>, scalar_prefetch = 0 : i64, scratch_operands = 6 : i64, tpu.core_type = #tpu.core_type<sc_vector_subcore>, window_params = [{transform_indices = #map}, {transform_indices = #map}, {transform_indices = #map}, {transform_indices = #map}]} {
    %mul3A = arith.constant 2 : i32
    %mul3A_0 = arith.muli %arg1, %mul3A : i32
    %add3A = arith.addi %mul3A_0, %arg0 : i32
    %mul3A_1 = arith.constant 320 : i32
    %mul3A_2 = arith.muli %add3A, %mul3A_1 : i32
    "tpu.region"() ({
      %run_scoped3A = tpu.sem_alloc : memref<!tpu.dma_semaphore, #tpu.memory_space<semaphore_mem>>
      tpu.enqueue_dma source(%arg2 : memref<66048xi32, #tpu.memory_space<hbm>>) target(%arg6 : memref<66048xi32, #tpu.memory_space<vmem>>) target_semaphore(%run_scoped3A : memref<!tpu.dma_semaphore, #tpu.memory_space<semaphore_mem>>)
      tpu.wait_dma2 semaphore(%run_scoped3A : memref<!tpu.dma_semaphore, #tpu.memory_space<semaphore_mem>>) src(%arg2 : memref<66048xi32, #tpu.memory_space<hbm>>) dst(%arg6 : memref<66048xi32, #tpu.memory_space<vmem>>)
      tpu.yield
    }) : () -> ()
    "tpu.region"() ({
      %run_scoped3A = tpu.sem_alloc : memref<!tpu.dma_semaphore, #tpu.memory_space<semaphore_mem>>
      tpu.enqueue_dma source(%arg4 : memref<1024xi32, #tpu.memory_space<hbm>>) target(%arg10 : memref<1024xi32, #tpu.memory_space<vmem>>) target_semaphore(%run_scoped3A : memref<!tpu.dma_semaphore, #tpu.memory_space<semaphore_mem>>)
      tpu.wait_dma2 semaphore(%run_scoped3A : memref<!tpu.dma_semaphore, #tpu.memory_space<semaphore_mem>>) src(%arg4 : memref<1024xi32, #tpu.memory_space<hbm>>) dst(%arg10 : memref<1024xi32, #tpu.memory_space<vmem>>)
      tpu.yield
    }) : () -> ()
    %mul3A_3 = arith.constant 32 : i32
    %mul3A_4 = arith.muli %mul3A_2, %mul3A_3 : i32
    %sub3A = arith.constant 320000 : i32
    %sub3A_5 = arith.subi %sub3A, %mul3A_4 : i32
    %ge3A = arith.constant 10240 : i32
    %ge3A_6 = arith.cmpi sge, %sub3A_5, %ge3A : i32
    %convert_element_type3A = arith.extui %ge3A_6 : i1 to i32
    %cond3A = arith.constant 0 : i32
    %cond3A_7 = arith.cmpi ne, %convert_element_type3A, %cond3A : i32
    scf.if %cond3A_7 {
      %mul3A_41 = arith.constant 32 : i32
      %mul3A_42 = arith.muli %mul3A_2, %mul3A_41 : i32
      "tpu.region"() ({
        %run_scoped3A = tpu.sem_alloc : memref<!tpu.dma_semaphore, #tpu.memory_space<semaphore_mem>>
        %dma_start3A = tpu.memref_slice %arg3[%mul3A_42] : memref<320000xi32, #tpu.memory_space<hbm>> -> memref<10240xi32, #tpu.memory_space<hbm>>
        %dma_start3A_43 = tpu.memref_slice %arg3[%mul3A_42] : memref<320000xi32, #tpu.memory_space<hbm>> -> memref<10240xi32, #tpu.memory_space<hbm>>
        tpu.enqueue_dma source(%dma_start3A_43 : memref<10240xi32, #tpu.memory_space<hbm>>) target(%arg8 : memref<10240xi32, #tpu.memory_space<vmem>>) target_semaphore(%run_scoped3A : memref<!tpu.dma_semaphore, #tpu.memory_space<semaphore_mem>>)
        %dma_wait3A = tpu.memref_slice %arg3[%mul3A_42] : memref<320000xi32, #tpu.memory_space<hbm>> -> memref<10240xi32, #tpu.memory_space<hbm>>
        %dma_wait3A_44 = tpu.memref_slice %arg3[%mul3A_42] : memref<320000xi32, #tpu.memory_space<hbm>> -> memref<10240xi32, #tpu.memory_space<hbm>>
        tpu.wait_dma2 semaphore(%run_scoped3A : memref<!tpu.dma_semaphore, #tpu.memory_space<semaphore_mem>>) src(%dma_wait3A_44 : memref<10240xi32, #tpu.memory_space<hbm>>) dst(%arg8 : memref<10240xi32, #tpu.memory_space<vmem>>)
        tpu.yield
      }) : () -> ()
    } else {
    }
    %lt3A = arith.constant 10240 : i32
    %lt3A_8 = arith.cmpi slt, %sub3A_5, %lt3A : i32
    %convert_element_type3A_9 = arith.extui %lt3A_8 : i1 to i32
    %cond3A_10 = arith.constant 0 : i32
    %cond3A_11 = arith.cmpi ne, %convert_element_type3A_9, %cond3A_10 : i32
    scf.if %cond3A_11 {
      %mul3A_41 = arith.constant 32 : i32
      %mul3A_42 = arith.muli %mul3A_2, %mul3A_41 : i32
      "tpu.region"() ({
        %run_scoped3A = tpu.sem_alloc : memref<!tpu.dma_semaphore, #tpu.memory_space<semaphore_mem>>
        %dma_start3A = arith.constant 0 : i32
        %dma_start3A_43 = tpu.memref_slice %arg8[%dma_start3A] : memref<10240xi32, #tpu.memory_space<vmem>> -> memref<2560xi32, #tpu.memory_space<vmem>>
        %dma_start3A_44 = tpu.memref_slice %arg3[%mul3A_42] : memref<320000xi32, #tpu.memory_space<hbm>> -> memref<2560xi32, #tpu.memory_space<hbm>>
        %dma_start3A_45 = arith.constant 0 : i32
        %dma_start3A_46 = tpu.memref_slice %arg8[%dma_start3A_45] : memref<10240xi32, #tpu.memory_space<vmem>> -> memref<2560xi32, #tpu.memory_space<vmem>>
        %dma_start3A_47 = tpu.memref_slice %arg3[%mul3A_42] : memref<320000xi32, #tpu.memory_space<hbm>> -> memref<2560xi32, #tpu.memory_space<hbm>>
        tpu.enqueue_dma source(%dma_start3A_47 : memref<2560xi32, #tpu.memory_space<hbm>>) target(%dma_start3A_46 : memref<2560xi32, #tpu.memory_space<vmem>>) target_semaphore(%run_scoped3A : memref<!tpu.dma_semaphore, #tpu.memory_space<semaphore_mem>>)
        %dma_wait3A = arith.constant 0 : i32
        %dma_wait3A_48 = tpu.memref_slice %arg8[%dma_wait3A] : memref<10240xi32, #tpu.memory_space<vmem>> -> memref<2560xi32, #tpu.memory_space<vmem>>
        %dma_wait3A_49 = tpu.memref_slice %arg3[%mul3A_42] : memref<320000xi32, #tpu.memory_space<hbm>> -> memref<2560xi32, #tpu.memory_space<hbm>>
        %dma_wait3A_50 = arith.constant 0 : i32
        %dma_wait3A_51 = tpu.memref_slice %arg8[%dma_wait3A_50] : memref<10240xi32, #tpu.memory_space<vmem>> -> memref<2560xi32, #tpu.memory_space<vmem>>
        %dma_wait3A_52 = tpu.memref_slice %arg3[%mul3A_42] : memref<320000xi32, #tpu.memory_space<hbm>> -> memref<2560xi32, #tpu.memory_space<hbm>>
        tpu.wait_dma2 semaphore(%run_scoped3A : memref<!tpu.dma_semaphore, #tpu.memory_space<semaphore_mem>>) src(%dma_wait3A_52 : memref<2560xi32, #tpu.memory_space<hbm>>) dst(%dma_wait3A_51 : memref<2560xi32, #tpu.memory_space<vmem>>)
        tpu.yield
      }) : () -> ()
    } else {
    }
    %iota3A = tpu.iota {dimensions = array<i32: 0>} : vector<16xi32>
    %scan3A = arith.constant 0 : i32
    %scan3A_12 = arith.constant 0 : i32
    %scan3A_13 = arith.constant 640 : i32
    %scan3A_14 = arith.addi %scan3A_12, %scan3A_13 : i32
    %scan3A_15 = arith.constant 1 : i32
    scf.for %scan3A_41 = %scan3A_12 to %scan3A_14 step %scan3A_15  : i32 {
      %broadcast_in_dim3A = arith.constant 1024 : i32
      %broadcast_in_dim3A_42 = vector.broadcast %broadcast_in_dim3A : i32 to vector<16xi32>
      %mul3A_43 = arith.constant 16 : i32
      %mul3A_44 = arith.muli %scan3A_41, %mul3A_43 : i32
      %swap3A = arith.index_cast %mul3A_44 : i32 to index
      %swap3A_45 = tpu.vector_load %arg7[%swap3A] {strides = array<i32>} : memref<10240xi32, #tpu.memory_space<vmem>>, vector<16xi32>,
      tpu.vector_store %arg7[%swap3A], %broadcast_in_dim3A_42 {strides = array<i32>} : memref<10240xi32, #tpu.memory_space<vmem>>, vector<16xi32>,
    }
    %scan3A_16 = arith.constant 640 : i32
    %scan3A_17 = arith.constant 0 : i32
    %scan3A_18 = arith.constant 0 : i32
    %scan3A_19 = arith.constant 64 : i32
    %scan3A_20 = arith.addi %scan3A_18, %scan3A_19 : i32
    %scan3A_21 = arith.constant 1 : i32
    scf.for %scan3A_41 = %scan3A_18 to %scan3A_20 step %scan3A_21  : i32 {
      %mul3A_42 = arith.constant 16 : i32
      %mul3A_43 = arith.muli %scan3A_41, %mul3A_42 : i32
      %broadcast_in_dim3A = vector.broadcast %mul3A_43 : i32 to vector<16xi32>
      %add3A_44 = arith.addi %broadcast_in_dim3A, %iota3A : vector<16xi32>
      %mul3A_45 = arith.constant 16 : i32
      %mul3A_46 = arith.muli %scan3A_41, %mul3A_45 : i32
      %get3A_47 = arith.index_cast %mul3A_46 : i32 to index
      %get3A_48 = tpu.vector_load %arg10[%get3A_47] {strides = array<i32>} : memref<1024xi32, #tpu.memory_space<vmem>>, vector<16xi32>,
      %scatter3A = arith.constant 0 : i32
      %scatter3A_49 = tpu.memref_slice %arg7[%scatter3A] : memref<10240xi32, #tpu.memory_space<vmem>> -> memref<10240xi32, #tpu.memory_space<vmem>>
      tpu.vector_store_idx %scatter3A_49[%get3A_48], %add3A_44 : memref<10240xi32, #tpu.memory_space<vmem>>[vector<16xi32>], vector<16xi32>,
    }
    %scan3A_22 = arith.constant 64 : i32
    %get3A = arith.constant 65536 : index
    %get3A_23 = tpu.vector_load %arg6[%get3A] {strides = array<i32>} : memref<66048xi32, #tpu.memory_space<vmem>>, vector<16xi32>,
    %bitcast3A = vector.bitcast %get3A_23 : vector<16xi32> to vector<32xbf16>
    %get3A_24 = arith.constant 65552 : index
    %get3A_25 = tpu.vector_load %arg6[%get3A_24] {strides = array<i32>} : memref<66048xi32, #tpu.memory_space<vmem>>, vector<16xi32>,
    %bitcast3A_26 = vector.bitcast %get3A_25 : vector<16xi32> to vector<32xbf16>
    %get3A_27 = arith.constant 65568 : index
    %get3A_28 = tpu.vector_load %arg6[%get3A_27] {strides = array<i32>} : memref<66048xi32, #tpu.memory_space<vmem>>, vector<16xi32>,
    %bitcast3A_29 = vector.bitcast %get3A_28 : vector<16xi32> to vector<32xbf16>
    %get3A_30 = arith.constant 65584 : index
    %get3A_31 = tpu.vector_load %arg6[%get3A_30] {strides = array<i32>} : memref<66048xi32, #tpu.memory_space<vmem>>, vector<16xi32>,
    %bitcast3A_32 = vector.bitcast %get3A_31 : vector<16xi32> to vector<32xbf16>
    %scan3A_33 = arith.constant 0 : i32
    %scan3A_34 = arith.constant 0 : i32
    %scan3A_35 = arith.constant 320 : i32
    %scan3A_36 = arith.addi %scan3A_34, %scan3A_35 : i32
    %scan3A_37 = arith.constant 1 : i32
    scf.for %scan3A_41 = %scan3A_34 to %scan3A_36 step %scan3A_37  : i32 {
      %broadcast_in_dim3A = arith.constant 0 : i32
      %broadcast_in_dim3A_42 = vector.broadcast %broadcast_in_dim3A : i32 to vector<16xi32>
      %broadcast_in_dim3A_43 = arith.constant 9999 : i32
      %broadcast_in_dim3A_44 = vector.broadcast %broadcast_in_dim3A_43 : i32 to vector<16xi32>
      %mul3A_45 = arith.constant 32 : i32
      %mul3A_46 = arith.muli %scan3A_41, %mul3A_45 : i32
      %get3A_47 = arith.index_cast %mul3A_46 : i32 to index
      %get3A_48 = tpu.vector_load %arg8[%get3A_47] {strides = array<i32>} : memref<10240xi32, #tpu.memory_space<vmem>>, vector<16xi32>,
      %max3A = arith.maxsi %get3A_48, %broadcast_in_dim3A_42 : vector<16xi32>
      %min3A = arith.minsi %max3A, %broadcast_in_dim3A_44 : vector<16xi32>
      %mul3A_49 = arith.constant 32 : i32
      %mul3A_50 = arith.muli %scan3A_41, %mul3A_49 : i32
      %add3A_51 = arith.constant 16 : i32
      %add3A_52 = arith.addi %mul3A_50, %add3A_51 : i32
      %get3A_53 = arith.index_cast %add3A_52 : i32 to index
      %get3A_54 = tpu.vector_load %arg8[%get3A_53] {strides = array<i32>} : memref<10240xi32, #tpu.memory_space<vmem>>, vector<16xi32>,
      %max3A_55 = arith.maxsi %get3A_54, %broadcast_in_dim3A_42 : vector<16xi32>
      %min3A_56 = arith.minsi %max3A_55, %broadcast_in_dim3A_44 : vector<16xi32>
      %gather3A = arith.constant 0 : i32
      %gather3A_57 = tpu.memref_slice %arg7[%gather3A] : memref<10240xi32, #tpu.memory_space<vmem>> -> memref<10240xi32, #tpu.memory_space<vmem>>
      %gather3A_58 = tpu.vector_load_idx %gather3A_57[%min3A] : memref<10240xi32, #tpu.memory_space<vmem>>[vector<16xi32>], vector<16xi32>,
      %gather3A_59 = arith.constant 0 : i32
      %gather3A_60 = tpu.memref_slice %arg7[%gather3A_59] : memref<10240xi32, #tpu.memory_space<vmem>> -> memref<10240xi32, #tpu.memory_space<vmem>>
      %gather3A_61 = tpu.vector_load_idx %gather3A_60[%min3A_56] : memref<10240xi32, #tpu.memory_space<vmem>>[vector<16xi32>], vector<16xi32>,
      %lt3A_62 = arith.constant 1024 : i32
      %lt3A_63 = vector.broadcast %lt3A_62 : i32 to vector<16xi32>
      %lt3A_64 = arith.cmpi slt, %gather3A_58, %lt3A_63 : vector<16xi32>
      %lt3A_65 = arith.constant 1024 : i32
      %lt3A_66 = vector.broadcast %lt3A_65 : i32 to vector<16xi32>
      %lt3A_67 = arith.cmpi slt, %gather3A_61, %lt3A_66 : vector<16xi32>
      %swap3A = arith.constant 0 : index
      %swap3A_68 = tpu.vector_load %arg11[%swap3A] masked %lt3A_64 {strides = array<i32>} : memref<32xi32, #tpu.memory_space<vmem>>, vector<16xi32>, vector<16xi1>
      tpu.vector_store %arg11[%swap3A], %gather3A_58 masked %lt3A_64 {strides = array<i32>} : memref<32xi32, #tpu.memory_space<vmem>>, vector<16xi32>, vector<16xi1>
      %swap3A_69 = arith.constant 16 : index
      %swap3A_70 = tpu.vector_load %arg11[%swap3A_69] masked %lt3A_67 {strides = array<i32>} : memref<32xi32, #tpu.memory_space<vmem>>, vector<16xi32>, vector<16xi1>
      tpu.vector_store %arg11[%swap3A_69], %gather3A_61 masked %lt3A_67 {strides = array<i32>} : memref<32xi32, #tpu.memory_space<vmem>>, vector<16xi32>, vector<16xi1>
      %convert_element_type3A_71 = arith.extui %lt3A_64 : vector<16xi1> to vector<16xi32>
      %convert_element_type3A_72 = arith.extui %lt3A_67 : vector<16xi1> to vector<16xi32>
      %add3A_73 = arith.addi %convert_element_type3A_71, %convert_element_type3A_72 : vector<16xi32>
      %reduce_sum3A = arith.constant true
      %reduce_sum3A_74 = vector.broadcast %reduce_sum3A : i1 to vector<16xi1>
      %reduce_sum3A_75 = tpu.scan <sum>, %add3A_73 masked %reduce_sum3A_74 : vector<16xi32>, vector<16xi1> -> vector<16xi32>
      %reduce_sum3A_76 = vector.extract %reduce_sum3A_75[15] : i32 from vector<16xi32>
      %all_reduce_population_count3A = tpu.all_reduce %lt3A_64 {dim = 0 : i64, kind = #tpu.reduction_kind<sum>} : vector<16xi1> -> vector<16xi32>
      %while3A = arith.constant 0 : i32
      %while3A_77 = arith.subi %reduce_sum3A_76, %while3A : i32
      %while3A_78 = arith.addi %while3A, %while3A_77 : i32
      %while3A_79 = arith.constant 1 : i32
      %while3A_80 = arith.divsi %while3A_77, %while3A_79 : i32
      %while3A_81 = arith.muli %while3A_80, %while3A_79 : i32
      %while3A_82 = arith.addi %while3A, %while3A_81 : i32
      %while3A_83 = arith.constant 1 : i32
      %while3A_84:4 = scf.for %while3A_115 = %while3A to %while3A_82 step %while3A_83 iter_args(%while3A_116 = %bitcast3A, %while3A_117 = %bitcast3A_26, %while3A_118 = %bitcast3A_29, %while3A_119 = %bitcast3A_32) -> (vector<32xbf16>, vector<32xbf16>, vector<32xbf16>, vector<32xbf16>)  : i32 {
        %broadcast_in_dim3A_120 = vector.broadcast %while3A_115 : i32 to vector<16xi32>
        %lt3A_121 = arith.cmpi slt, %broadcast_in_dim3A_120, %all_reduce_population_count3A : vector<16xi32>
        %sub3A_122 = arith.subi %broadcast_in_dim3A_120, %all_reduce_population_count3A : vector<16xi32>
        %add3A_123 = arith.constant 16 : i32
        %add3A_124 = vector.broadcast %add3A_123 : i32 to vector<16xi32>
        %add3A_125 = arith.addi %sub3A_122, %add3A_124 : vector<16xi32>
        %select_n3A = arith.select %lt3A_121, %broadcast_in_dim3A_120, %add3A_125 : vector<16xi1>, vector<16xi32>
        %gather3A_126 = arith.constant 0 : i32
        %gather3A_127 = tpu.memref_slice %arg11[%gather3A_126] : memref<32xi32, #tpu.memory_space<vmem>> -> memref<32xi32, #tpu.memory_space<vmem>>
        %gather3A_128 = tpu.vector_load_idx %gather3A_127[%select_n3A] : memref<32xi32, #tpu.memory_space<vmem>>[vector<16xi32>], vector<16xi32>,
        %mul3A_129 = arith.constant 64 : i32
        %mul3A_130 = vector.broadcast %mul3A_129 : i32 to vector<16xi32>
        %mul3A_131 = arith.muli %gather3A_128, %mul3A_130 : vector<16xi32>
        %add3A_132 = arith.addi %mul3A_131, %iota3A : vector<16xi32>
        %add3A_133 = arith.constant 0 : i32
        %add3A_134 = vector.broadcast %add3A_133 : i32 to vector<16xi32>
        %add3A_135 = arith.addi %add3A_132, %add3A_134 : vector<16xi32>
        %gather3A_136 = arith.constant 0 : i32
        %gather3A_137 = tpu.memref_slice %arg6[%gather3A_136] : memref<66048xi32, #tpu.memory_space<vmem>> -> memref<66048xi32, #tpu.memory_space<vmem>>
        %gather3A_138 = tpu.vector_load_idx %gather3A_137[%add3A_135] : memref<66048xi32, #tpu.memory_space<vmem>>[vector<16xi32>], vector<16xi32>,
        %bitcast3A_139 = vector.bitcast %gather3A_138 : vector<16xi32> to vector<32xbf16>
        %max3A_140 = arith.maximumf %while3A_116, %bitcast3A_139 : vector<32xbf16>
        %add3A_141 = arith.constant 16 : i32
        %add3A_142 = vector.broadcast %add3A_141 : i32 to vector<16xi32>
        %add3A_143 = arith.addi %add3A_132, %add3A_142 : vector<16xi32>
        %gather3A_144 = arith.constant 0 : i32
        %gather3A_145 = tpu.memref_slice %arg6[%gather3A_144] : memref<66048xi32, #tpu.memory_space<vmem>> -> memref<66048xi32, #tpu.memory_space<vmem>>
        %gather3A_146 = tpu.vector_load_idx %gather3A_145[%add3A_143] : memref<66048xi32, #tpu.memory_space<vmem>>[vector<16xi32>], vector<16xi32>,
        %bitcast3A_147 = vector.bitcast %gather3A_146 : vector<16xi32> to vector<32xbf16>
        %max3A_148 = arith.maximumf %while3A_117, %bitcast3A_147 : vector<32xbf16>
        %add3A_149 = arith.constant 32 : i32
        %add3A_150 = vector.broadcast %add3A_149 : i32 to vector<16xi32>
        %add3A_151 = arith.addi %add3A_132, %add3A_150 : vector<16xi32>
        %gather3A_152 = arith.constant 0 : i32
        %gather3A_153 = tpu.memref_slice %arg6[%gather3A_152] : memref<66048xi32, #tpu.memory_space<vmem>> -> memref<66048xi32, #tpu.memory_space<vmem>>
        %gather3A_154 = tpu.vector_load_idx %gather3A_153[%add3A_151] : memref<66048xi32, #tpu.memory_space<vmem>>[vector<16xi32>], vector<16xi32>,
        %bitcast3A_155 = vector.bitcast %gather3A_154 : vector<16xi32> to vector<32xbf16>
        %max3A_156 = arith.maximumf %while3A_118, %bitcast3A_155 : vector<32xbf16>
        %add3A_157 = arith.constant 48 : i32
        %add3A_158 = vector.broadcast %add3A_157 : i32 to vector<16xi32>
        %add3A_159 = arith.addi %add3A_132, %add3A_158 : vector<16xi32>
        %gather3A_160 = arith.constant 0 : i32
        %gather3A_161 = tpu.memref_slice %arg6[%gather3A_160] : memref<66048xi32, #tpu.memory_space<vmem>> -> memref<66048xi32, #tpu.memory_space<vmem>>
        %gather3A_162 = tpu.vector_load_idx %gather3A_161[%add3A_159] : memref<66048xi32, #tpu.memory_space<vmem>>[vector<16xi32>], vector<16xi32>,
        %bitcast3A_163 = vector.bitcast %gather3A_162 : vector<16xi32> to vector<32xbf16>
        %max3A_164 = arith.maximumf %while3A_119, %bitcast3A_163 : vector<32xbf16>
        scf.yield %max3A_140, %max3A_148, %max3A_156, %max3A_164 : vector<32xbf16>, vector<32xbf16>, vector<32xbf16>, vector<32xbf16>
      }
      %while3A_85 = arith.constant 1 : i32
      %while3A_86:4 = scf.for %while3A_115 = %while3A_82 to %while3A_78 step %while3A_85 iter_args(%while3A_116 = %while3A_84#0, %while3A_117 = %while3A_84#1, %while3A_118 = %while3A_84#2, %while3A_119 = %while3A_84#3) -> (vector<32xbf16>, vector<32xbf16>, vector<32xbf16>, vector<32xbf16>)  : i32 {
        %broadcast_in_dim3A_120 = vector.broadcast %while3A_115 : i32 to vector<16xi32>
        %lt3A_121 = arith.cmpi slt, %broadcast_in_dim3A_120, %all_reduce_population_count3A : vector<16xi32>
        %sub3A_122 = arith.subi %broadcast_in_dim3A_120, %all_reduce_population_count3A : vector<16xi32>
        %add3A_123 = arith.constant 16 : i32
        %add3A_124 = vector.broadcast %add3A_123 : i32 to vector<16xi32>
        %add3A_125 = arith.addi %sub3A_122, %add3A_124 : vector<16xi32>
        %select_n3A = arith.select %lt3A_121, %broadcast_in_dim3A_120, %add3A_125 : vector<16xi1>, vector<16xi32>
        %gather3A_126 = arith.constant 0 : i32
        %gather3A_127 = tpu.memref_slice %arg11[%gather3A_126] : memref<32xi32, #tpu.memory_space<vmem>> -> memref<32xi32, #tpu.memory_space<vmem>>
        %gather3A_128 = tpu.vector_load_idx %gather3A_127[%select_n3A] : memref<32xi32, #tpu.memory_space<vmem>>[vector<16xi32>], vector<16xi32>,
        %mul3A_129 = arith.constant 64 : i32
        %mul3A_130 = vector.broadcast %mul3A_129 : i32 to vector<16xi32>
        %mul3A_131 = arith.muli %gather3A_128, %mul3A_130 : vector<16xi32>
        %add3A_132 = arith.addi %mul3A_131, %iota3A : vector<16xi32>
        %add3A_133 = arith.constant 0 : i32
        %add3A_134 = vector.broadcast %add3A_133 : i32 to vector<16xi32>
        %add3A_135 = arith.addi %add3A_132, %add3A_134 : vector<16xi32>
        %gather3A_136 = arith.constant 0 : i32
        %gather3A_137 = tpu.memref_slice %arg6[%gather3A_136] : memref<66048xi32, #tpu.memory_space<vmem>> -> memref<66048xi32, #tpu.memory_space<vmem>>
        %gather3A_138 = tpu.vector_load_idx %gather3A_137[%add3A_135] : memref<66048xi32, #tpu.memory_space<vmem>>[vector<16xi32>], vector<16xi32>,
        %bitcast3A_139 = vector.bitcast %gather3A_138 : vector<16xi32> to vector<32xbf16>
        %max3A_140 = arith.maximumf %while3A_116, %bitcast3A_139 : vector<32xbf16>
        %add3A_141 = arith.constant 16 : i32
        %add3A_142 = vector.broadcast %add3A_141 : i32 to vector<16xi32>
        %add3A_143 = arith.addi %add3A_132, %add3A_142 : vector<16xi32>
        %gather3A_144 = arith.constant 0 : i32
        %gather3A_145 = tpu.memref_slice %arg6[%gather3A_144] : memref<66048xi32, #tpu.memory_space<vmem>> -> memref<66048xi32, #tpu.memory_space<vmem>>
        %gather3A_146 = tpu.vector_load_idx %gather3A_145[%add3A_143] : memref<66048xi32, #tpu.memory_space<vmem>>[vector<16xi32>], vector<16xi32>,
        %bitcast3A_147 = vector.bitcast %gather3A_146 : vector<16xi32> to vector<32xbf16>
        %max3A_148 = arith.maximumf %while3A_117, %bitcast3A_147 : vector<32xbf16>
        %add3A_149 = arith.constant 32 : i32
        %add3A_150 = vector.broadcast %add3A_149 : i32 to vector<16xi32>
        %add3A_151 = arith.addi %add3A_132, %add3A_150 : vector<16xi32>
        %gather3A_152 = arith.constant 0 : i32
        %gather3A_153 = tpu.memref_slice %arg6[%gather3A_152] : memref<66048xi32, #tpu.memory_space<vmem>> -> memref<66048xi32, #tpu.memory_space<vmem>>
        %gather3A_154 = tpu.vector_load_idx %gather3A_153[%add3A_151] : memref<66048xi32, #tpu.memory_space<vmem>>[vector<16xi32>], vector<16xi32>,
        %bitcast3A_155 = vector.bitcast %gather3A_154 : vector<16xi32> to vector<32xbf16>
        %max3A_156 = arith.maximumf %while3A_118, %bitcast3A_155 : vector<32xbf16>
        %add3A_157 = arith.constant 48 : i32
        %add3A_158 = vector.broadcast %add3A_157 : i32 to vector<16xi32>
        %add3A_159 = arith.addi %add3A_132, %add3A_158 : vector<16xi32>
        %gather3A_160 = arith.constant 0 : i32
        %gather3A_161 = tpu.memref_slice %arg6[%gather3A_160] : memref<66048xi32, #tpu.memory_space<vmem>> -> memref<66048xi32, #tpu.memory_space<vmem>>
        %gather3A_162 = tpu.vector_load_idx %gather3A_161[%add3A_159] : memref<66048xi32, #tpu.memory_space<vmem>>[vector<16xi32>], vector<16xi32>,
        %bitcast3A_163 = vector.bitcast %gather3A_162 : vector<16xi32> to vector<32xbf16>
        %max3A_164 = arith.maximumf %while3A_119, %bitcast3A_163 : vector<32xbf16>
        scf.yield %max3A_140, %max3A_148, %max3A_156, %max3A_164 : vector<32xbf16>, vector<32xbf16>, vector<32xbf16>, vector<32xbf16>
      }
      %bitcast3A_87 = vector.bitcast %while3A_86#0 : vector<32xbf16> to vector<16xi32>
      %mul3A_88 = arith.constant 64 : i32
      %mul3A_89 = arith.muli %scan3A_41, %mul3A_88 : i32
      %add3A_90 = arith.constant 0 : i32
      %add3A_91 = arith.addi %mul3A_89, %add3A_90 : i32
      %swap3A_92 = arith.index_cast %add3A_91 : i32 to index
      %swap3A_93 = tpu.vector_load %arg9[%swap3A_92] {strides = array<i32>} : memref<20480xi32, #tpu.memory_space<vmem>>, vector<16xi32>,
      tpu.vector_store %arg9[%swap3A_92], %bitcast3A_87 {strides = array<i32>} : memref<20480xi32, #tpu.memory_space<vmem>>, vector<16xi32>,
      %bitcast3A_94 = vector.bitcast %while3A_86#1 : vector<32xbf16> to vector<16xi32>
      %mul3A_95 = arith.constant 64 : i32
      %mul3A_96 = arith.muli %scan3A_41, %mul3A_95 : i32
      %add3A_97 = arith.constant 16 : i32
      %add3A_98 = arith.addi %mul3A_96, %add3A_97 : i32
      %swap3A_99 = arith.index_cast %add3A_98 : i32 to index
      %swap3A_100 = tpu.vector_load %arg9[%swap3A_99] {strides = array<i32>} : memref<20480xi32, #tpu.memory_space<vmem>>, vector<16xi32>,
      tpu.vector_store %arg9[%swap3A_99], %bitcast3A_94 {strides = array<i32>} : memref<20480xi32, #tpu.memory_space<vmem>>, vector<16xi32>,
      %bitcast3A_101 = vector.bitcast %while3A_86#2 : vector<32xbf16> to vector<16xi32>
      %mul3A_102 = arith.constant 64 : i32
      %mul3A_103 = arith.muli %scan3A_41, %mul3A_102 : i32
      %add3A_104 = arith.constant 32 : i32
      %add3A_105 = arith.addi %mul3A_103, %add3A_104 : i32
      %swap3A_106 = arith.index_cast %add3A_105 : i32 to index
      %swap3A_107 = tpu.vector_load %arg9[%swap3A_106] {strides = array<i32>} : memref<20480xi32, #tpu.memory_space<vmem>>, vector<16xi32>,
      tpu.vector_store %arg9[%swap3A_106], %bitcast3A_101 {strides = array<i32>} : memref<20480xi32, #tpu.memory_space<vmem>>, vector<16xi32>,
      %bitcast3A_108 = vector.bitcast %while3A_86#3 : vector<32xbf16> to vector<16xi32>
      %mul3A_109 = arith.constant 64 : i32
      %mul3A_110 = arith.muli %scan3A_41, %mul3A_109 : i32
      %add3A_111 = arith.constant 48 : i32
      %add3A_112 = arith.addi %mul3A_110, %add3A_111 : i32
      %swap3A_113 = arith.index_cast %add3A_112 : i32 to index
      %swap3A_114 = tpu.vector_load %arg9[%swap3A_113] {strides = array<i32>} : memref<20480xi32, #tpu.memory_space<vmem>>, vector<16xi32>,
      tpu.vector_store %arg9[%swap3A_113], %bitcast3A_108 {strides = array<i32>} : memref<20480xi32, #tpu.memory_space<vmem>>, vector<16xi32>,
    }
    %scan3A_38 = arith.constant 320 : i32
    %mul3A_39 = arith.constant 64 : i32
    %mul3A_40 = arith.muli %mul3A_2, %mul3A_39 : i32
    "tpu.region"() ({
      %run_scoped3A = tpu.sem_alloc : memref<!tpu.dma_semaphore, #tpu.memory_space<semaphore_mem>>
      %dma_start3A = tpu.memref_slice %arg5[%mul3A_40] : memref<655360xi32, #tpu.memory_space<hbm>> -> memref<20480xi32, #tpu.memory_space<hbm>>
      %dma_start3A_41 = tpu.memref_slice %arg5[%mul3A_40] : memref<655360xi32, #tpu.memory_space<hbm>> -> memref<20480xi32, #tpu.memory_space<hbm>>
      tpu.enqueue_dma source(%arg9 : memref<20480xi32, #tpu.memory_space<vmem>>) target(%dma_start3A_41 : memref<20480xi32, #tpu.memory_space<hbm>>) target_semaphore(%run_scoped3A : memref<!tpu.dma_semaphore, #tpu.memory_space<semaphore_mem>>)
      %dma_wait3A = tpu.memref_slice %arg5[%mul3A_40] : memref<655360xi32, #tpu.memory_space<hbm>> -> memref<20480xi32, #tpu.memory_space<hbm>>
      %dma_wait3A_42 = tpu.memref_slice %arg5[%mul3A_40] : memref<655360xi32, #tpu.memory_space<hbm>> -> memref<20480xi32, #tpu.memory_space<hbm>>
      tpu.wait_dma2 semaphore(%run_scoped3A : memref<!tpu.dma_semaphore, #tpu.memory_space<semaphore_mem>>) src(%arg9 : memref<20480xi32, #tpu.memory_space<vmem>>) dst(%dma_wait3A_42 : memref<20480xi32, #tpu.memory_space<hbm>>)
      tpu.yield
    }) : () -> ()
    return
  }
}

#map = affine_map<(d0, d1) -> (0, 0)>
#map1 = affine_map<(d0, d1) -> (0)>
module attributes {stable_mosaic.version = 14 : i64} {
  func.func @_layer2_body(%arg0: i32, %arg1: i32, %arg2: memref<128x10240xf32, #tpu.memory_space<hbm>>, %arg3: memref<10240x128xf32, #tpu.memory_space<hbm>>, %arg4: memref<32768xi32, #tpu.memory_space<hbm>>, %arg5: memref<1024xi32, #tpu.memory_space<hbm>>, %arg6: memref<1024x128xf32, #tpu.memory_space<hbm>>, %arg7: memref<131072xf32, #tpu.memory_space<hbm>>, %arg8: memref<4x10240xf32, #tpu.memory_space<vmem>>, %arg9: memref<32768xi32, #tpu.memory_space<vmem>>, %arg10: memref<4096xf32, #tpu.memory_space<vmem>>, %arg11: memref<32xi32, #tpu.memory_space<vmem>>, %arg12: memref<32x128xf32, #tpu.memory_space<vmem>>, %arg13: memref<!tpu.dma_semaphore, #tpu.memory_space<semaphore_mem>>) attributes {dimension_semantics = [#tpu.dimension_semantics<core_parallel>, #tpu.dimension_semantics<subcore_parallel>], iteration_bounds = array<i64: 2, 16>, scalar_prefetch = 0 : i64, scratch_operands = 6 : i64, tpu.core_type = #tpu.core_type<sc_vector_subcore>, window_params = [{transform_indices = #map}, {transform_indices = #map}, {transform_indices = #map1}, {transform_indices = #map1}, {transform_indices = #map}, {transform_indices = #map1}]} {
    %mul3A = arith.constant 2 : i32
    %mul3A_0 = arith.muli %arg1, %mul3A : i32
    %add3A = arith.addi %mul3A_0, %arg0 : i32
    %mul3A_1 = arith.constant 4 : i32
    %mul3A_2 = arith.muli %add3A, %mul3A_1 : i32
    "tpu.region"() ({
      %run_scoped3A = tpu.sem_alloc : memref<!tpu.dma_semaphore, #tpu.memory_space<semaphore_mem>>
      %dma_start3A_20 = arith.constant 0 : i32
      %dma_start3A_21 = tpu.memref_slice %arg2[%mul3A_2, %dma_start3A_20] : memref<128x10240xf32, #tpu.memory_space<hbm>> -> memref<4x10240xf32, #tpu.memory_space<hbm>>
      %dma_start3A_22 = arith.constant 0 : i32
      %dma_start3A_23 = tpu.memref_slice %arg2[%mul3A_2, %dma_start3A_22] : memref<128x10240xf32, #tpu.memory_space<hbm>> -> memref<4x10240xf32, #tpu.memory_space<hbm>>
      tpu.enqueue_dma source(%dma_start3A_23 : memref<4x10240xf32, #tpu.memory_space<hbm>>) target(%arg8 : memref<4x10240xf32, #tpu.memory_space<vmem>>) target_semaphore(%run_scoped3A : memref<!tpu.dma_semaphore, #tpu.memory_space<semaphore_mem>>)
      %dma_wait3A_24 = arith.constant 0 : i32
      %dma_wait3A_25 = tpu.memref_slice %arg2[%mul3A_2, %dma_wait3A_24] : memref<128x10240xf32, #tpu.memory_space<hbm>> -> memref<4x10240xf32, #tpu.memory_space<hbm>>
      %dma_wait3A_26 = arith.constant 0 : i32
      %dma_wait3A_27 = tpu.memref_slice %arg2[%mul3A_2, %dma_wait3A_26] : memref<128x10240xf32, #tpu.memory_space<hbm>> -> memref<4x10240xf32, #tpu.memory_space<hbm>>
      tpu.wait_dma2 semaphore(%run_scoped3A : memref<!tpu.dma_semaphore, #tpu.memory_space<semaphore_mem>>) src(%dma_wait3A_27 : memref<4x10240xf32, #tpu.memory_space<hbm>>) dst(%arg8 : memref<4x10240xf32, #tpu.memory_space<vmem>>)
      tpu.yield
    }) : () -> ()
    "tpu.region"() ({
      %run_scoped3A = tpu.sem_alloc : memref<!tpu.dma_semaphore, #tpu.memory_space<semaphore_mem>>
      tpu.enqueue_dma source(%arg4 : memref<32768xi32, #tpu.memory_space<hbm>>) target(%arg9 : memref<32768xi32, #tpu.memory_space<vmem>>) target_semaphore(%run_scoped3A : memref<!tpu.dma_semaphore, #tpu.memory_space<semaphore_mem>>)
      tpu.wait_dma2 semaphore(%run_scoped3A : memref<!tpu.dma_semaphore, #tpu.memory_space<semaphore_mem>>) src(%arg4 : memref<32768xi32, #tpu.memory_space<hbm>>) dst(%arg9 : memref<32768xi32, #tpu.memory_space<vmem>>)
      tpu.yield
    }) : () -> ()
    %mul3A_3 = arith.constant 32 : i32
    %mul3A_4 = arith.muli %add3A, %mul3A_3 : i32
    "tpu.region"() ({
      %run_scoped3A = tpu.sem_alloc : memref<!tpu.dma_semaphore, #tpu.memory_space<semaphore_mem>>
      %dma_start3A_20 = tpu.memref_slice %arg5[%mul3A_4] : memref<1024xi32, #tpu.memory_space<hbm>> -> memref<32xi32, #tpu.memory_space<hbm>>
      %dma_start3A_21 = tpu.memref_slice %arg5[%mul3A_4] : memref<1024xi32, #tpu.memory_space<hbm>> -> memref<32xi32, #tpu.memory_space<hbm>>
      tpu.enqueue_dma source(%dma_start3A_21 : memref<32xi32, #tpu.memory_space<hbm>>) target(%arg11 : memref<32xi32, #tpu.memory_space<vmem>>) target_semaphore(%run_scoped3A : memref<!tpu.dma_semaphore, #tpu.memory_space<semaphore_mem>>)
      %dma_wait3A_22 = tpu.memref_slice %arg5[%mul3A_4] : memref<1024xi32, #tpu.memory_space<hbm>> -> memref<32xi32, #tpu.memory_space<hbm>>
      %dma_wait3A_23 = tpu.memref_slice %arg5[%mul3A_4] : memref<1024xi32, #tpu.memory_space<hbm>> -> memref<32xi32, #tpu.memory_space<hbm>>
      tpu.wait_dma2 semaphore(%run_scoped3A : memref<!tpu.dma_semaphore, #tpu.memory_space<semaphore_mem>>) src(%dma_wait3A_23 : memref<32xi32, #tpu.memory_space<hbm>>) dst(%arg11 : memref<32xi32, #tpu.memory_space<vmem>>)
      tpu.yield
    }) : () -> ()
    %dma_start3A = arith.constant 0 : i32
    %dma_start3A_5 = arith.constant 0 : i32
    %dma_start3A_6 = tpu.memref_slice %arg3[%dma_start3A, %dma_start3A_5] : memref<10240x128xf32, #tpu.memory_space<hbm>> -> memref<10240x128xf32, #tpu.memory_space<hbm>>
    tpu.enqueue_indirect_dma source(%dma_start3A_6 : memref<10240x128xf32, #tpu.memory_space<hbm>>) target(%arg12 : memref<32x128xf32, #tpu.memory_space<vmem>>) offsets(%arg11 : memref<32xi32, #tpu.memory_space<vmem>>) semaphore(%arg13 : memref<!tpu.dma_semaphore, #tpu.memory_space<semaphore_mem>>)
    %dma_wait3A = arith.constant 0 : i32
    %dma_wait3A_7 = arith.constant 0 : i32
    %dma_wait3A_8 = tpu.memref_slice %arg3[%dma_wait3A, %dma_wait3A_7] : memref<10240x128xf32, #tpu.memory_space<hbm>> -> memref<10240x128xf32, #tpu.memory_space<hbm>>
    tpu.wait_indirect_dma semaphore(%arg13 : memref<!tpu.dma_semaphore, #tpu.memory_space<semaphore_mem>>) src(%dma_wait3A_8 : memref<10240x128xf32, #tpu.memory_space<hbm>>) dst(%arg12 : memref<32x128xf32, #tpu.memory_space<vmem>>)
    %mul3A_9 = arith.constant 32 : i32
    %mul3A_10 = arith.muli %add3A, %mul3A_9 : i32
    "tpu.region"() ({
      %run_scoped3A = tpu.sem_alloc : memref<!tpu.dma_semaphore, #tpu.memory_space<semaphore_mem>>
      %dma_start3A_20 = arith.constant 0 : i32
      %dma_start3A_21 = tpu.memref_slice %arg6[%mul3A_10, %dma_start3A_20] : memref<1024x128xf32, #tpu.memory_space<hbm>> -> memref<32x128xf32, #tpu.memory_space<hbm>>
      %dma_start3A_22 = arith.constant 0 : i32
      %dma_start3A_23 = tpu.memref_slice %arg6[%mul3A_10, %dma_start3A_22] : memref<1024x128xf32, #tpu.memory_space<hbm>> -> memref<32x128xf32, #tpu.memory_space<hbm>>
      tpu.enqueue_dma source(%arg12 : memref<32x128xf32, #tpu.memory_space<vmem>>) target(%dma_start3A_23 : memref<32x128xf32, #tpu.memory_space<hbm>>) target_semaphore(%run_scoped3A : memref<!tpu.dma_semaphore, #tpu.memory_space<semaphore_mem>>)
      %dma_wait3A_24 = arith.constant 0 : i32
      %dma_wait3A_25 = tpu.memref_slice %arg6[%mul3A_10, %dma_wait3A_24] : memref<1024x128xf32, #tpu.memory_space<hbm>> -> memref<32x128xf32, #tpu.memory_space<hbm>>
      %dma_wait3A_26 = arith.constant 0 : i32
      %dma_wait3A_27 = tpu.memref_slice %arg6[%mul3A_10, %dma_wait3A_26] : memref<1024x128xf32, #tpu.memory_space<hbm>> -> memref<32x128xf32, #tpu.memory_space<hbm>>
      tpu.wait_dma2 semaphore(%run_scoped3A : memref<!tpu.dma_semaphore, #tpu.memory_space<semaphore_mem>>) src(%arg12 : memref<32x128xf32, #tpu.memory_space<vmem>>) dst(%dma_wait3A_27 : memref<32x128xf32, #tpu.memory_space<hbm>>)
      tpu.yield
    }) : () -> ()
    %scan3A = arith.constant 0 : i32
    %scan3A_11 = arith.constant 0 : i32
    %scan3A_12 = arith.constant 64 : i32
    %scan3A_13 = arith.addi %scan3A_11, %scan3A_12 : i32
    %scan3A_14 = arith.constant 1 : i32
    scf.for %scan3A_20 = %scan3A_11 to %scan3A_13 step %scan3A_14  : i32 {
      %mul3A_21 = arith.constant 16 : i32
      %mul3A_22 = arith.muli %scan3A_20, %mul3A_21 : i32
      %get3A = arith.index_cast %mul3A_22 : i32 to index
      %get3A_23 = tpu.vector_load %arg9[%get3A] {strides = array<i32>} : memref<32768xi32, #tpu.memory_space<vmem>>, vector<16xi32>,
      %broadcast_in_dim3A = arith.constant 0 : i32
      %broadcast_in_dim3A_24 = vector.broadcast %broadcast_in_dim3A : i32 to vector<16xi32>
      %gather3A = arith.constant 0 : i32
      %gather3A_25 = arith.constant 0 : i32
      %gather3A_26 = tpu.memref_slice %arg8[%gather3A, %gather3A_25] : memref<4x10240xf32, #tpu.memory_space<vmem>> -> memref<4x10240xf32, #tpu.memory_space<vmem>>
      %gather3A_27 = tpu.vector_load_idx %gather3A_26[%broadcast_in_dim3A_24, %get3A_23] : memref<4x10240xf32, #tpu.memory_space<vmem>>[vector<16xi32>, vector<16xi32>], vector<16xf32>,
      %broadcast_in_dim3A_28 = arith.constant 1 : i32
      %broadcast_in_dim3A_29 = vector.broadcast %broadcast_in_dim3A_28 : i32 to vector<16xi32>
      %gather3A_30 = arith.constant 0 : i32
      %gather3A_31 = arith.constant 0 : i32
      %gather3A_32 = tpu.memref_slice %arg8[%gather3A_30, %gather3A_31] : memref<4x10240xf32, #tpu.memory_space<vmem>> -> memref<4x10240xf32, #tpu.memory_space<vmem>>
      %gather3A_33 = tpu.vector_load_idx %gather3A_32[%broadcast_in_dim3A_29, %get3A_23] : memref<4x10240xf32, #tpu.memory_space<vmem>>[vector<16xi32>, vector<16xi32>], vector<16xf32>,
      %broadcast_in_dim3A_34 = arith.constant 2 : i32
      %broadcast_in_dim3A_35 = vector.broadcast %broadcast_in_dim3A_34 : i32 to vector<16xi32>
      %gather3A_36 = arith.constant 0 : i32
      %gather3A_37 = arith.constant 0 : i32
      %gather3A_38 = tpu.memref_slice %arg8[%gather3A_36, %gather3A_37] : memref<4x10240xf32, #tpu.memory_space<vmem>> -> memref<4x10240xf32, #tpu.memory_space<vmem>>
      %gather3A_39 = tpu.vector_load_idx %gather3A_38[%broadcast_in_dim3A_35, %get3A_23] : memref<4x10240xf32, #tpu.memory_space<vmem>>[vector<16xi32>, vector<16xi32>], vector<16xf32>,
      %broadcast_in_dim3A_40 = arith.constant 3 : i32
      %broadcast_in_dim3A_41 = vector.broadcast %broadcast_in_dim3A_40 : i32 to vector<16xi32>
      %gather3A_42 = arith.constant 0 : i32
      %gather3A_43 = arith.constant 0 : i32
      %gather3A_44 = tpu.memref_slice %arg8[%gather3A_42, %gather3A_43] : memref<4x10240xf32, #tpu.memory_space<vmem>> -> memref<4x10240xf32, #tpu.memory_space<vmem>>
      %gather3A_45 = tpu.vector_load_idx %gather3A_44[%broadcast_in_dim3A_41, %get3A_23] : memref<4x10240xf32, #tpu.memory_space<vmem>>[vector<16xi32>, vector<16xi32>], vector<16xf32>,
      %mul3A_46 = arith.constant 16 : i32
      %mul3A_47 = arith.muli %scan3A_20, %mul3A_46 : i32
      %add3A_48 = arith.constant 1024 : i32
      %add3A_49 = arith.addi %add3A_48, %mul3A_47 : i32
      %get3A_50 = arith.index_cast %add3A_49 : i32 to index
      %get3A_51 = tpu.vector_load %arg9[%get3A_50] {strides = array<i32>} : memref<32768xi32, #tpu.memory_space<vmem>>, vector<16xi32>,
      %broadcast_in_dim3A_52 = arith.constant 0 : i32
      %broadcast_in_dim3A_53 = vector.broadcast %broadcast_in_dim3A_52 : i32 to vector<16xi32>
      %gather3A_54 = arith.constant 0 : i32
      %gather3A_55 = arith.constant 0 : i32
      %gather3A_56 = tpu.memref_slice %arg8[%gather3A_54, %gather3A_55] : memref<4x10240xf32, #tpu.memory_space<vmem>> -> memref<4x10240xf32, #tpu.memory_space<vmem>>
      %gather3A_57 = tpu.vector_load_idx %gather3A_56[%broadcast_in_dim3A_53, %get3A_51] : memref<4x10240xf32, #tpu.memory_space<vmem>>[vector<16xi32>, vector<16xi32>], vector<16xf32>,
      %max3A = arith.maximumf %gather3A_27, %gather3A_57 : vector<16xf32>
      %broadcast_in_dim3A_58 = arith.constant 1 : i32
      %broadcast_in_dim3A_59 = vector.broadcast %broadcast_in_dim3A_58 : i32 to vector<16xi32>
      %gather3A_60 = arith.constant 0 : i32
      %gather3A_61 = arith.constant 0 : i32
      %gather3A_62 = tpu.memref_slice %arg8[%gather3A_60, %gather3A_61] : memref<4x10240xf32, #tpu.memory_space<vmem>> -> memref<4x10240xf32, #tpu.memory_space<vmem>>
      %gather3A_63 = tpu.vector_load_idx %gather3A_62[%broadcast_in_dim3A_59, %get3A_51] : memref<4x10240xf32, #tpu.memory_space<vmem>>[vector<16xi32>, vector<16xi32>], vector<16xf32>,
      %max3A_64 = arith.maximumf %gather3A_33, %gather3A_63 : vector<16xf32>
      %broadcast_in_dim3A_65 = arith.constant 2 : i32
      %broadcast_in_dim3A_66 = vector.broadcast %broadcast_in_dim3A_65 : i32 to vector<16xi32>
      %gather3A_67 = arith.constant 0 : i32
      %gather3A_68 = arith.constant 0 : i32
      %gather3A_69 = tpu.memref_slice %arg8[%gather3A_67, %gather3A_68] : memref<4x10240xf32, #tpu.memory_space<vmem>> -> memref<4x10240xf32, #tpu.memory_space<vmem>>
      %gather3A_70 = tpu.vector_load_idx %gather3A_69[%broadcast_in_dim3A_66, %get3A_51] : memref<4x10240xf32, #tpu.memory_space<vmem>>[vector<16xi32>, vector<16xi32>], vector<16xf32>,
      %max3A_71 = arith.maximumf %gather3A_39, %gather3A_70 : vector<16xf32>
      %broadcast_in_dim3A_72 = arith.constant 3 : i32
      %broadcast_in_dim3A_73 = vector.broadcast %broadcast_in_dim3A_72 : i32 to vector<16xi32>
      %gather3A_74 = arith.constant 0 : i32
      %gather3A_75 = arith.constant 0 : i32
      %gather3A_76 = tpu.memref_slice %arg8[%gather3A_74, %gather3A_75] : memref<4x10240xf32, #tpu.memory_space<vmem>> -> memref<4x10240xf32, #tpu.memory_space<vmem>>
      %gather3A_77 = tpu.vector_load_idx %gather3A_76[%broadcast_in_dim3A_73, %get3A_51] : memref<4x10240xf32, #tpu.memory_space<vmem>>[vector<16xi32>, vector<16xi32>], vector<16xf32>,
      %max3A_78 = arith.maximumf %gather3A_45, %gather3A_77 : vector<16xf32>
      %mul3A_79 = arith.constant 16 : i32
      %mul3A_80 = arith.muli %scan3A_20, %mul3A_79 : i32
      %add3A_81 = arith.constant 2048 : i32
      %add3A_82 = arith.addi %add3A_81, %mul3A_80 : i32
      %get3A_83 = arith.index_cast %add3A_82 : i32 to index
      %get3A_84 = tpu.vector_load %arg9[%get3A_83] {strides = array<i32>} : memref<32768xi32, #tpu.memory_space<vmem>>, vector<16xi32>,
      %broadcast_in_dim3A_85 = arith.constant 0 : i32
      %broadcast_in_dim3A_86 = vector.broadcast %broadcast_in_dim3A_85 : i32 to vector<16xi32>
      %gather3A_87 = arith.constant 0 : i32
      %gather3A_88 = arith.constant 0 : i32
      %gather3A_89 = tpu.memref_slice %arg8[%gather3A_87, %gather3A_88] : memref<4x10240xf32, #tpu.memory_space<vmem>> -> memref<4x10240xf32, #tpu.memory_space<vmem>>
      %gather3A_90 = tpu.vector_load_idx %gather3A_89[%broadcast_in_dim3A_86, %get3A_84] : memref<4x10240xf32, #tpu.memory_space<vmem>>[vector<16xi32>, vector<16xi32>], vector<16xf32>,
      %max3A_91 = arith.maximumf %max3A, %gather3A_90 : vector<16xf32>
      %broadcast_in_dim3A_92 = arith.constant 1 : i32
      %broadcast_in_dim3A_93 = vector.broadcast %broadcast_in_dim3A_92 : i32 to vector<16xi32>
      %gather3A_94 = arith.constant 0 : i32
      %gather3A_95 = arith.constant 0 : i32
      %gather3A_96 = tpu.memref_slice %arg8[%gather3A_94, %gather3A_95] : memref<4x10240xf32, #tpu.memory_space<vmem>> -> memref<4x10240xf32, #tpu.memory_space<vmem>>
      %gather3A_97 = tpu.vector_load_idx %gather3A_96[%broadcast_in_dim3A_93, %get3A_84] : memref<4x10240xf32, #tpu.memory_space<vmem>>[vector<16xi32>, vector<16xi32>], vector<16xf32>,
      %max3A_98 = arith.maximumf %max3A_64, %gather3A_97 : vector<16xf32>
      %broadcast_in_dim3A_99 = arith.constant 2 : i32
      %broadcast_in_dim3A_100 = vector.broadcast %broadcast_in_dim3A_99 : i32 to vector<16xi32>
      %gather3A_101 = arith.constant 0 : i32
      %gather3A_102 = arith.constant 0 : i32
      %gather3A_103 = tpu.memref_slice %arg8[%gather3A_101, %gather3A_102] : memref<4x10240xf32, #tpu.memory_space<vmem>> -> memref<4x10240xf32, #tpu.memory_space<vmem>>
      %gather3A_104 = tpu.vector_load_idx %gather3A_103[%broadcast_in_dim3A_100, %get3A_84] : memref<4x10240xf32, #tpu.memory_space<vmem>>[vector<16xi32>, vector<16xi32>], vector<16xf32>,
      %max3A_105 = arith.maximumf %max3A_71, %gather3A_104 : vector<16xf32>
      %broadcast_in_dim3A_106 = arith.constant 3 : i32
      %broadcast_in_dim3A_107 = vector.broadcast %broadcast_in_dim3A_106 : i32 to vector<16xi32>
      %gather3A_108 = arith.constant 0 : i32
      %gather3A_109 = arith.constant 0 : i32
      %gather3A_110 = tpu.memref_slice %arg8[%gather3A_108, %gather3A_109] : memref<4x10240xf32, #tpu.memory_space<vmem>> -> memref<4x10240xf32, #tpu.memory_space<vmem>>
      %gather3A_111 = tpu.vector_load_idx %gather3A_110[%broadcast_in_dim3A_107, %get3A_84] : memref<4x10240xf32, #tpu.memory_space<vmem>>[vector<16xi32>, vector<16xi32>], vector<16xf32>,
      %max3A_112 = arith.maximumf %max3A_78, %gather3A_111 : vector<16xf32>
      %mul3A_113 = arith.constant 16 : i32
      %mul3A_114 = arith.muli %scan3A_20, %mul3A_113 : i32
      %add3A_115 = arith.constant 3072 : i32
      %add3A_116 = arith.addi %add3A_115, %mul3A_114 : i32
      %get3A_117 = arith.index_cast %add3A_116 : i32 to index
      %get3A_118 = tpu.vector_load %arg9[%get3A_117] {strides = array<i32>} : memref<32768xi32, #tpu.memory_space<vmem>>, vector<16xi32>,
      %broadcast_in_dim3A_119 = arith.constant 0 : i32
      %broadcast_in_dim3A_120 = vector.broadcast %broadcast_in_dim3A_119 : i32 to vector<16xi32>
      %gather3A_121 = arith.constant 0 : i32
      %gather3A_122 = arith.constant 0 : i32
      %gather3A_123 = tpu.memref_slice %arg8[%gather3A_121, %gather3A_122] : memref<4x10240xf32, #tpu.memory_space<vmem>> -> memref<4x10240xf32, #tpu.memory_space<vmem>>
      %gather3A_124 = tpu.vector_load_idx %gather3A_123[%broadcast_in_dim3A_120, %get3A_118] : memref<4x10240xf32, #tpu.memory_space<vmem>>[vector<16xi32>, vector<16xi32>], vector<16xf32>,
      %max3A_125 = arith.maximumf %max3A_91, %gather3A_124 : vector<16xf32>
      %broadcast_in_dim3A_126 = arith.constant 1 : i32
      %broadcast_in_dim3A_127 = vector.broadcast %broadcast_in_dim3A_126 : i32 to vector<16xi32>
      %gather3A_128 = arith.constant 0 : i32
      %gather3A_129 = arith.constant 0 : i32
      %gather3A_130 = tpu.memref_slice %arg8[%gather3A_128, %gather3A_129] : memref<4x10240xf32, #tpu.memory_space<vmem>> -> memref<4x10240xf32, #tpu.memory_space<vmem>>
      %gather3A_131 = tpu.vector_load_idx %gather3A_130[%broadcast_in_dim3A_127, %get3A_118] : memref<4x10240xf32, #tpu.memory_space<vmem>>[vector<16xi32>, vector<16xi32>], vector<16xf32>,
      %max3A_132 = arith.maximumf %max3A_98, %gather3A_131 : vector<16xf32>
      %broadcast_in_dim3A_133 = arith.constant 2 : i32
      %broadcast_in_dim3A_134 = vector.broadcast %broadcast_in_dim3A_133 : i32 to vector<16xi32>
      %gather3A_135 = arith.constant 0 : i32
      %gather3A_136 = arith.constant 0 : i32
      %gather3A_137 = tpu.memref_slice %arg8[%gather3A_135, %gather3A_136] : memref<4x10240xf32, #tpu.memory_space<vmem>> -> memref<4x10240xf32, #tpu.memory_space<vmem>>
      %gather3A_138 = tpu.vector_load_idx %gather3A_137[%broadcast_in_dim3A_134, %get3A_118] : memref<4x10240xf32, #tpu.memory_space<vmem>>[vector<16xi32>, vector<16xi32>], vector<16xf32>,
      %max3A_139 = arith.maximumf %max3A_105, %gather3A_138 : vector<16xf32>
      %broadcast_in_dim3A_140 = arith.constant 3 : i32
      %broadcast_in_dim3A_141 = vector.broadcast %broadcast_in_dim3A_140 : i32 to vector<16xi32>
      %gather3A_142 = arith.constant 0 : i32
      %gather3A_143 = arith.constant 0 : i32
      %gather3A_144 = tpu.memref_slice %arg8[%gather3A_142, %gather3A_143] : memref<4x10240xf32, #tpu.memory_space<vmem>> -> memref<4x10240xf32, #tpu.memory_space<vmem>>
      %gather3A_145 = tpu.vector_load_idx %gather3A_144[%broadcast_in_dim3A_141, %get3A_118] : memref<4x10240xf32, #tpu.memory_space<vmem>>[vector<16xi32>, vector<16xi32>], vector<16xf32>,
      %max3A_146 = arith.maximumf %max3A_112, %gather3A_145 : vector<16xf32>
      %mul3A_147 = arith.constant 16 : i32
      %mul3A_148 = arith.muli %scan3A_20, %mul3A_147 : i32
      %add3A_149 = arith.constant 4096 : i32
      %add3A_150 = arith.addi %add3A_149, %mul3A_148 : i32
      %get3A_151 = arith.index_cast %add3A_150 : i32 to index
      %get3A_152 = tpu.vector_load %arg9[%get3A_151] {strides = array<i32>} : memref<32768xi32, #tpu.memory_space<vmem>>, vector<16xi32>,
      %broadcast_in_dim3A_153 = arith.constant 0 : i32
      %broadcast_in_dim3A_154 = vector.broadcast %broadcast_in_dim3A_153 : i32 to vector<16xi32>
      %gather3A_155 = arith.constant 0 : i32
      %gather3A_156 = arith.constant 0 : i32
      %gather3A_157 = tpu.memref_slice %arg8[%gather3A_155, %gather3A_156] : memref<4x10240xf32, #tpu.memory_space<vmem>> -> memref<4x10240xf32, #tpu.memory_space<vmem>>
      %gather3A_158 = tpu.vector_load_idx %gather3A_157[%broadcast_in_dim3A_154, %get3A_152] : memref<4x10240xf32, #tpu.memory_space<vmem>>[vector<16xi32>, vector<16xi32>], vector<16xf32>,
      %max3A_159 = arith.maximumf %max3A_125, %gather3A_158 : vector<16xf32>
      %broadcast_in_dim3A_160 = arith.constant 1 : i32
      %broadcast_in_dim3A_161 = vector.broadcast %broadcast_in_dim3A_160 : i32 to vector<16xi32>
      %gather3A_162 = arith.constant 0 : i32
      %gather3A_163 = arith.constant 0 : i32
      %gather3A_164 = tpu.memref_slice %arg8[%gather3A_162, %gather3A_163] : memref<4x10240xf32, #tpu.memory_space<vmem>> -> memref<4x10240xf32, #tpu.memory_space<vmem>>
      %gather3A_165 = tpu.vector_load_idx %gather3A_164[%broadcast_in_dim3A_161, %get3A_152] : memref<4x10240xf32, #tpu.memory_space<vmem>>[vector<16xi32>, vector<16xi32>], vector<16xf32>,
      %max3A_166 = arith.maximumf %max3A_132, %gather3A_165 : vector<16xf32>
      %broadcast_in_dim3A_167 = arith.constant 2 : i32
      %broadcast_in_dim3A_168 = vector.broadcast %broadcast_in_dim3A_167 : i32 to vector<16xi32>
      %gather3A_169 = arith.constant 0 : i32
      %gather3A_170 = arith.constant 0 : i32
      %gather3A_171 = tpu.memref_slice %arg8[%gather3A_169, %gather3A_170] : memref<4x10240xf32, #tpu.memory_space<vmem>> -> memref<4x10240xf32, #tpu.memory_space<vmem>>
      %gather3A_172 = tpu.vector_load_idx %gather3A_171[%broadcast_in_dim3A_168, %get3A_152] : memref<4x10240xf32, #tpu.memory_space<vmem>>[vector<16xi32>, vector<16xi32>], vector<16xf32>,
      %max3A_173 = arith.maximumf %max3A_139, %gather3A_172 : vector<16xf32>
      %broadcast_in_dim3A_174 = arith.constant 3 : i32
      %broadcast_in_dim3A_175 = vector.broadcast %broadcast_in_dim3A_174 : i32 to vector<16xi32>
      %gather3A_176 = arith.constant 0 : i32
      %gather3A_177 = arith.constant 0 : i32
      %gather3A_178 = tpu.memref_slice %arg8[%gather3A_176, %gather3A_177] : memref<4x10240xf32, #tpu.memory_space<vmem>> -> memref<4x10240xf32, #tpu.memory_space<vmem>>
      %gather3A_179 = tpu.vector_load_idx %gather3A_178[%broadcast_in_dim3A_175, %get3A_152] : memref<4x10240xf32, #tpu.memory_space<vmem>>[vector<16xi32>, vector<16xi32>], vector<16xf32>,
      %max3A_180 = arith.maximumf %max3A_146, %gather3A_179 : vector<16xf32>
      %mul3A_181 = arith.constant 16 : i32
      %mul3A_182 = arith.muli %scan3A_20, %mul3A_181 : i32
      %add3A_183 = arith.constant 5120 : i32
      %add3A_184 = arith.addi %add3A_183, %mul3A_182 : i32
      %get3A_185 = arith.index_cast %add3A_184 : i32 to index
      %get3A_186 = tpu.vector_load %arg9[%get3A_185] {strides = array<i32>} : memref<32768xi32, #tpu.memory_space<vmem>>, vector<16xi32>,
      %broadcast_in_dim3A_187 = arith.constant 0 : i32
      %broadcast_in_dim3A_188 = vector.broadcast %broadcast_in_dim3A_187 : i32 to vector<16xi32>
      %gather3A_189 = arith.constant 0 : i32
      %gather3A_190 = arith.constant 0 : i32
      %gather3A_191 = tpu.memref_slice %arg8[%gather3A_189, %gather3A_190] : memref<4x10240xf32, #tpu.memory_space<vmem>> -> memref<4x10240xf32, #tpu.memory_space<vmem>>
      %gather3A_192 = tpu.vector_load_idx %gather3A_191[%broadcast_in_dim3A_188, %get3A_186] : memref<4x10240xf32, #tpu.memory_space<vmem>>[vector<16xi32>, vector<16xi32>], vector<16xf32>,
      %max3A_193 = arith.maximumf %max3A_159, %gather3A_192 : vector<16xf32>
      %broadcast_in_dim3A_194 = arith.constant 1 : i32
      %broadcast_in_dim3A_195 = vector.broadcast %broadcast_in_dim3A_194 : i32 to vector<16xi32>
      %gather3A_196 = arith.constant 0 : i32
      %gather3A_197 = arith.constant 0 : i32
      %gather3A_198 = tpu.memref_slice %arg8[%gather3A_196, %gather3A_197] : memref<4x10240xf32, #tpu.memory_space<vmem>> -> memref<4x10240xf32, #tpu.memory_space<vmem>>
      %gather3A_199 = tpu.vector_load_idx %gather3A_198[%broadcast_in_dim3A_195, %get3A_186] : memref<4x10240xf32, #tpu.memory_space<vmem>>[vector<16xi32>, vector<16xi32>], vector<16xf32>,
      %max3A_200 = arith.maximumf %max3A_166, %gather3A_199 : vector<16xf32>
      %broadcast_in_dim3A_201 = arith.constant 2 : i32
      %broadcast_in_dim3A_202 = vector.broadcast %broadcast_in_dim3A_201 : i32 to vector<16xi32>
      %gather3A_203 = arith.constant 0 : i32
      %gather3A_204 = arith.constant 0 : i32
      %gather3A_205 = tpu.memref_slice %arg8[%gather3A_203, %gather3A_204] : memref<4x10240xf32, #tpu.memory_space<vmem>> -> memref<4x10240xf32, #tpu.memory_space<vmem>>
      %gather3A_206 = tpu.vector_load_idx %gather3A_205[%broadcast_in_dim3A_202, %get3A_186] : memref<4x10240xf32, #tpu.memory_space<vmem>>[vector<16xi32>, vector<16xi32>], vector<16xf32>,
      %max3A_207 = arith.maximumf %max3A_173, %gather3A_206 : vector<16xf32>
      %broadcast_in_dim3A_208 = arith.constant 3 : i32
      %broadcast_in_dim3A_209 = vector.broadcast %broadcast_in_dim3A_208 : i32 to vector<16xi32>
      %gather3A_210 = arith.constant 0 : i32
      %gather3A_211 = arith.constant 0 : i32
      %gather3A_212 = tpu.memref_slice %arg8[%gather3A_210, %gather3A_211] : memref<4x10240xf32, #tpu.memory_space<vmem>> -> memref<4x10240xf32, #tpu.memory_space<vmem>>
      %gather3A_213 = tpu.vector_load_idx %gather3A_212[%broadcast_in_dim3A_209, %get3A_186] : memref<4x10240xf32, #tpu.memory_space<vmem>>[vector<16xi32>, vector<16xi32>], vector<16xf32>,
      %max3A_214 = arith.maximumf %max3A_180, %gather3A_213 : vector<16xf32>
      %mul3A_215 = arith.constant 16 : i32
      %mul3A_216 = arith.muli %scan3A_20, %mul3A_215 : i32
      %add3A_217 = arith.constant 6144 : i32
      %add3A_218 = arith.addi %add3A_217, %mul3A_216 : i32
      %get3A_219 = arith.index_cast %add3A_218 : i32 to index
      %get3A_220 = tpu.vector_load %arg9[%get3A_219] {strides = array<i32>} : memref<32768xi32, #tpu.memory_space<vmem>>, vector<16xi32>,
      %broadcast_in_dim3A_221 = arith.constant 0 : i32
      %broadcast_in_dim3A_222 = vector.broadcast %broadcast_in_dim3A_221 : i32 to vector<16xi32>
      %gather3A_223 = arith.constant 0 : i32
      %gather3A_224 = arith.constant 0 : i32
      %gather3A_225 = tpu.memref_slice %arg8[%gather3A_223, %gather3A_224] : memref<4x10240xf32, #tpu.memory_space<vmem>> -> memref<4x10240xf32, #tpu.memory_space<vmem>>
      %gather3A_226 = tpu.vector_load_idx %gather3A_225[%broadcast_in_dim3A_222, %get3A_220] : memref<4x10240xf32, #tpu.memory_space<vmem>>[vector<16xi32>, vector<16xi32>], vector<16xf32>,
      %max3A_227 = arith.maximumf %max3A_193, %gather3A_226 : vector<16xf32>
      %broadcast_in_dim3A_228 = arith.constant 1 : i32
      %broadcast_in_dim3A_229 = vector.broadcast %broadcast_in_dim3A_228 : i32 to vector<16xi32>
      %gather3A_230 = arith.constant 0 : i32
      %gather3A_231 = arith.constant 0 : i32
      %gather3A_232 = tpu.memref_slice %arg8[%gather3A_230, %gather3A_231] : memref<4x10240xf32, #tpu.memory_space<vmem>> -> memref<4x10240xf32, #tpu.memory_space<vmem>>
      %gather3A_233 = tpu.vector_load_idx %gather3A_232[%broadcast_in_dim3A_229, %get3A_220] : memref<4x10240xf32, #tpu.memory_space<vmem>>[vector<16xi32>, vector<16xi32>], vector<16xf32>,
      %max3A_234 = arith.maximumf %max3A_200, %gather3A_233 : vector<16xf32>
      %broadcast_in_dim3A_235 = arith.constant 2 : i32
      %broadcast_in_dim3A_236 = vector.broadcast %broadcast_in_dim3A_235 : i32 to vector<16xi32>
      %gather3A_237 = arith.constant 0 : i32
      %gather3A_238 = arith.constant 0 : i32
      %gather3A_239 = tpu.memref_slice %arg8[%gather3A_237, %gather3A_238] : memref<4x10240xf32, #tpu.memory_space<vmem>> -> memref<4x10240xf32, #tpu.memory_space<vmem>>
      %gather3A_240 = tpu.vector_load_idx %gather3A_239[%broadcast_in_dim3A_236, %get3A_220] : memref<4x10240xf32, #tpu.memory_space<vmem>>[vector<16xi32>, vector<16xi32>], vector<16xf32>,
      %max3A_241 = arith.maximumf %max3A_207, %gather3A_240 : vector<16xf32>
      %broadcast_in_dim3A_242 = arith.constant 3 : i32
      %broadcast_in_dim3A_243 = vector.broadcast %broadcast_in_dim3A_242 : i32 to vector<16xi32>
      %gather3A_244 = arith.constant 0 : i32
      %gather3A_245 = arith.constant 0 : i32
      %gather3A_246 = tpu.memref_slice %arg8[%gather3A_244, %gather3A_245] : memref<4x10240xf32, #tpu.memory_space<vmem>> -> memref<4x10240xf32, #tpu.memory_space<vmem>>
      %gather3A_247 = tpu.vector_load_idx %gather3A_246[%broadcast_in_dim3A_243, %get3A_220] : memref<4x10240xf32, #tpu.memory_space<vmem>>[vector<16xi32>, vector<16xi32>], vector<16xf32>,
      %max3A_248 = arith.maximumf %max3A_214, %gather3A_247 : vector<16xf32>
      %mul3A_249 = arith.constant 16 : i32
      %mul3A_250 = arith.muli %scan3A_20, %mul3A_249 : i32
      %add3A_251 = arith.constant 7168 : i32
      %add3A_252 = arith.addi %add3A_251, %mul3A_250 : i32
      %get3A_253 = arith.index_cast %add3A_252 : i32 to index
      %get3A_254 = tpu.vector_load %arg9[%get3A_253] {strides = array<i32>} : memref<32768xi32, #tpu.memory_space<vmem>>, vector<16xi32>,
      %broadcast_in_dim3A_255 = arith.constant 0 : i32
      %broadcast_in_dim3A_256 = vector.broadcast %broadcast_in_dim3A_255 : i32 to vector<16xi32>
      %gather3A_257 = arith.constant 0 : i32
      %gather3A_258 = arith.constant 0 : i32
      %gather3A_259 = tpu.memref_slice %arg8[%gather3A_257, %gather3A_258] : memref<4x10240xf32, #tpu.memory_space<vmem>> -> memref<4x10240xf32, #tpu.memory_space<vmem>>
      %gather3A_260 = tpu.vector_load_idx %gather3A_259[%broadcast_in_dim3A_256, %get3A_254] : memref<4x10240xf32, #tpu.memory_space<vmem>>[vector<16xi32>, vector<16xi32>], vector<16xf32>,
      %max3A_261 = arith.maximumf %max3A_227, %gather3A_260 : vector<16xf32>
      %broadcast_in_dim3A_262 = arith.constant 1 : i32
      %broadcast_in_dim3A_263 = vector.broadcast %broadcast_in_dim3A_262 : i32 to vector<16xi32>
      %gather3A_264 = arith.constant 0 : i32
      %gather3A_265 = arith.constant 0 : i32
      %gather3A_266 = tpu.memref_slice %arg8[%gather3A_264, %gather3A_265] : memref<4x10240xf32, #tpu.memory_space<vmem>> -> memref<4x10240xf32, #tpu.memory_space<vmem>>
      %gather3A_267 = tpu.vector_load_idx %gather3A_266[%broadcast_in_dim3A_263, %get3A_254] : memref<4x10240xf32, #tpu.memory_space<vmem>>[vector<16xi32>, vector<16xi32>], vector<16xf32>,
      %max3A_268 = arith.maximumf %max3A_234, %gather3A_267 : vector<16xf32>
      %broadcast_in_dim3A_269 = arith.constant 2 : i32
      %broadcast_in_dim3A_270 = vector.broadcast %broadcast_in_dim3A_269 : i32 to vector<16xi32>
      %gather3A_271 = arith.constant 0 : i32
      %gather3A_272 = arith.constant 0 : i32
      %gather3A_273 = tpu.memref_slice %arg8[%gather3A_271, %gather3A_272] : memref<4x10240xf32, #tpu.memory_space<vmem>> -> memref<4x10240xf32, #tpu.memory_space<vmem>>
      %gather3A_274 = tpu.vector_load_idx %gather3A_273[%broadcast_in_dim3A_270, %get3A_254] : memref<4x10240xf32, #tpu.memory_space<vmem>>[vector<16xi32>, vector<16xi32>], vector<16xf32>,
      %max3A_275 = arith.maximumf %max3A_241, %gather3A_274 : vector<16xf32>
      %broadcast_in_dim3A_276 = arith.constant 3 : i32
      %broadcast_in_dim3A_277 = vector.broadcast %broadcast_in_dim3A_276 : i32 to vector<16xi32>
      %gather3A_278 = arith.constant 0 : i32
      %gather3A_279 = arith.constant 0 : i32
      %gather3A_280 = tpu.memref_slice %arg8[%gather3A_278, %gather3A_279] : memref<4x10240xf32, #tpu.memory_space<vmem>> -> memref<4x10240xf32, #tpu.memory_space<vmem>>
      %gather3A_281 = tpu.vector_load_idx %gather3A_280[%broadcast_in_dim3A_277, %get3A_254] : memref<4x10240xf32, #tpu.memory_space<vmem>>[vector<16xi32>, vector<16xi32>], vector<16xf32>,
      %max3A_282 = arith.maximumf %max3A_248, %gather3A_281 : vector<16xf32>
      %mul3A_283 = arith.constant 16 : i32
      %mul3A_284 = arith.muli %scan3A_20, %mul3A_283 : i32
      %add3A_285 = arith.constant 8192 : i32
      %add3A_286 = arith.addi %add3A_285, %mul3A_284 : i32
      %get3A_287 = arith.index_cast %add3A_286 : i32 to index
      %get3A_288 = tpu.vector_load %arg9[%get3A_287] {strides = array<i32>} : memref<32768xi32, #tpu.memory_space<vmem>>, vector<16xi32>,
      %broadcast_in_dim3A_289 = arith.constant 0 : i32
      %broadcast_in_dim3A_290 = vector.broadcast %broadcast_in_dim3A_289 : i32 to vector<16xi32>
      %gather3A_291 = arith.constant 0 : i32
      %gather3A_292 = arith.constant 0 : i32
      %gather3A_293 = tpu.memref_slice %arg8[%gather3A_291, %gather3A_292] : memref<4x10240xf32, #tpu.memory_space<vmem>> -> memref<4x10240xf32, #tpu.memory_space<vmem>>
      %gather3A_294 = tpu.vector_load_idx %gather3A_293[%broadcast_in_dim3A_290, %get3A_288] : memref<4x10240xf32, #tpu.memory_space<vmem>>[vector<16xi32>, vector<16xi32>], vector<16xf32>,
      %max3A_295 = arith.maximumf %max3A_261, %gather3A_294 : vector<16xf32>
      %broadcast_in_dim3A_296 = arith.constant 1 : i32
      %broadcast_in_dim3A_297 = vector.broadcast %broadcast_in_dim3A_296 : i32 to vector<16xi32>
      %gather3A_298 = arith.constant 0 : i32
      %gather3A_299 = arith.constant 0 : i32
      %gather3A_300 = tpu.memref_slice %arg8[%gather3A_298, %gather3A_299] : memref<4x10240xf32, #tpu.memory_space<vmem>> -> memref<4x10240xf32, #tpu.memory_space<vmem>>
      %gather3A_301 = tpu.vector_load_idx %gather3A_300[%broadcast_in_dim3A_297, %get3A_288] : memref<4x10240xf32, #tpu.memory_space<vmem>>[vector<16xi32>, vector<16xi32>], vector<16xf32>,
      %max3A_302 = arith.maximumf %max3A_268, %gather3A_301 : vector<16xf32>
      %broadcast_in_dim3A_303 = arith.constant 2 : i32
      %broadcast_in_dim3A_304 = vector.broadcast %broadcast_in_dim3A_303 : i32 to vector<16xi32>
      %gather3A_305 = arith.constant 0 : i32
      %gather3A_306 = arith.constant 0 : i32
      %gather3A_307 = tpu.memref_slice %arg8[%gather3A_305, %gather3A_306] : memref<4x10240xf32, #tpu.memory_space<vmem>> -> memref<4x10240xf32, #tpu.memory_space<vmem>>
      %gather3A_308 = tpu.vector_load_idx %gather3A_307[%broadcast_in_dim3A_304, %get3A_288] : memref<4x10240xf32, #tpu.memory_space<vmem>>[vector<16xi32>, vector<16xi32>], vector<16xf32>,
      %max3A_309 = arith.maximumf %max3A_275, %gather3A_308 : vector<16xf32>
      %broadcast_in_dim3A_310 = arith.constant 3 : i32
      %broadcast_in_dim3A_311 = vector.broadcast %broadcast_in_dim3A_310 : i32 to vector<16xi32>
      %gather3A_312 = arith.constant 0 : i32
      %gather3A_313 = arith.constant 0 : i32
      %gather3A_314 = tpu.memref_slice %arg8[%gather3A_312, %gather3A_313] : memref<4x10240xf32, #tpu.memory_space<vmem>> -> memref<4x10240xf32, #tpu.memory_space<vmem>>
      %gather3A_315 = tpu.vector_load_idx %gather3A_314[%broadcast_in_dim3A_311, %get3A_288] : memref<4x10240xf32, #tpu.memory_space<vmem>>[vector<16xi32>, vector<16xi32>], vector<16xf32>,
      %max3A_316 = arith.maximumf %max3A_282, %gather3A_315 : vector<16xf32>
      %mul3A_317 = arith.constant 16 : i32
      %mul3A_318 = arith.muli %scan3A_20, %mul3A_317 : i32
      %add3A_319 = arith.constant 9216 : i32
      %add3A_320 = arith.addi %add3A_319, %mul3A_318 : i32
      %get3A_321 = arith.index_cast %add3A_320 : i32 to index
      %get3A_322 = tpu.vector_load %arg9[%get3A_321] {strides = array<i32>} : memref<32768xi32, #tpu.memory_space<vmem>>, vector<16xi32>,
      %broadcast_in_dim3A_323 = arith.constant 0 : i32
      %broadcast_in_dim3A_324 = vector.broadcast %broadcast_in_dim3A_323 : i32 to vector<16xi32>
      %gather3A_325 = arith.constant 0 : i32
      %gather3A_326 = arith.constant 0 : i32
      %gather3A_327 = tpu.memref_slice %arg8[%gather3A_325, %gather3A_326] : memref<4x10240xf32, #tpu.memory_space<vmem>> -> memref<4x10240xf32, #tpu.memory_space<vmem>>
      %gather3A_328 = tpu.vector_load_idx %gather3A_327[%broadcast_in_dim3A_324, %get3A_322] : memref<4x10240xf32, #tpu.memory_space<vmem>>[vector<16xi32>, vector<16xi32>], vector<16xf32>,
      %max3A_329 = arith.maximumf %max3A_295, %gather3A_328 : vector<16xf32>
      %broadcast_in_dim3A_330 = arith.constant 1 : i32
      %broadcast_in_dim3A_331 = vector.broadcast %broadcast_in_dim3A_330 : i32 to vector<16xi32>
      %gather3A_332 = arith.constant 0 : i32
      %gather3A_333 = arith.constant 0 : i32
      %gather3A_334 = tpu.memref_slice %arg8[%gather3A_332, %gather3A_333] : memref<4x10240xf32, #tpu.memory_space<vmem>> -> memref<4x10240xf32, #tpu.memory_space<vmem>>
      %gather3A_335 = tpu.vector_load_idx %gather3A_334[%broadcast_in_dim3A_331, %get3A_322] : memref<4x10240xf32, #tpu.memory_space<vmem>>[vector<16xi32>, vector<16xi32>], vector<16xf32>,
      %max3A_336 = arith.maximumf %max3A_302, %gather3A_335 : vector<16xf32>
      %broadcast_in_dim3A_337 = arith.constant 2 : i32
      %broadcast_in_dim3A_338 = vector.broadcast %broadcast_in_dim3A_337 : i32 to vector<16xi32>
      %gather3A_339 = arith.constant 0 : i32
      %gather3A_340 = arith.constant 0 : i32
      %gather3A_341 = tpu.memref_slice %arg8[%gather3A_339, %gather3A_340] : memref<4x10240xf32, #tpu.memory_space<vmem>> -> memref<4x10240xf32, #tpu.memory_space<vmem>>
      %gather3A_342 = tpu.vector_load_idx %gather3A_341[%broadcast_in_dim3A_338, %get3A_322] : memref<4x10240xf32, #tpu.memory_space<vmem>>[vector<16xi32>, vector<16xi32>], vector<16xf32>,
      %max3A_343 = arith.maximumf %max3A_309, %gather3A_342 : vector<16xf32>
      %broadcast_in_dim3A_344 = arith.constant 3 : i32
      %broadcast_in_dim3A_345 = vector.broadcast %broadcast_in_dim3A_344 : i32 to vector<16xi32>
      %gather3A_346 = arith.constant 0 : i32
      %gather3A_347 = arith.constant 0 : i32
      %gather3A_348 = tpu.memref_slice %arg8[%gather3A_346, %gather3A_347] : memref<4x10240xf32, #tpu.memory_space<vmem>> -> memref<4x10240xf32, #tpu.memory_space<vmem>>
      %gather3A_349 = tpu.vector_load_idx %gather3A_348[%broadcast_in_dim3A_345, %get3A_322] : memref<4x10240xf32, #tpu.memory_space<vmem>>[vector<16xi32>, vector<16xi32>], vector<16xf32>,
      %max3A_350 = arith.maximumf %max3A_316, %gather3A_349 : vector<16xf32>
      %mul3A_351 = arith.constant 16 : i32
      %mul3A_352 = arith.muli %scan3A_20, %mul3A_351 : i32
      %add3A_353 = arith.constant 10240 : i32
      %add3A_354 = arith.addi %add3A_353, %mul3A_352 : i32
      %get3A_355 = arith.index_cast %add3A_354 : i32 to index
      %get3A_356 = tpu.vector_load %arg9[%get3A_355] {strides = array<i32>} : memref<32768xi32, #tpu.memory_space<vmem>>, vector<16xi32>,
      %broadcast_in_dim3A_357 = arith.constant 0 : i32
      %broadcast_in_dim3A_358 = vector.broadcast %broadcast_in_dim3A_357 : i32 to vector<16xi32>
      %gather3A_359 = arith.constant 0 : i32
      %gather3A_360 = arith.constant 0 : i32
      %gather3A_361 = tpu.memref_slice %arg8[%gather3A_359, %gather3A_360] : memref<4x10240xf32, #tpu.memory_space<vmem>> -> memref<4x10240xf32, #tpu.memory_space<vmem>>
      %gather3A_362 = tpu.vector_load_idx %gather3A_361[%broadcast_in_dim3A_358, %get3A_356] : memref<4x10240xf32, #tpu.memory_space<vmem>>[vector<16xi32>, vector<16xi32>], vector<16xf32>,
      %max3A_363 = arith.maximumf %max3A_329, %gather3A_362 : vector<16xf32>
      %broadcast_in_dim3A_364 = arith.constant 1 : i32
      %broadcast_in_dim3A_365 = vector.broadcast %broadcast_in_dim3A_364 : i32 to vector<16xi32>
      %gather3A_366 = arith.constant 0 : i32
      %gather3A_367 = arith.constant 0 : i32
      %gather3A_368 = tpu.memref_slice %arg8[%gather3A_366, %gather3A_367] : memref<4x10240xf32, #tpu.memory_space<vmem>> -> memref<4x10240xf32, #tpu.memory_space<vmem>>
      %gather3A_369 = tpu.vector_load_idx %gather3A_368[%broadcast_in_dim3A_365, %get3A_356] : memref<4x10240xf32, #tpu.memory_space<vmem>>[vector<16xi32>, vector<16xi32>], vector<16xf32>,
      %max3A_370 = arith.maximumf %max3A_336, %gather3A_369 : vector<16xf32>
      %broadcast_in_dim3A_371 = arith.constant 2 : i32
      %broadcast_in_dim3A_372 = vector.broadcast %broadcast_in_dim3A_371 : i32 to vector<16xi32>
      %gather3A_373 = arith.constant 0 : i32
      %gather3A_374 = arith.constant 0 : i32
      %gather3A_375 = tpu.memref_slice %arg8[%gather3A_373, %gather3A_374] : memref<4x10240xf32, #tpu.memory_space<vmem>> -> memref<4x10240xf32, #tpu.memory_space<vmem>>
      %gather3A_376 = tpu.vector_load_idx %gather3A_375[%broadcast_in_dim3A_372, %get3A_356] : memref<4x10240xf32, #tpu.memory_space<vmem>>[vector<16xi32>, vector<16xi32>], vector<16xf32>,
      %max3A_377 = arith.maximumf %max3A_343, %gather3A_376 : vector<16xf32>
      %broadcast_in_dim3A_378 = arith.constant 3 : i32
      %broadcast_in_dim3A_379 = vector.broadcast %broadcast_in_dim3A_378 : i32 to vector<16xi32>
      %gather3A_380 = arith.constant 0 : i32
      %gather3A_381 = arith.constant 0 : i32
      %gather3A_382 = tpu.memref_slice %arg8[%gather3A_380, %gather3A_381] : memref<4x10240xf32, #tpu.memory_space<vmem>> -> memref<4x10240xf32, #tpu.memory_space<vmem>>
      %gather3A_383 = tpu.vector_load_idx %gather3A_382[%broadcast_in_dim3A_379, %get3A_356] : memref<4x10240xf32, #tpu.memory_space<vmem>>[vector<16xi32>, vector<16xi32>], vector<16xf32>,
      %max3A_384 = arith.maximumf %max3A_350, %gather3A_383 : vector<16xf32>
      %mul3A_385 = arith.constant 16 : i32
      %mul3A_386 = arith.muli %scan3A_20, %mul3A_385 : i32
      %add3A_387 = arith.constant 11264 : i32
      %add3A_388 = arith.addi %add3A_387, %mul3A_386 : i32
      %get3A_389 = arith.index_cast %add3A_388 : i32 to index
      %get3A_390 = tpu.vector_load %arg9[%get3A_389] {strides = array<i32>} : memref<32768xi32, #tpu.memory_space<vmem>>, vector<16xi32>,
      %broadcast_in_dim3A_391 = arith.constant 0 : i32
      %broadcast_in_dim3A_392 = vector.broadcast %broadcast_in_dim3A_391 : i32 to vector<16xi32>
      %gather3A_393 = arith.constant 0 : i32
      %gather3A_394 = arith.constant 0 : i32
      %gather3A_395 = tpu.memref_slice %arg8[%gather3A_393, %gather3A_394] : memref<4x10240xf32, #tpu.memory_space<vmem>> -> memref<4x10240xf32, #tpu.memory_space<vmem>>
      %gather3A_396 = tpu.vector_load_idx %gather3A_395[%broadcast_in_dim3A_392, %get3A_390] : memref<4x10240xf32, #tpu.memory_space<vmem>>[vector<16xi32>, vector<16xi32>], vector<16xf32>,
      %max3A_397 = arith.maximumf %max3A_363, %gather3A_396 : vector<16xf32>
      %broadcast_in_dim3A_398 = arith.constant 1 : i32
      %broadcast_in_dim3A_399 = vector.broadcast %broadcast_in_dim3A_398 : i32 to vector<16xi32>
      %gather3A_400 = arith.constant 0 : i32
      %gather3A_401 = arith.constant 0 : i32
      %gather3A_402 = tpu.memref_slice %arg8[%gather3A_400, %gather3A_401] : memref<4x10240xf32, #tpu.memory_space<vmem>> -> memref<4x10240xf32, #tpu.memory_space<vmem>>
      %gather3A_403 = tpu.vector_load_idx %gather3A_402[%broadcast_in_dim3A_399, %get3A_390] : memref<4x10240xf32, #tpu.memory_space<vmem>>[vector<16xi32>, vector<16xi32>], vector<16xf32>,
      %max3A_404 = arith.maximumf %max3A_370, %gather3A_403 : vector<16xf32>
      %broadcast_in_dim3A_405 = arith.constant 2 : i32
      %broadcast_in_dim3A_406 = vector.broadcast %broadcast_in_dim3A_405 : i32 to vector<16xi32>
      %gather3A_407 = arith.constant 0 : i32
      %gather3A_408 = arith.constant 0 : i32
      %gather3A_409 = tpu.memref_slice %arg8[%gather3A_407, %gather3A_408] : memref<4x10240xf32, #tpu.memory_space<vmem>> -> memref<4x10240xf32, #tpu.memory_space<vmem>>
      %gather3A_410 = tpu.vector_load_idx %gather3A_409[%broadcast_in_dim3A_406, %get3A_390] : memref<4x10240xf32, #tpu.memory_space<vmem>>[vector<16xi32>, vector<16xi32>], vector<16xf32>,
      %max3A_411 = arith.maximumf %max3A_377, %gather3A_410 : vector<16xf32>
      %broadcast_in_dim3A_412 = arith.constant 3 : i32
      %broadcast_in_dim3A_413 = vector.broadcast %broadcast_in_dim3A_412 : i32 to vector<16xi32>
      %gather3A_414 = arith.constant 0 : i32
      %gather3A_415 = arith.constant 0 : i32
      %gather3A_416 = tpu.memref_slice %arg8[%gather3A_414, %gather3A_415] : memref<4x10240xf32, #tpu.memory_space<vmem>> -> memref<4x10240xf32, #tpu.memory_space<vmem>>
      %gather3A_417 = tpu.vector_load_idx %gather3A_416[%broadcast_in_dim3A_413, %get3A_390] : memref<4x10240xf32, #tpu.memory_space<vmem>>[vector<16xi32>, vector<16xi32>], vector<16xf32>,
      %max3A_418 = arith.maximumf %max3A_384, %gather3A_417 : vector<16xf32>
      %mul3A_419 = arith.constant 16 : i32
      %mul3A_420 = arith.muli %scan3A_20, %mul3A_419 : i32
      %add3A_421 = arith.constant 12288 : i32
      %add3A_422 = arith.addi %add3A_421, %mul3A_420 : i32
      %get3A_423 = arith.index_cast %add3A_422 : i32 to index
      %get3A_424 = tpu.vector_load %arg9[%get3A_423] {strides = array<i32>} : memref<32768xi32, #tpu.memory_space<vmem>>, vector<16xi32>,
      %broadcast_in_dim3A_425 = arith.constant 0 : i32
      %broadcast_in_dim3A_426 = vector.broadcast %broadcast_in_dim3A_425 : i32 to vector<16xi32>
      %gather3A_427 = arith.constant 0 : i32
      %gather3A_428 = arith.constant 0 : i32
      %gather3A_429 = tpu.memref_slice %arg8[%gather3A_427, %gather3A_428] : memref<4x10240xf32, #tpu.memory_space<vmem>> -> memref<4x10240xf32, #tpu.memory_space<vmem>>
      %gather3A_430 = tpu.vector_load_idx %gather3A_429[%broadcast_in_dim3A_426, %get3A_424] : memref<4x10240xf32, #tpu.memory_space<vmem>>[vector<16xi32>, vector<16xi32>], vector<16xf32>,
      %max3A_431 = arith.maximumf %max3A_397, %gather3A_430 : vector<16xf32>
      %broadcast_in_dim3A_432 = arith.constant 1 : i32
      %broadcast_in_dim3A_433 = vector.broadcast %broadcast_in_dim3A_432 : i32 to vector<16xi32>
      %gather3A_434 = arith.constant 0 : i32
      %gather3A_435 = arith.constant 0 : i32
      %gather3A_436 = tpu.memref_slice %arg8[%gather3A_434, %gather3A_435] : memref<4x10240xf32, #tpu.memory_space<vmem>> -> memref<4x10240xf32, #tpu.memory_space<vmem>>
      %gather3A_437 = tpu.vector_load_idx %gather3A_436[%broadcast_in_dim3A_433, %get3A_424] : memref<4x10240xf32, #tpu.memory_space<vmem>>[vector<16xi32>, vector<16xi32>], vector<16xf32>,
      %max3A_438 = arith.maximumf %max3A_404, %gather3A_437 : vector<16xf32>
      %broadcast_in_dim3A_439 = arith.constant 2 : i32
      %broadcast_in_dim3A_440 = vector.broadcast %broadcast_in_dim3A_439 : i32 to vector<16xi32>
      %gather3A_441 = arith.constant 0 : i32
      %gather3A_442 = arith.constant 0 : i32
      %gather3A_443 = tpu.memref_slice %arg8[%gather3A_441, %gather3A_442] : memref<4x10240xf32, #tpu.memory_space<vmem>> -> memref<4x10240xf32, #tpu.memory_space<vmem>>
      %gather3A_444 = tpu.vector_load_idx %gather3A_443[%broadcast_in_dim3A_440, %get3A_424] : memref<4x10240xf32, #tpu.memory_space<vmem>>[vector<16xi32>, vector<16xi32>], vector<16xf32>,
      %max3A_445 = arith.maximumf %max3A_411, %gather3A_444 : vector<16xf32>
      %broadcast_in_dim3A_446 = arith.constant 3 : i32
      %broadcast_in_dim3A_447 = vector.broadcast %broadcast_in_dim3A_446 : i32 to vector<16xi32>
      %gather3A_448 = arith.constant 0 : i32
      %gather3A_449 = arith.constant 0 : i32
      %gather3A_450 = tpu.memref_slice %arg8[%gather3A_448, %gather3A_449] : memref<4x10240xf32, #tpu.memory_space<vmem>> -> memref<4x10240xf32, #tpu.memory_space<vmem>>
      %gather3A_451 = tpu.vector_load_idx %gather3A_450[%broadcast_in_dim3A_447, %get3A_424] : memref<4x10240xf32, #tpu.memory_space<vmem>>[vector<16xi32>, vector<16xi32>], vector<16xf32>,
      %max3A_452 = arith.maximumf %max3A_418, %gather3A_451 : vector<16xf32>
      %mul3A_453 = arith.constant 16 : i32
      %mul3A_454 = arith.muli %scan3A_20, %mul3A_453 : i32
      %add3A_455 = arith.constant 13312 : i32
      %add3A_456 = arith.addi %add3A_455, %mul3A_454 : i32
      %get3A_457 = arith.index_cast %add3A_456 : i32 to index
      %get3A_458 = tpu.vector_load %arg9[%get3A_457] {strides = array<i32>} : memref<32768xi32, #tpu.memory_space<vmem>>, vector<16xi32>,
      %broadcast_in_dim3A_459 = arith.constant 0 : i32
      %broadcast_in_dim3A_460 = vector.broadcast %broadcast_in_dim3A_459 : i32 to vector<16xi32>
      %gather3A_461 = arith.constant 0 : i32
      %gather3A_462 = arith.constant 0 : i32
      %gather3A_463 = tpu.memref_slice %arg8[%gather3A_461, %gather3A_462] : memref<4x10240xf32, #tpu.memory_space<vmem>> -> memref<4x10240xf32, #tpu.memory_space<vmem>>
      %gather3A_464 = tpu.vector_load_idx %gather3A_463[%broadcast_in_dim3A_460, %get3A_458] : memref<4x10240xf32, #tpu.memory_space<vmem>>[vector<16xi32>, vector<16xi32>], vector<16xf32>,
      %max3A_465 = arith.maximumf %max3A_431, %gather3A_464 : vector<16xf32>
      %broadcast_in_dim3A_466 = arith.constant 1 : i32
      %broadcast_in_dim3A_467 = vector.broadcast %broadcast_in_dim3A_466 : i32 to vector<16xi32>
      %gather3A_468 = arith.constant 0 : i32
      %gather3A_469 = arith.constant 0 : i32
      %gather3A_470 = tpu.memref_slice %arg8[%gather3A_468, %gather3A_469] : memref<4x10240xf32, #tpu.memory_space<vmem>> -> memref<4x10240xf32, #tpu.memory_space<vmem>>
      %gather3A_471 = tpu.vector_load_idx %gather3A_470[%broadcast_in_dim3A_467, %get3A_458] : memref<4x10240xf32, #tpu.memory_space<vmem>>[vector<16xi32>, vector<16xi32>], vector<16xf32>,
      %max3A_472 = arith.maximumf %max3A_438, %gather3A_471 : vector<16xf32>
      %broadcast_in_dim3A_473 = arith.constant 2 : i32
      %broadcast_in_dim3A_474 = vector.broadcast %broadcast_in_dim3A_473 : i32 to vector<16xi32>
      %gather3A_475 = arith.constant 0 : i32
      %gather3A_476 = arith.constant 0 : i32
      %gather3A_477 = tpu.memref_slice %arg8[%gather3A_475, %gather3A_476] : memref<4x10240xf32, #tpu.memory_space<vmem>> -> memref<4x10240xf32, #tpu.memory_space<vmem>>
      %gather3A_478 = tpu.vector_load_idx %gather3A_477[%broadcast_in_dim3A_474, %get3A_458] : memref<4x10240xf32, #tpu.memory_space<vmem>>[vector<16xi32>, vector<16xi32>], vector<16xf32>,
      %max3A_479 = arith.maximumf %max3A_445, %gather3A_478 : vector<16xf32>
      %broadcast_in_dim3A_480 = arith.constant 3 : i32
      %broadcast_in_dim3A_481 = vector.broadcast %broadcast_in_dim3A_480 : i32 to vector<16xi32>
      %gather3A_482 = arith.constant 0 : i32
      %gather3A_483 = arith.constant 0 : i32
      %gather3A_484 = tpu.memref_slice %arg8[%gather3A_482, %gather3A_483] : memref<4x10240xf32, #tpu.memory_space<vmem>> -> memref<4x10240xf32, #tpu.memory_space<vmem>>
      %gather3A_485 = tpu.vector_load_idx %gather3A_484[%broadcast_in_dim3A_481, %get3A_458] : memref<4x10240xf32, #tpu.memory_space<vmem>>[vector<16xi32>, vector<16xi32>], vector<16xf32>,
      %max3A_486 = arith.maximumf %max3A_452, %gather3A_485 : vector<16xf32>
      %mul3A_487 = arith.constant 16 : i32
      %mul3A_488 = arith.muli %scan3A_20, %mul3A_487 : i32
      %add3A_489 = arith.constant 14336 : i32
      %add3A_490 = arith.addi %add3A_489, %mul3A_488 : i32
      %get3A_491 = arith.index_cast %add3A_490 : i32 to index
      %get3A_492 = tpu.vector_load %arg9[%get3A_491] {strides = array<i32>} : memref<32768xi32, #tpu.memory_space<vmem>>, vector<16xi32>,
      %broadcast_in_dim3A_493 = arith.constant 0 : i32
      %broadcast_in_dim3A_494 = vector.broadcast %broadcast_in_dim3A_493 : i32 to vector<16xi32>
      %gather3A_495 = arith.constant 0 : i32
      %gather3A_496 = arith.constant 0 : i32
      %gather3A_497 = tpu.memref_slice %arg8[%gather3A_495, %gather3A_496] : memref<4x10240xf32, #tpu.memory_space<vmem>> -> memref<4x10240xf32, #tpu.memory_space<vmem>>
      %gather3A_498 = tpu.vector_load_idx %gather3A_497[%broadcast_in_dim3A_494, %get3A_492] : memref<4x10240xf32, #tpu.memory_space<vmem>>[vector<16xi32>, vector<16xi32>], vector<16xf32>,
      %max3A_499 = arith.maximumf %max3A_465, %gather3A_498 : vector<16xf32>
      %broadcast_in_dim3A_500 = arith.constant 1 : i32
      %broadcast_in_dim3A_501 = vector.broadcast %broadcast_in_dim3A_500 : i32 to vector<16xi32>
      %gather3A_502 = arith.constant 0 : i32
      %gather3A_503 = arith.constant 0 : i32
      %gather3A_504 = tpu.memref_slice %arg8[%gather3A_502, %gather3A_503] : memref<4x10240xf32, #tpu.memory_space<vmem>> -> memref<4x10240xf32, #tpu.memory_space<vmem>>
      %gather3A_505 = tpu.vector_load_idx %gather3A_504[%broadcast_in_dim3A_501, %get3A_492] : memref<4x10240xf32, #tpu.memory_space<vmem>>[vector<16xi32>, vector<16xi32>], vector<16xf32>,
      %max3A_506 = arith.maximumf %max3A_472, %gather3A_505 : vector<16xf32>
      %broadcast_in_dim3A_507 = arith.constant 2 : i32
      %broadcast_in_dim3A_508 = vector.broadcast %broadcast_in_dim3A_507 : i32 to vector<16xi32>
      %gather3A_509 = arith.constant 0 : i32
      %gather3A_510 = arith.constant 0 : i32
      %gather3A_511 = tpu.memref_slice %arg8[%gather3A_509, %gather3A_510] : memref<4x10240xf32, #tpu.memory_space<vmem>> -> memref<4x10240xf32, #tpu.memory_space<vmem>>
      %gather3A_512 = tpu.vector_load_idx %gather3A_511[%broadcast_in_dim3A_508, %get3A_492] : memref<4x10240xf32, #tpu.memory_space<vmem>>[vector<16xi32>, vector<16xi32>], vector<16xf32>,
      %max3A_513 = arith.maximumf %max3A_479, %gather3A_512 : vector<16xf32>
      %broadcast_in_dim3A_514 = arith.constant 3 : i32
      %broadcast_in_dim3A_515 = vector.broadcast %broadcast_in_dim3A_514 : i32 to vector<16xi32>
      %gather3A_516 = arith.constant 0 : i32
      %gather3A_517 = arith.constant 0 : i32
      %gather3A_518 = tpu.memref_slice %arg8[%gather3A_516, %gather3A_517] : memref<4x10240xf32, #tpu.memory_space<vmem>> -> memref<4x10240xf32, #tpu.memory_space<vmem>>
      %gather3A_519 = tpu.vector_load_idx %gather3A_518[%broadcast_in_dim3A_515, %get3A_492] : memref<4x10240xf32, #tpu.memory_space<vmem>>[vector<16xi32>, vector<16xi32>], vector<16xf32>,
      %max3A_520 = arith.maximumf %max3A_486, %gather3A_519 : vector<16xf32>
      %mul3A_521 = arith.constant 16 : i32
      %mul3A_522 = arith.muli %scan3A_20, %mul3A_521 : i32
      %add3A_523 = arith.constant 15360 : i32
      %add3A_524 = arith.addi %add3A_523, %mul3A_522 : i32
      %get3A_525 = arith.index_cast %add3A_524 : i32 to index
      %get3A_526 = tpu.vector_load %arg9[%get3A_525] {strides = array<i32>} : memref<32768xi32, #tpu.memory_space<vmem>>, vector<16xi32>,
      %broadcast_in_dim3A_527 = arith.constant 0 : i32
      %broadcast_in_dim3A_528 = vector.broadcast %broadcast_in_dim3A_527 : i32 to vector<16xi32>
      %gather3A_529 = arith.constant 0 : i32
      %gather3A_530 = arith.constant 0 : i32
      %gather3A_531 = tpu.memref_slice %arg8[%gather3A_529, %gather3A_530] : memref<4x10240xf32, #tpu.memory_space<vmem>> -> memref<4x10240xf32, #tpu.memory_space<vmem>>
      %gather3A_532 = tpu.vector_load_idx %gather3A_531[%broadcast_in_dim3A_528, %get3A_526] : memref<4x10240xf32, #tpu.memory_space<vmem>>[vector<16xi32>, vector<16xi32>], vector<16xf32>,
      %max3A_533 = arith.maximumf %max3A_499, %gather3A_532 : vector<16xf32>
      %broadcast_in_dim3A_534 = arith.constant 1 : i32
      %broadcast_in_dim3A_535 = vector.broadcast %broadcast_in_dim3A_534 : i32 to vector<16xi32>
      %gather3A_536 = arith.constant 0 : i32
      %gather3A_537 = arith.constant 0 : i32
      %gather3A_538 = tpu.memref_slice %arg8[%gather3A_536, %gather3A_537] : memref<4x10240xf32, #tpu.memory_space<vmem>> -> memref<4x10240xf32, #tpu.memory_space<vmem>>
      %gather3A_539 = tpu.vector_load_idx %gather3A_538[%broadcast_in_dim3A_535, %get3A_526] : memref<4x10240xf32, #tpu.memory_space<vmem>>[vector<16xi32>, vector<16xi32>], vector<16xf32>,
      %max3A_540 = arith.maximumf %max3A_506, %gather3A_539 : vector<16xf32>
      %broadcast_in_dim3A_541 = arith.constant 2 : i32
      %broadcast_in_dim3A_542 = vector.broadcast %broadcast_in_dim3A_541 : i32 to vector<16xi32>
      %gather3A_543 = arith.constant 0 : i32
      %gather3A_544 = arith.constant 0 : i32
      %gather3A_545 = tpu.memref_slice %arg8[%gather3A_543, %gather3A_544] : memref<4x10240xf32, #tpu.memory_space<vmem>> -> memref<4x10240xf32, #tpu.memory_space<vmem>>
      %gather3A_546 = tpu.vector_load_idx %gather3A_545[%broadcast_in_dim3A_542, %get3A_526] : memref<4x10240xf32, #tpu.memory_space<vmem>>[vector<16xi32>, vector<16xi32>], vector<16xf32>,
      %max3A_547 = arith.maximumf %max3A_513, %gather3A_546 : vector<16xf32>
      %broadcast_in_dim3A_548 = arith.constant 3 : i32
      %broadcast_in_dim3A_549 = vector.broadcast %broadcast_in_dim3A_548 : i32 to vector<16xi32>
      %gather3A_550 = arith.constant 0 : i32
      %gather3A_551 = arith.constant 0 : i32
      %gather3A_552 = tpu.memref_slice %arg8[%gather3A_550, %gather3A_551] : memref<4x10240xf32, #tpu.memory_space<vmem>> -> memref<4x10240xf32, #tpu.memory_space<vmem>>
      %gather3A_553 = tpu.vector_load_idx %gather3A_552[%broadcast_in_dim3A_549, %get3A_526] : memref<4x10240xf32, #tpu.memory_space<vmem>>[vector<16xi32>, vector<16xi32>], vector<16xf32>,
      %max3A_554 = arith.maximumf %max3A_520, %gather3A_553 : vector<16xf32>
      %mul3A_555 = arith.constant 16 : i32
      %mul3A_556 = arith.muli %scan3A_20, %mul3A_555 : i32
      %add3A_557 = arith.constant 16384 : i32
      %add3A_558 = arith.addi %add3A_557, %mul3A_556 : i32
      %get3A_559 = arith.index_cast %add3A_558 : i32 to index
      %get3A_560 = tpu.vector_load %arg9[%get3A_559] {strides = array<i32>} : memref<32768xi32, #tpu.memory_space<vmem>>, vector<16xi32>,
      %broadcast_in_dim3A_561 = arith.constant 0 : i32
      %broadcast_in_dim3A_562 = vector.broadcast %broadcast_in_dim3A_561 : i32 to vector<16xi32>
      %gather3A_563 = arith.constant 0 : i32
      %gather3A_564 = arith.constant 0 : i32
      %gather3A_565 = tpu.memref_slice %arg8[%gather3A_563, %gather3A_564] : memref<4x10240xf32, #tpu.memory_space<vmem>> -> memref<4x10240xf32, #tpu.memory_space<vmem>>
      %gather3A_566 = tpu.vector_load_idx %gather3A_565[%broadcast_in_dim3A_562, %get3A_560] : memref<4x10240xf32, #tpu.memory_space<vmem>>[vector<16xi32>, vector<16xi32>], vector<16xf32>,
      %max3A_567 = arith.maximumf %max3A_533, %gather3A_566 : vector<16xf32>
      %broadcast_in_dim3A_568 = arith.constant 1 : i32
      %broadcast_in_dim3A_569 = vector.broadcast %broadcast_in_dim3A_568 : i32 to vector<16xi32>
      %gather3A_570 = arith.constant 0 : i32
      %gather3A_571 = arith.constant 0 : i32
      %gather3A_572 = tpu.memref_slice %arg8[%gather3A_570, %gather3A_571] : memref<4x10240xf32, #tpu.memory_space<vmem>> -> memref<4x10240xf32, #tpu.memory_space<vmem>>
      %gather3A_573 = tpu.vector_load_idx %gather3A_572[%broadcast_in_dim3A_569, %get3A_560] : memref<4x10240xf32, #tpu.memory_space<vmem>>[vector<16xi32>, vector<16xi32>], vector<16xf32>,
      %max3A_574 = arith.maximumf %max3A_540, %gather3A_573 : vector<16xf32>
      %broadcast_in_dim3A_575 = arith.constant 2 : i32
      %broadcast_in_dim3A_576 = vector.broadcast %broadcast_in_dim3A_575 : i32 to vector<16xi32>
      %gather3A_577 = arith.constant 0 : i32
      %gather3A_578 = arith.constant 0 : i32
      %gather3A_579 = tpu.memref_slice %arg8[%gather3A_577, %gather3A_578] : memref<4x10240xf32, #tpu.memory_space<vmem>> -> memref<4x10240xf32, #tpu.memory_space<vmem>>
      %gather3A_580 = tpu.vector_load_idx %gather3A_579[%broadcast_in_dim3A_576, %get3A_560] : memref<4x10240xf32, #tpu.memory_space<vmem>>[vector<16xi32>, vector<16xi32>], vector<16xf32>,
      %max3A_581 = arith.maximumf %max3A_547, %gather3A_580 : vector<16xf32>
      %broadcast_in_dim3A_582 = arith.constant 3 : i32
      %broadcast_in_dim3A_583 = vector.broadcast %broadcast_in_dim3A_582 : i32 to vector<16xi32>
      %gather3A_584 = arith.constant 0 : i32
      %gather3A_585 = arith.constant 0 : i32
      %gather3A_586 = tpu.memref_slice %arg8[%gather3A_584, %gather3A_585] : memref<4x10240xf32, #tpu.memory_space<vmem>> -> memref<4x10240xf32, #tpu.memory_space<vmem>>
      %gather3A_587 = tpu.vector_load_idx %gather3A_586[%broadcast_in_dim3A_583, %get3A_560] : memref<4x10240xf32, #tpu.memory_space<vmem>>[vector<16xi32>, vector<16xi32>], vector<16xf32>,
      %max3A_588 = arith.maximumf %max3A_554, %gather3A_587 : vector<16xf32>
      %mul3A_589 = arith.constant 16 : i32
      %mul3A_590 = arith.muli %scan3A_20, %mul3A_589 : i32
      %add3A_591 = arith.constant 17408 : i32
      %add3A_592 = arith.addi %add3A_591, %mul3A_590 : i32
      %get3A_593 = arith.index_cast %add3A_592 : i32 to index
      %get3A_594 = tpu.vector_load %arg9[%get3A_593] {strides = array<i32>} : memref<32768xi32, #tpu.memory_space<vmem>>, vector<16xi32>,
      %broadcast_in_dim3A_595 = arith.constant 0 : i32
      %broadcast_in_dim3A_596 = vector.broadcast %broadcast_in_dim3A_595 : i32 to vector<16xi32>
      %gather3A_597 = arith.constant 0 : i32
      %gather3A_598 = arith.constant 0 : i32
      %gather3A_599 = tpu.memref_slice %arg8[%gather3A_597, %gather3A_598] : memref<4x10240xf32, #tpu.memory_space<vmem>> -> memref<4x10240xf32, #tpu.memory_space<vmem>>
      %gather3A_600 = tpu.vector_load_idx %gather3A_599[%broadcast_in_dim3A_596, %get3A_594] : memref<4x10240xf32, #tpu.memory_space<vmem>>[vector<16xi32>, vector<16xi32>], vector<16xf32>,
      %max3A_601 = arith.maximumf %max3A_567, %gather3A_600 : vector<16xf32>
      %broadcast_in_dim3A_602 = arith.constant 1 : i32
      %broadcast_in_dim3A_603 = vector.broadcast %broadcast_in_dim3A_602 : i32 to vector<16xi32>
      %gather3A_604 = arith.constant 0 : i32
      %gather3A_605 = arith.constant 0 : i32
      %gather3A_606 = tpu.memref_slice %arg8[%gather3A_604, %gather3A_605] : memref<4x10240xf32, #tpu.memory_space<vmem>> -> memref<4x10240xf32, #tpu.memory_space<vmem>>
      %gather3A_607 = tpu.vector_load_idx %gather3A_606[%broadcast_in_dim3A_603, %get3A_594] : memref<4x10240xf32, #tpu.memory_space<vmem>>[vector<16xi32>, vector<16xi32>], vector<16xf32>,
      %max3A_608 = arith.maximumf %max3A_574, %gather3A_607 : vector<16xf32>
      %broadcast_in_dim3A_609 = arith.constant 2 : i32
      %broadcast_in_dim3A_610 = vector.broadcast %broadcast_in_dim3A_609 : i32 to vector<16xi32>
      %gather3A_611 = arith.constant 0 : i32
      %gather3A_612 = arith.constant 0 : i32
      %gather3A_613 = tpu.memref_slice %arg8[%gather3A_611, %gather3A_612] : memref<4x10240xf32, #tpu.memory_space<vmem>> -> memref<4x10240xf32, #tpu.memory_space<vmem>>
      %gather3A_614 = tpu.vector_load_idx %gather3A_613[%broadcast_in_dim3A_610, %get3A_594] : memref<4x10240xf32, #tpu.memory_space<vmem>>[vector<16xi32>, vector<16xi32>], vector<16xf32>,
      %max3A_615 = arith.maximumf %max3A_581, %gather3A_614 : vector<16xf32>
      %broadcast_in_dim3A_616 = arith.constant 3 : i32
      %broadcast_in_dim3A_617 = vector.broadcast %broadcast_in_dim3A_616 : i32 to vector<16xi32>
      %gather3A_618 = arith.constant 0 : i32
      %gather3A_619 = arith.constant 0 : i32
      %gather3A_620 = tpu.memref_slice %arg8[%gather3A_618, %gather3A_619] : memref<4x10240xf32, #tpu.memory_space<vmem>> -> memref<4x10240xf32, #tpu.memory_space<vmem>>
      %gather3A_621 = tpu.vector_load_idx %gather3A_620[%broadcast_in_dim3A_617, %get3A_594] : memref<4x10240xf32, #tpu.memory_space<vmem>>[vector<16xi32>, vector<16xi32>], vector<16xf32>,
      %max3A_622 = arith.maximumf %max3A_588, %gather3A_621 : vector<16xf32>
      %mul3A_623 = arith.constant 16 : i32
      %mul3A_624 = arith.muli %scan3A_20, %mul3A_623 : i32
      %add3A_625 = arith.constant 18432 : i32
      %add3A_626 = arith.addi %add3A_625, %mul3A_624 : i32
      %get3A_627 = arith.index_cast %add3A_626 : i32 to index
      %get3A_628 = tpu.vector_load %arg9[%get3A_627] {strides = array<i32>} : memref<32768xi32, #tpu.memory_space<vmem>>, vector<16xi32>,
      %broadcast_in_dim3A_629 = arith.constant 0 : i32
      %broadcast_in_dim3A_630 = vector.broadcast %broadcast_in_dim3A_629 : i32 to vector<16xi32>
      %gather3A_631 = arith.constant 0 : i32
      %gather3A_632 = arith.constant 0 : i32
      %gather3A_633 = tpu.memref_slice %arg8[%gather3A_631, %gather3A_632] : memref<4x10240xf32, #tpu.memory_space<vmem>> -> memref<4x10240xf32, #tpu.memory_space<vmem>>
      %gather3A_634 = tpu.vector_load_idx %gather3A_633[%broadcast_in_dim3A_630, %get3A_628] : memref<4x10240xf32, #tpu.memory_space<vmem>>[vector<16xi32>, vector<16xi32>], vector<16xf32>,
      %max3A_635 = arith.maximumf %max3A_601, %gather3A_634 : vector<16xf32>
      %broadcast_in_dim3A_636 = arith.constant 1 : i32
      %broadcast_in_dim3A_637 = vector.broadcast %broadcast_in_dim3A_636 : i32 to vector<16xi32>
      %gather3A_638 = arith.constant 0 : i32
      %gather3A_639 = arith.constant 0 : i32
      %gather3A_640 = tpu.memref_slice %arg8[%gather3A_638, %gather3A_639] : memref<4x10240xf32, #tpu.memory_space<vmem>> -> memref<4x10240xf32, #tpu.memory_space<vmem>>
      %gather3A_641 = tpu.vector_load_idx %gather3A_640[%broadcast_in_dim3A_637, %get3A_628] : memref<4x10240xf32, #tpu.memory_space<vmem>>[vector<16xi32>, vector<16xi32>], vector<16xf32>,
      %max3A_642 = arith.maximumf %max3A_608, %gather3A_641 : vector<16xf32>
      %broadcast_in_dim3A_643 = arith.constant 2 : i32
      %broadcast_in_dim3A_644 = vector.broadcast %broadcast_in_dim3A_643 : i32 to vector<16xi32>
      %gather3A_645 = arith.constant 0 : i32
      %gather3A_646 = arith.constant 0 : i32
      %gather3A_647 = tpu.memref_slice %arg8[%gather3A_645, %gather3A_646] : memref<4x10240xf32, #tpu.memory_space<vmem>> -> memref<4x10240xf32, #tpu.memory_space<vmem>>
      %gather3A_648 = tpu.vector_load_idx %gather3A_647[%broadcast_in_dim3A_644, %get3A_628] : memref<4x10240xf32, #tpu.memory_space<vmem>>[vector<16xi32>, vector<16xi32>], vector<16xf32>,
      %max3A_649 = arith.maximumf %max3A_615, %gather3A_648 : vector<16xf32>
      %broadcast_in_dim3A_650 = arith.constant 3 : i32
      %broadcast_in_dim3A_651 = vector.broadcast %broadcast_in_dim3A_650 : i32 to vector<16xi32>
      %gather3A_652 = arith.constant 0 : i32
      %gather3A_653 = arith.constant 0 : i32
      %gather3A_654 = tpu.memref_slice %arg8[%gather3A_652, %gather3A_653] : memref<4x10240xf32, #tpu.memory_space<vmem>> -> memref<4x10240xf32, #tpu.memory_space<vmem>>
      %gather3A_655 = tpu.vector_load_idx %gather3A_654[%broadcast_in_dim3A_651, %get3A_628] : memref<4x10240xf32, #tpu.memory_space<vmem>>[vector<16xi32>, vector<16xi32>], vector<16xf32>,
      %max3A_656 = arith.maximumf %max3A_622, %gather3A_655 : vector<16xf32>
      %mul3A_657 = arith.constant 16 : i32
      %mul3A_658 = arith.muli %scan3A_20, %mul3A_657 : i32
      %add3A_659 = arith.constant 19456 : i32
      %add3A_660 = arith.addi %add3A_659, %mul3A_658 : i32
      %get3A_661 = arith.index_cast %add3A_660 : i32 to index
      %get3A_662 = tpu.vector_load %arg9[%get3A_661] {strides = array<i32>} : memref<32768xi32, #tpu.memory_space<vmem>>, vector<16xi32>,
      %broadcast_in_dim3A_663 = arith.constant 0 : i32
      %broadcast_in_dim3A_664 = vector.broadcast %broadcast_in_dim3A_663 : i32 to vector<16xi32>
      %gather3A_665 = arith.constant 0 : i32
      %gather3A_666 = arith.constant 0 : i32
      %gather3A_667 = tpu.memref_slice %arg8[%gather3A_665, %gather3A_666] : memref<4x10240xf32, #tpu.memory_space<vmem>> -> memref<4x10240xf32, #tpu.memory_space<vmem>>
      %gather3A_668 = tpu.vector_load_idx %gather3A_667[%broadcast_in_dim3A_664, %get3A_662] : memref<4x10240xf32, #tpu.memory_space<vmem>>[vector<16xi32>, vector<16xi32>], vector<16xf32>,
      %max3A_669 = arith.maximumf %max3A_635, %gather3A_668 : vector<16xf32>
      %broadcast_in_dim3A_670 = arith.constant 1 : i32
      %broadcast_in_dim3A_671 = vector.broadcast %broadcast_in_dim3A_670 : i32 to vector<16xi32>
      %gather3A_672 = arith.constant 0 : i32
      %gather3A_673 = arith.constant 0 : i32
      %gather3A_674 = tpu.memref_slice %arg8[%gather3A_672, %gather3A_673] : memref<4x10240xf32, #tpu.memory_space<vmem>> -> memref<4x10240xf32, #tpu.memory_space<vmem>>
      %gather3A_675 = tpu.vector_load_idx %gather3A_674[%broadcast_in_dim3A_671, %get3A_662] : memref<4x10240xf32, #tpu.memory_space<vmem>>[vector<16xi32>, vector<16xi32>], vector<16xf32>,
      %max3A_676 = arith.maximumf %max3A_642, %gather3A_675 : vector<16xf32>
      %broadcast_in_dim3A_677 = arith.constant 2 : i32
      %broadcast_in_dim3A_678 = vector.broadcast %broadcast_in_dim3A_677 : i32 to vector<16xi32>
      %gather3A_679 = arith.constant 0 : i32
      %gather3A_680 = arith.constant 0 : i32
      %gather3A_681 = tpu.memref_slice %arg8[%gather3A_679, %gather3A_680] : memref<4x10240xf32, #tpu.memory_space<vmem>> -> memref<4x10240xf32, #tpu.memory_space<vmem>>
      %gather3A_682 = tpu.vector_load_idx %gather3A_681[%broadcast_in_dim3A_678, %get3A_662] : memref<4x10240xf32, #tpu.memory_space<vmem>>[vector<16xi32>, vector<16xi32>], vector<16xf32>,
      %max3A_683 = arith.maximumf %max3A_649, %gather3A_682 : vector<16xf32>
      %broadcast_in_dim3A_684 = arith.constant 3 : i32
      %broadcast_in_dim3A_685 = vector.broadcast %broadcast_in_dim3A_684 : i32 to vector<16xi32>
      %gather3A_686 = arith.constant 0 : i32
      %gather3A_687 = arith.constant 0 : i32
      %gather3A_688 = tpu.memref_slice %arg8[%gather3A_686, %gather3A_687] : memref<4x10240xf32, #tpu.memory_space<vmem>> -> memref<4x10240xf32, #tpu.memory_space<vmem>>
      %gather3A_689 = tpu.vector_load_idx %gather3A_688[%broadcast_in_dim3A_685, %get3A_662] : memref<4x10240xf32, #tpu.memory_space<vmem>>[vector<16xi32>, vector<16xi32>], vector<16xf32>,
      %max3A_690 = arith.maximumf %max3A_656, %gather3A_689 : vector<16xf32>
      %mul3A_691 = arith.constant 16 : i32
      %mul3A_692 = arith.muli %scan3A_20, %mul3A_691 : i32
      %add3A_693 = arith.constant 20480 : i32
      %add3A_694 = arith.addi %add3A_693, %mul3A_692 : i32
      %get3A_695 = arith.index_cast %add3A_694 : i32 to index
      %get3A_696 = tpu.vector_load %arg9[%get3A_695] {strides = array<i32>} : memref<32768xi32, #tpu.memory_space<vmem>>, vector<16xi32>,
      %broadcast_in_dim3A_697 = arith.constant 0 : i32
      %broadcast_in_dim3A_698 = vector.broadcast %broadcast_in_dim3A_697 : i32 to vector<16xi32>
      %gather3A_699 = arith.constant 0 : i32
      %gather3A_700 = arith.constant 0 : i32
      %gather3A_701 = tpu.memref_slice %arg8[%gather3A_699, %gather3A_700] : memref<4x10240xf32, #tpu.memory_space<vmem>> -> memref<4x10240xf32, #tpu.memory_space<vmem>>
      %gather3A_702 = tpu.vector_load_idx %gather3A_701[%broadcast_in_dim3A_698, %get3A_696] : memref<4x10240xf32, #tpu.memory_space<vmem>>[vector<16xi32>, vector<16xi32>], vector<16xf32>,
      %max3A_703 = arith.maximumf %max3A_669, %gather3A_702 : vector<16xf32>
      %broadcast_in_dim3A_704 = arith.constant 1 : i32
      %broadcast_in_dim3A_705 = vector.broadcast %broadcast_in_dim3A_704 : i32 to vector<16xi32>
      %gather3A_706 = arith.constant 0 : i32
      %gather3A_707 = arith.constant 0 : i32
      %gather3A_708 = tpu.memref_slice %arg8[%gather3A_706, %gather3A_707] : memref<4x10240xf32, #tpu.memory_space<vmem>> -> memref<4x10240xf32, #tpu.memory_space<vmem>>
      %gather3A_709 = tpu.vector_load_idx %gather3A_708[%broadcast_in_dim3A_705, %get3A_696] : memref<4x10240xf32, #tpu.memory_space<vmem>>[vector<16xi32>, vector<16xi32>], vector<16xf32>,
      %max3A_710 = arith.maximumf %max3A_676, %gather3A_709 : vector<16xf32>
      %broadcast_in_dim3A_711 = arith.constant 2 : i32
      %broadcast_in_dim3A_712 = vector.broadcast %broadcast_in_dim3A_711 : i32 to vector<16xi32>
      %gather3A_713 = arith.constant 0 : i32
      %gather3A_714 = arith.constant 0 : i32
      %gather3A_715 = tpu.memref_slice %arg8[%gather3A_713, %gather3A_714] : memref<4x10240xf32, #tpu.memory_space<vmem>> -> memref<4x10240xf32, #tpu.memory_space<vmem>>
      %gather3A_716 = tpu.vector_load_idx %gather3A_715[%broadcast_in_dim3A_712, %get3A_696] : memref<4x10240xf32, #tpu.memory_space<vmem>>[vector<16xi32>, vector<16xi32>], vector<16xf32>,
      %max3A_717 = arith.maximumf %max3A_683, %gather3A_716 : vector<16xf32>
      %broadcast_in_dim3A_718 = arith.constant 3 : i32
      %broadcast_in_dim3A_719 = vector.broadcast %broadcast_in_dim3A_718 : i32 to vector<16xi32>
      %gather3A_720 = arith.constant 0 : i32
      %gather3A_721 = arith.constant 0 : i32
      %gather3A_722 = tpu.memref_slice %arg8[%gather3A_720, %gather3A_721] : memref<4x10240xf32, #tpu.memory_space<vmem>> -> memref<4x10240xf32, #tpu.memory_space<vmem>>
      %gather3A_723 = tpu.vector_load_idx %gather3A_722[%broadcast_in_dim3A_719, %get3A_696] : memref<4x10240xf32, #tpu.memory_space<vmem>>[vector<16xi32>, vector<16xi32>], vector<16xf32>,
      %max3A_724 = arith.maximumf %max3A_690, %gather3A_723 : vector<16xf32>
      %mul3A_725 = arith.constant 16 : i32
      %mul3A_726 = arith.muli %scan3A_20, %mul3A_725 : i32
      %add3A_727 = arith.constant 21504 : i32
      %add3A_728 = arith.addi %add3A_727, %mul3A_726 : i32
      %get3A_729 = arith.index_cast %add3A_728 : i32 to index
      %get3A_730 = tpu.vector_load %arg9[%get3A_729] {strides = array<i32>} : memref<32768xi32, #tpu.memory_space<vmem>>, vector<16xi32>,
      %broadcast_in_dim3A_731 = arith.constant 0 : i32
      %broadcast_in_dim3A_732 = vector.broadcast %broadcast_in_dim3A_731 : i32 to vector<16xi32>
      %gather3A_733 = arith.constant 0 : i32
      %gather3A_734 = arith.constant 0 : i32
      %gather3A_735 = tpu.memref_slice %arg8[%gather3A_733, %gather3A_734] : memref<4x10240xf32, #tpu.memory_space<vmem>> -> memref<4x10240xf32, #tpu.memory_space<vmem>>
      %gather3A_736 = tpu.vector_load_idx %gather3A_735[%broadcast_in_dim3A_732, %get3A_730] : memref<4x10240xf32, #tpu.memory_space<vmem>>[vector<16xi32>, vector<16xi32>], vector<16xf32>,
      %max3A_737 = arith.maximumf %max3A_703, %gather3A_736 : vector<16xf32>
      %broadcast_in_dim3A_738 = arith.constant 1 : i32
      %broadcast_in_dim3A_739 = vector.broadcast %broadcast_in_dim3A_738 : i32 to vector<16xi32>
      %gather3A_740 = arith.constant 0 : i32
      %gather3A_741 = arith.constant 0 : i32
      %gather3A_742 = tpu.memref_slice %arg8[%gather3A_740, %gather3A_741] : memref<4x10240xf32, #tpu.memory_space<vmem>> -> memref<4x10240xf32, #tpu.memory_space<vmem>>
      %gather3A_743 = tpu.vector_load_idx %gather3A_742[%broadcast_in_dim3A_739, %get3A_730] : memref<4x10240xf32, #tpu.memory_space<vmem>>[vector<16xi32>, vector<16xi32>], vector<16xf32>,
      %max3A_744 = arith.maximumf %max3A_710, %gather3A_743 : vector<16xf32>
      %broadcast_in_dim3A_745 = arith.constant 2 : i32
      %broadcast_in_dim3A_746 = vector.broadcast %broadcast_in_dim3A_745 : i32 to vector<16xi32>
      %gather3A_747 = arith.constant 0 : i32
      %gather3A_748 = arith.constant 0 : i32
      %gather3A_749 = tpu.memref_slice %arg8[%gather3A_747, %gather3A_748] : memref<4x10240xf32, #tpu.memory_space<vmem>> -> memref<4x10240xf32, #tpu.memory_space<vmem>>
      %gather3A_750 = tpu.vector_load_idx %gather3A_749[%broadcast_in_dim3A_746, %get3A_730] : memref<4x10240xf32, #tpu.memory_space<vmem>>[vector<16xi32>, vector<16xi32>], vector<16xf32>,
      %max3A_751 = arith.maximumf %max3A_717, %gather3A_750 : vector<16xf32>
      %broadcast_in_dim3A_752 = arith.constant 3 : i32
      %broadcast_in_dim3A_753 = vector.broadcast %broadcast_in_dim3A_752 : i32 to vector<16xi32>
      %gather3A_754 = arith.constant 0 : i32
      %gather3A_755 = arith.constant 0 : i32
      %gather3A_756 = tpu.memref_slice %arg8[%gather3A_754, %gather3A_755] : memref<4x10240xf32, #tpu.memory_space<vmem>> -> memref<4x10240xf32, #tpu.memory_space<vmem>>
      %gather3A_757 = tpu.vector_load_idx %gather3A_756[%broadcast_in_dim3A_753, %get3A_730] : memref<4x10240xf32, #tpu.memory_space<vmem>>[vector<16xi32>, vector<16xi32>], vector<16xf32>,
      %max3A_758 = arith.maximumf %max3A_724, %gather3A_757 : vector<16xf32>
      %mul3A_759 = arith.constant 16 : i32
      %mul3A_760 = arith.muli %scan3A_20, %mul3A_759 : i32
      %add3A_761 = arith.constant 22528 : i32
      %add3A_762 = arith.addi %add3A_761, %mul3A_760 : i32
      %get3A_763 = arith.index_cast %add3A_762 : i32 to index
      %get3A_764 = tpu.vector_load %arg9[%get3A_763] {strides = array<i32>} : memref<32768xi32, #tpu.memory_space<vmem>>, vector<16xi32>,
      %broadcast_in_dim3A_765 = arith.constant 0 : i32
      %broadcast_in_dim3A_766 = vector.broadcast %broadcast_in_dim3A_765 : i32 to vector<16xi32>
      %gather3A_767 = arith.constant 0 : i32
      %gather3A_768 = arith.constant 0 : i32
      %gather3A_769 = tpu.memref_slice %arg8[%gather3A_767, %gather3A_768] : memref<4x10240xf32, #tpu.memory_space<vmem>> -> memref<4x10240xf32, #tpu.memory_space<vmem>>
      %gather3A_770 = tpu.vector_load_idx %gather3A_769[%broadcast_in_dim3A_766, %get3A_764] : memref<4x10240xf32, #tpu.memory_space<vmem>>[vector<16xi32>, vector<16xi32>], vector<16xf32>,
      %max3A_771 = arith.maximumf %max3A_737, %gather3A_770 : vector<16xf32>
      %broadcast_in_dim3A_772 = arith.constant 1 : i32
      %broadcast_in_dim3A_773 = vector.broadcast %broadcast_in_dim3A_772 : i32 to vector<16xi32>
      %gather3A_774 = arith.constant 0 : i32
      %gather3A_775 = arith.constant 0 : i32
      %gather3A_776 = tpu.memref_slice %arg8[%gather3A_774, %gather3A_775] : memref<4x10240xf32, #tpu.memory_space<vmem>> -> memref<4x10240xf32, #tpu.memory_space<vmem>>
      %gather3A_777 = tpu.vector_load_idx %gather3A_776[%broadcast_in_dim3A_773, %get3A_764] : memref<4x10240xf32, #tpu.memory_space<vmem>>[vector<16xi32>, vector<16xi32>], vector<16xf32>,
      %max3A_778 = arith.maximumf %max3A_744, %gather3A_777 : vector<16xf32>
      %broadcast_in_dim3A_779 = arith.constant 2 : i32
      %broadcast_in_dim3A_780 = vector.broadcast %broadcast_in_dim3A_779 : i32 to vector<16xi32>
      %gather3A_781 = arith.constant 0 : i32
      %gather3A_782 = arith.constant 0 : i32
      %gather3A_783 = tpu.memref_slice %arg8[%gather3A_781, %gather3A_782] : memref<4x10240xf32, #tpu.memory_space<vmem>> -> memref<4x10240xf32, #tpu.memory_space<vmem>>
      %gather3A_784 = tpu.vector_load_idx %gather3A_783[%broadcast_in_dim3A_780, %get3A_764] : memref<4x10240xf32, #tpu.memory_space<vmem>>[vector<16xi32>, vector<16xi32>], vector<16xf32>,
      %max3A_785 = arith.maximumf %max3A_751, %gather3A_784 : vector<16xf32>
      %broadcast_in_dim3A_786 = arith.constant 3 : i32
      %broadcast_in_dim3A_787 = vector.broadcast %broadcast_in_dim3A_786 : i32 to vector<16xi32>
      %gather3A_788 = arith.constant 0 : i32
      %gather3A_789 = arith.constant 0 : i32
      %gather3A_790 = tpu.memref_slice %arg8[%gather3A_788, %gather3A_789] : memref<4x10240xf32, #tpu.memory_space<vmem>> -> memref<4x10240xf32, #tpu.memory_space<vmem>>
      %gather3A_791 = tpu.vector_load_idx %gather3A_790[%broadcast_in_dim3A_787, %get3A_764] : memref<4x10240xf32, #tpu.memory_space<vmem>>[vector<16xi32>, vector<16xi32>], vector<16xf32>,
      %max3A_792 = arith.maximumf %max3A_758, %gather3A_791 : vector<16xf32>
      %mul3A_793 = arith.constant 16 : i32
      %mul3A_794 = arith.muli %scan3A_20, %mul3A_793 : i32
      %add3A_795 = arith.constant 23552 : i32
      %add3A_796 = arith.addi %add3A_795, %mul3A_794 : i32
      %get3A_797 = arith.index_cast %add3A_796 : i32 to index
      %get3A_798 = tpu.vector_load %arg9[%get3A_797] {strides = array<i32>} : memref<32768xi32, #tpu.memory_space<vmem>>, vector<16xi32>,
      %broadcast_in_dim3A_799 = arith.constant 0 : i32
      %broadcast_in_dim3A_800 = vector.broadcast %broadcast_in_dim3A_799 : i32 to vector<16xi32>
      %gather3A_801 = arith.constant 0 : i32
      %gather3A_802 = arith.constant 0 : i32
      %gather3A_803 = tpu.memref_slice %arg8[%gather3A_801, %gather3A_802] : memref<4x10240xf32, #tpu.memory_space<vmem>> -> memref<4x10240xf32, #tpu.memory_space<vmem>>
      %gather3A_804 = tpu.vector_load_idx %gather3A_803[%broadcast_in_dim3A_800, %get3A_798] : memref<4x10240xf32, #tpu.memory_space<vmem>>[vector<16xi32>, vector<16xi32>], vector<16xf32>,
      %max3A_805 = arith.maximumf %max3A_771, %gather3A_804 : vector<16xf32>
      %broadcast_in_dim3A_806 = arith.constant 1 : i32
      %broadcast_in_dim3A_807 = vector.broadcast %broadcast_in_dim3A_806 : i32 to vector<16xi32>
      %gather3A_808 = arith.constant 0 : i32
      %gather3A_809 = arith.constant 0 : i32
      %gather3A_810 = tpu.memref_slice %arg8[%gather3A_808, %gather3A_809] : memref<4x10240xf32, #tpu.memory_space<vmem>> -> memref<4x10240xf32, #tpu.memory_space<vmem>>
      %gather3A_811 = tpu.vector_load_idx %gather3A_810[%broadcast_in_dim3A_807, %get3A_798] : memref<4x10240xf32, #tpu.memory_space<vmem>>[vector<16xi32>, vector<16xi32>], vector<16xf32>,
      %max3A_812 = arith.maximumf %max3A_778, %gather3A_811 : vector<16xf32>
      %broadcast_in_dim3A_813 = arith.constant 2 : i32
      %broadcast_in_dim3A_814 = vector.broadcast %broadcast_in_dim3A_813 : i32 to vector<16xi32>
      %gather3A_815 = arith.constant 0 : i32
      %gather3A_816 = arith.constant 0 : i32
      %gather3A_817 = tpu.memref_slice %arg8[%gather3A_815, %gather3A_816] : memref<4x10240xf32, #tpu.memory_space<vmem>> -> memref<4x10240xf32, #tpu.memory_space<vmem>>
      %gather3A_818 = tpu.vector_load_idx %gather3A_817[%broadcast_in_dim3A_814, %get3A_798] : memref<4x10240xf32, #tpu.memory_space<vmem>>[vector<16xi32>, vector<16xi32>], vector<16xf32>,
      %max3A_819 = arith.maximumf %max3A_785, %gather3A_818 : vector<16xf32>
      %broadcast_in_dim3A_820 = arith.constant 3 : i32
      %broadcast_in_dim3A_821 = vector.broadcast %broadcast_in_dim3A_820 : i32 to vector<16xi32>
      %gather3A_822 = arith.constant 0 : i32
      %gather3A_823 = arith.constant 0 : i32
      %gather3A_824 = tpu.memref_slice %arg8[%gather3A_822, %gather3A_823] : memref<4x10240xf32, #tpu.memory_space<vmem>> -> memref<4x10240xf32, #tpu.memory_space<vmem>>
      %gather3A_825 = tpu.vector_load_idx %gather3A_824[%broadcast_in_dim3A_821, %get3A_798] : memref<4x10240xf32, #tpu.memory_space<vmem>>[vector<16xi32>, vector<16xi32>], vector<16xf32>,
      %max3A_826 = arith.maximumf %max3A_792, %gather3A_825 : vector<16xf32>
      %mul3A_827 = arith.constant 16 : i32
      %mul3A_828 = arith.muli %scan3A_20, %mul3A_827 : i32
      %add3A_829 = arith.constant 24576 : i32
      %add3A_830 = arith.addi %add3A_829, %mul3A_828 : i32
      %get3A_831 = arith.index_cast %add3A_830 : i32 to index
      %get3A_832 = tpu.vector_load %arg9[%get3A_831] {strides = array<i32>} : memref<32768xi32, #tpu.memory_space<vmem>>, vector<16xi32>,
      %broadcast_in_dim3A_833 = arith.constant 0 : i32
      %broadcast_in_dim3A_834 = vector.broadcast %broadcast_in_dim3A_833 : i32 to vector<16xi32>
      %gather3A_835 = arith.constant 0 : i32
      %gather3A_836 = arith.constant 0 : i32
      %gather3A_837 = tpu.memref_slice %arg8[%gather3A_835, %gather3A_836] : memref<4x10240xf32, #tpu.memory_space<vmem>> -> memref<4x10240xf32, #tpu.memory_space<vmem>>
      %gather3A_838 = tpu.vector_load_idx %gather3A_837[%broadcast_in_dim3A_834, %get3A_832] : memref<4x10240xf32, #tpu.memory_space<vmem>>[vector<16xi32>, vector<16xi32>], vector<16xf32>,
      %max3A_839 = arith.maximumf %max3A_805, %gather3A_838 : vector<16xf32>
      %broadcast_in_dim3A_840 = arith.constant 1 : i32
      %broadcast_in_dim3A_841 = vector.broadcast %broadcast_in_dim3A_840 : i32 to vector<16xi32>
      %gather3A_842 = arith.constant 0 : i32
      %gather3A_843 = arith.constant 0 : i32
      %gather3A_844 = tpu.memref_slice %arg8[%gather3A_842, %gather3A_843] : memref<4x10240xf32, #tpu.memory_space<vmem>> -> memref<4x10240xf32, #tpu.memory_space<vmem>>
      %gather3A_845 = tpu.vector_load_idx %gather3A_844[%broadcast_in_dim3A_841, %get3A_832] : memref<4x10240xf32, #tpu.memory_space<vmem>>[vector<16xi32>, vector<16xi32>], vector<16xf32>,
      %max3A_846 = arith.maximumf %max3A_812, %gather3A_845 : vector<16xf32>
      %broadcast_in_dim3A_847 = arith.constant 2 : i32
      %broadcast_in_dim3A_848 = vector.broadcast %broadcast_in_dim3A_847 : i32 to vector<16xi32>
      %gather3A_849 = arith.constant 0 : i32
      %gather3A_850 = arith.constant 0 : i32
      %gather3A_851 = tpu.memref_slice %arg8[%gather3A_849, %gather3A_850] : memref<4x10240xf32, #tpu.memory_space<vmem>> -> memref<4x10240xf32, #tpu.memory_space<vmem>>
      %gather3A_852 = tpu.vector_load_idx %gather3A_851[%broadcast_in_dim3A_848, %get3A_832] : memref<4x10240xf32, #tpu.memory_space<vmem>>[vector<16xi32>, vector<16xi32>], vector<16xf32>,
      %max3A_853 = arith.maximumf %max3A_819, %gather3A_852 : vector<16xf32>
      %broadcast_in_dim3A_854 = arith.constant 3 : i32
      %broadcast_in_dim3A_855 = vector.broadcast %broadcast_in_dim3A_854 : i32 to vector<16xi32>
      %gather3A_856 = arith.constant 0 : i32
      %gather3A_857 = arith.constant 0 : i32
      %gather3A_858 = tpu.memref_slice %arg8[%gather3A_856, %gather3A_857] : memref<4x10240xf32, #tpu.memory_space<vmem>> -> memref<4x10240xf32, #tpu.memory_space<vmem>>
      %gather3A_859 = tpu.vector_load_idx %gather3A_858[%broadcast_in_dim3A_855, %get3A_832] : memref<4x10240xf32, #tpu.memory_space<vmem>>[vector<16xi32>, vector<16xi32>], vector<16xf32>,
      %max3A_860 = arith.maximumf %max3A_826, %gather3A_859 : vector<16xf32>
      %mul3A_861 = arith.constant 16 : i32
      %mul3A_862 = arith.muli %scan3A_20, %mul3A_861 : i32
      %add3A_863 = arith.constant 25600 : i32
      %add3A_864 = arith.addi %add3A_863, %mul3A_862 : i32
      %get3A_865 = arith.index_cast %add3A_864 : i32 to index
      %get3A_866 = tpu.vector_load %arg9[%get3A_865] {strides = array<i32>} : memref<32768xi32, #tpu.memory_space<vmem>>, vector<16xi32>,
      %broadcast_in_dim3A_867 = arith.constant 0 : i32
      %broadcast_in_dim3A_868 = vector.broadcast %broadcast_in_dim3A_867 : i32 to vector<16xi32>
      %gather3A_869 = arith.constant 0 : i32
      %gather3A_870 = arith.constant 0 : i32
      %gather3A_871 = tpu.memref_slice %arg8[%gather3A_869, %gather3A_870] : memref<4x10240xf32, #tpu.memory_space<vmem>> -> memref<4x10240xf32, #tpu.memory_space<vmem>>
      %gather3A_872 = tpu.vector_load_idx %gather3A_871[%broadcast_in_dim3A_868, %get3A_866] : memref<4x10240xf32, #tpu.memory_space<vmem>>[vector<16xi32>, vector<16xi32>], vector<16xf32>,
      %max3A_873 = arith.maximumf %max3A_839, %gather3A_872 : vector<16xf32>
      %broadcast_in_dim3A_874 = arith.constant 1 : i32
      %broadcast_in_dim3A_875 = vector.broadcast %broadcast_in_dim3A_874 : i32 to vector<16xi32>
      %gather3A_876 = arith.constant 0 : i32
      %gather3A_877 = arith.constant 0 : i32
      %gather3A_878 = tpu.memref_slice %arg8[%gather3A_876, %gather3A_877] : memref<4x10240xf32, #tpu.memory_space<vmem>> -> memref<4x10240xf32, #tpu.memory_space<vmem>>
      %gather3A_879 = tpu.vector_load_idx %gather3A_878[%broadcast_in_dim3A_875, %get3A_866] : memref<4x10240xf32, #tpu.memory_space<vmem>>[vector<16xi32>, vector<16xi32>], vector<16xf32>,
      %max3A_880 = arith.maximumf %max3A_846, %gather3A_879 : vector<16xf32>
      %broadcast_in_dim3A_881 = arith.constant 2 : i32
      %broadcast_in_dim3A_882 = vector.broadcast %broadcast_in_dim3A_881 : i32 to vector<16xi32>
      %gather3A_883 = arith.constant 0 : i32
      %gather3A_884 = arith.constant 0 : i32
      %gather3A_885 = tpu.memref_slice %arg8[%gather3A_883, %gather3A_884] : memref<4x10240xf32, #tpu.memory_space<vmem>> -> memref<4x10240xf32, #tpu.memory_space<vmem>>
      %gather3A_886 = tpu.vector_load_idx %gather3A_885[%broadcast_in_dim3A_882, %get3A_866] : memref<4x10240xf32, #tpu.memory_space<vmem>>[vector<16xi32>, vector<16xi32>], vector<16xf32>,
      %max3A_887 = arith.maximumf %max3A_853, %gather3A_886 : vector<16xf32>
      %broadcast_in_dim3A_888 = arith.constant 3 : i32
      %broadcast_in_dim3A_889 = vector.broadcast %broadcast_in_dim3A_888 : i32 to vector<16xi32>
      %gather3A_890 = arith.constant 0 : i32
      %gather3A_891 = arith.constant 0 : i32
      %gather3A_892 = tpu.memref_slice %arg8[%gather3A_890, %gather3A_891] : memref<4x10240xf32, #tpu.memory_space<vmem>> -> memref<4x10240xf32, #tpu.memory_space<vmem>>
      %gather3A_893 = tpu.vector_load_idx %gather3A_892[%broadcast_in_dim3A_889, %get3A_866] : memref<4x10240xf32, #tpu.memory_space<vmem>>[vector<16xi32>, vector<16xi32>], vector<16xf32>,
      %max3A_894 = arith.maximumf %max3A_860, %gather3A_893 : vector<16xf32>
      %mul3A_895 = arith.constant 16 : i32
      %mul3A_896 = arith.muli %scan3A_20, %mul3A_895 : i32
      %add3A_897 = arith.constant 26624 : i32
      %add3A_898 = arith.addi %add3A_897, %mul3A_896 : i32
      %get3A_899 = arith.index_cast %add3A_898 : i32 to index
      %get3A_900 = tpu.vector_load %arg9[%get3A_899] {strides = array<i32>} : memref<32768xi32, #tpu.memory_space<vmem>>, vector<16xi32>,
      %broadcast_in_dim3A_901 = arith.constant 0 : i32
      %broadcast_in_dim3A_902 = vector.broadcast %broadcast_in_dim3A_901 : i32 to vector<16xi32>
      %gather3A_903 = arith.constant 0 : i32
      %gather3A_904 = arith.constant 0 : i32
      %gather3A_905 = tpu.memref_slice %arg8[%gather3A_903, %gather3A_904] : memref<4x10240xf32, #tpu.memory_space<vmem>> -> memref<4x10240xf32, #tpu.memory_space<vmem>>
      %gather3A_906 = tpu.vector_load_idx %gather3A_905[%broadcast_in_dim3A_902, %get3A_900] : memref<4x10240xf32, #tpu.memory_space<vmem>>[vector<16xi32>, vector<16xi32>], vector<16xf32>,
      %max3A_907 = arith.maximumf %max3A_873, %gather3A_906 : vector<16xf32>
      %broadcast_in_dim3A_908 = arith.constant 1 : i32
      %broadcast_in_dim3A_909 = vector.broadcast %broadcast_in_dim3A_908 : i32 to vector<16xi32>
      %gather3A_910 = arith.constant 0 : i32
      %gather3A_911 = arith.constant 0 : i32
      %gather3A_912 = tpu.memref_slice %arg8[%gather3A_910, %gather3A_911] : memref<4x10240xf32, #tpu.memory_space<vmem>> -> memref<4x10240xf32, #tpu.memory_space<vmem>>
      %gather3A_913 = tpu.vector_load_idx %gather3A_912[%broadcast_in_dim3A_909, %get3A_900] : memref<4x10240xf32, #tpu.memory_space<vmem>>[vector<16xi32>, vector<16xi32>], vector<16xf32>,
      %max3A_914 = arith.maximumf %max3A_880, %gather3A_913 : vector<16xf32>
      %broadcast_in_dim3A_915 = arith.constant 2 : i32
      %broadcast_in_dim3A_916 = vector.broadcast %broadcast_in_dim3A_915 : i32 to vector<16xi32>
      %gather3A_917 = arith.constant 0 : i32
      %gather3A_918 = arith.constant 0 : i32
      %gather3A_919 = tpu.memref_slice %arg8[%gather3A_917, %gather3A_918] : memref<4x10240xf32, #tpu.memory_space<vmem>> -> memref<4x10240xf32, #tpu.memory_space<vmem>>
      %gather3A_920 = tpu.vector_load_idx %gather3A_919[%broadcast_in_dim3A_916, %get3A_900] : memref<4x10240xf32, #tpu.memory_space<vmem>>[vector<16xi32>, vector<16xi32>], vector<16xf32>,
      %max3A_921 = arith.maximumf %max3A_887, %gather3A_920 : vector<16xf32>
      %broadcast_in_dim3A_922 = arith.constant 3 : i32
      %broadcast_in_dim3A_923 = vector.broadcast %broadcast_in_dim3A_922 : i32 to vector<16xi32>
      %gather3A_924 = arith.constant 0 : i32
      %gather3A_925 = arith.constant 0 : i32
      %gather3A_926 = tpu.memref_slice %arg8[%gather3A_924, %gather3A_925] : memref<4x10240xf32, #tpu.memory_space<vmem>> -> memref<4x10240xf32, #tpu.memory_space<vmem>>
      %gather3A_927 = tpu.vector_load_idx %gather3A_926[%broadcast_in_dim3A_923, %get3A_900] : memref<4x10240xf32, #tpu.memory_space<vmem>>[vector<16xi32>, vector<16xi32>], vector<16xf32>,
      %max3A_928 = arith.maximumf %max3A_894, %gather3A_927 : vector<16xf32>
      %mul3A_929 = arith.constant 16 : i32
      %mul3A_930 = arith.muli %scan3A_20, %mul3A_929 : i32
      %add3A_931 = arith.constant 27648 : i32
      %add3A_932 = arith.addi %add3A_931, %mul3A_930 : i32
      %get3A_933 = arith.index_cast %add3A_932 : i32 to index
      %get3A_934 = tpu.vector_load %arg9[%get3A_933] {strides = array<i32>} : memref<32768xi32, #tpu.memory_space<vmem>>, vector<16xi32>,
      %broadcast_in_dim3A_935 = arith.constant 0 : i32
      %broadcast_in_dim3A_936 = vector.broadcast %broadcast_in_dim3A_935 : i32 to vector<16xi32>
      %gather3A_937 = arith.constant 0 : i32
      %gather3A_938 = arith.constant 0 : i32
      %gather3A_939 = tpu.memref_slice %arg8[%gather3A_937, %gather3A_938] : memref<4x10240xf32, #tpu.memory_space<vmem>> -> memref<4x10240xf32, #tpu.memory_space<vmem>>
      %gather3A_940 = tpu.vector_load_idx %gather3A_939[%broadcast_in_dim3A_936, %get3A_934] : memref<4x10240xf32, #tpu.memory_space<vmem>>[vector<16xi32>, vector<16xi32>], vector<16xf32>,
      %max3A_941 = arith.maximumf %max3A_907, %gather3A_940 : vector<16xf32>
      %broadcast_in_dim3A_942 = arith.constant 1 : i32
      %broadcast_in_dim3A_943 = vector.broadcast %broadcast_in_dim3A_942 : i32 to vector<16xi32>
      %gather3A_944 = arith.constant 0 : i32
      %gather3A_945 = arith.constant 0 : i32
      %gather3A_946 = tpu.memref_slice %arg8[%gather3A_944, %gather3A_945] : memref<4x10240xf32, #tpu.memory_space<vmem>> -> memref<4x10240xf32, #tpu.memory_space<vmem>>
      %gather3A_947 = tpu.vector_load_idx %gather3A_946[%broadcast_in_dim3A_943, %get3A_934] : memref<4x10240xf32, #tpu.memory_space<vmem>>[vector<16xi32>, vector<16xi32>], vector<16xf32>,
      %max3A_948 = arith.maximumf %max3A_914, %gather3A_947 : vector<16xf32>
      %broadcast_in_dim3A_949 = arith.constant 2 : i32
      %broadcast_in_dim3A_950 = vector.broadcast %broadcast_in_dim3A_949 : i32 to vector<16xi32>
      %gather3A_951 = arith.constant 0 : i32
      %gather3A_952 = arith.constant 0 : i32
      %gather3A_953 = tpu.memref_slice %arg8[%gather3A_951, %gather3A_952] : memref<4x10240xf32, #tpu.memory_space<vmem>> -> memref<4x10240xf32, #tpu.memory_space<vmem>>
      %gather3A_954 = tpu.vector_load_idx %gather3A_953[%broadcast_in_dim3A_950, %get3A_934] : memref<4x10240xf32, #tpu.memory_space<vmem>>[vector<16xi32>, vector<16xi32>], vector<16xf32>,
      %max3A_955 = arith.maximumf %max3A_921, %gather3A_954 : vector<16xf32>
      %broadcast_in_dim3A_956 = arith.constant 3 : i32
      %broadcast_in_dim3A_957 = vector.broadcast %broadcast_in_dim3A_956 : i32 to vector<16xi32>
      %gather3A_958 = arith.constant 0 : i32
      %gather3A_959 = arith.constant 0 : i32
      %gather3A_960 = tpu.memref_slice %arg8[%gather3A_958, %gather3A_959] : memref<4x10240xf32, #tpu.memory_space<vmem>> -> memref<4x10240xf32, #tpu.memory_space<vmem>>
      %gather3A_961 = tpu.vector_load_idx %gather3A_960[%broadcast_in_dim3A_957, %get3A_934] : memref<4x10240xf32, #tpu.memory_space<vmem>>[vector<16xi32>, vector<16xi32>], vector<16xf32>,
      %max3A_962 = arith.maximumf %max3A_928, %gather3A_961 : vector<16xf32>
      %mul3A_963 = arith.constant 16 : i32
      %mul3A_964 = arith.muli %scan3A_20, %mul3A_963 : i32
      %add3A_965 = arith.constant 28672 : i32
      %add3A_966 = arith.addi %add3A_965, %mul3A_964 : i32
      %get3A_967 = arith.index_cast %add3A_966 : i32 to index
      %get3A_968 = tpu.vector_load %arg9[%get3A_967] {strides = array<i32>} : memref<32768xi32, #tpu.memory_space<vmem>>, vector<16xi32>,
      %broadcast_in_dim3A_969 = arith.constant 0 : i32
      %broadcast_in_dim3A_970 = vector.broadcast %broadcast_in_dim3A_969 : i32 to vector<16xi32>
      %gather3A_971 = arith.constant 0 : i32
      %gather3A_972 = arith.constant 0 : i32
      %gather3A_973 = tpu.memref_slice %arg8[%gather3A_971, %gather3A_972] : memref<4x10240xf32, #tpu.memory_space<vmem>> -> memref<4x10240xf32, #tpu.memory_space<vmem>>
      %gather3A_974 = tpu.vector_load_idx %gather3A_973[%broadcast_in_dim3A_970, %get3A_968] : memref<4x10240xf32, #tpu.memory_space<vmem>>[vector<16xi32>, vector<16xi32>], vector<16xf32>,
      %max3A_975 = arith.maximumf %max3A_941, %gather3A_974 : vector<16xf32>
      %broadcast_in_dim3A_976 = arith.constant 1 : i32
      %broadcast_in_dim3A_977 = vector.broadcast %broadcast_in_dim3A_976 : i32 to vector<16xi32>
      %gather3A_978 = arith.constant 0 : i32
      %gather3A_979 = arith.constant 0 : i32
      %gather3A_980 = tpu.memref_slice %arg8[%gather3A_978, %gather3A_979] : memref<4x10240xf32, #tpu.memory_space<vmem>> -> memref<4x10240xf32, #tpu.memory_space<vmem>>
      %gather3A_981 = tpu.vector_load_idx %gather3A_980[%broadcast_in_dim3A_977, %get3A_968] : memref<4x10240xf32, #tpu.memory_space<vmem>>[vector<16xi32>, vector<16xi32>], vector<16xf32>,
      %max3A_982 = arith.maximumf %max3A_948, %gather3A_981 : vector<16xf32>
      %broadcast_in_dim3A_983 = arith.constant 2 : i32
      %broadcast_in_dim3A_984 = vector.broadcast %broadcast_in_dim3A_983 : i32 to vector<16xi32>
      %gather3A_985 = arith.constant 0 : i32
      %gather3A_986 = arith.constant 0 : i32
      %gather3A_987 = tpu.memref_slice %arg8[%gather3A_985, %gather3A_986] : memref<4x10240xf32, #tpu.memory_space<vmem>> -> memref<4x10240xf32, #tpu.memory_space<vmem>>
      %gather3A_988 = tpu.vector_load_idx %gather3A_987[%broadcast_in_dim3A_984, %get3A_968] : memref<4x10240xf32, #tpu.memory_space<vmem>>[vector<16xi32>, vector<16xi32>], vector<16xf32>,
      %max3A_989 = arith.maximumf %max3A_955, %gather3A_988 : vector<16xf32>
      %broadcast_in_dim3A_990 = arith.constant 3 : i32
      %broadcast_in_dim3A_991 = vector.broadcast %broadcast_in_dim3A_990 : i32 to vector<16xi32>
      %gather3A_992 = arith.constant 0 : i32
      %gather3A_993 = arith.constant 0 : i32
      %gather3A_994 = tpu.memref_slice %arg8[%gather3A_992, %gather3A_993] : memref<4x10240xf32, #tpu.memory_space<vmem>> -> memref<4x10240xf32, #tpu.memory_space<vmem>>
      %gather3A_995 = tpu.vector_load_idx %gather3A_994[%broadcast_in_dim3A_991, %get3A_968] : memref<4x10240xf32, #tpu.memory_space<vmem>>[vector<16xi32>, vector<16xi32>], vector<16xf32>,
      %max3A_996 = arith.maximumf %max3A_962, %gather3A_995 : vector<16xf32>
      %mul3A_997 = arith.constant 16 : i32
      %mul3A_998 = arith.muli %scan3A_20, %mul3A_997 : i32
      %add3A_999 = arith.constant 29696 : i32
      %add3A_1000 = arith.addi %add3A_999, %mul3A_998 : i32
      %get3A_1001 = arith.index_cast %add3A_1000 : i32 to index
      %get3A_1002 = tpu.vector_load %arg9[%get3A_1001] {strides = array<i32>} : memref<32768xi32, #tpu.memory_space<vmem>>, vector<16xi32>,
      %broadcast_in_dim3A_1003 = arith.constant 0 : i32
      %broadcast_in_dim3A_1004 = vector.broadcast %broadcast_in_dim3A_1003 : i32 to vector<16xi32>
      %gather3A_1005 = arith.constant 0 : i32
      %gather3A_1006 = arith.constant 0 : i32
      %gather3A_1007 = tpu.memref_slice %arg8[%gather3A_1005, %gather3A_1006] : memref<4x10240xf32, #tpu.memory_space<vmem>> -> memref<4x10240xf32, #tpu.memory_space<vmem>>
      %gather3A_1008 = tpu.vector_load_idx %gather3A_1007[%broadcast_in_dim3A_1004, %get3A_1002] : memref<4x10240xf32, #tpu.memory_space<vmem>>[vector<16xi32>, vector<16xi32>], vector<16xf32>,
      %max3A_1009 = arith.maximumf %max3A_975, %gather3A_1008 : vector<16xf32>
      %broadcast_in_dim3A_1010 = arith.constant 1 : i32
      %broadcast_in_dim3A_1011 = vector.broadcast %broadcast_in_dim3A_1010 : i32 to vector<16xi32>
      %gather3A_1012 = arith.constant 0 : i32
      %gather3A_1013 = arith.constant 0 : i32
      %gather3A_1014 = tpu.memref_slice %arg8[%gather3A_1012, %gather3A_1013] : memref<4x10240xf32, #tpu.memory_space<vmem>> -> memref<4x10240xf32, #tpu.memory_space<vmem>>
      %gather3A_1015 = tpu.vector_load_idx %gather3A_1014[%broadcast_in_dim3A_1011, %get3A_1002] : memref<4x10240xf32, #tpu.memory_space<vmem>>[vector<16xi32>, vector<16xi32>], vector<16xf32>,
      %max3A_1016 = arith.maximumf %max3A_982, %gather3A_1015 : vector<16xf32>
      %broadcast_in_dim3A_1017 = arith.constant 2 : i32
      %broadcast_in_dim3A_1018 = vector.broadcast %broadcast_in_dim3A_1017 : i32 to vector<16xi32>
      %gather3A_1019 = arith.constant 0 : i32
      %gather3A_1020 = arith.constant 0 : i32
      %gather3A_1021 = tpu.memref_slice %arg8[%gather3A_1019, %gather3A_1020] : memref<4x10240xf32, #tpu.memory_space<vmem>> -> memref<4x10240xf32, #tpu.memory_space<vmem>>
      %gather3A_1022 = tpu.vector_load_idx %gather3A_1021[%broadcast_in_dim3A_1018, %get3A_1002] : memref<4x10240xf32, #tpu.memory_space<vmem>>[vector<16xi32>, vector<16xi32>], vector<16xf32>,
      %max3A_1023 = arith.maximumf %max3A_989, %gather3A_1022 : vector<16xf32>
      %broadcast_in_dim3A_1024 = arith.constant 3 : i32
      %broadcast_in_dim3A_1025 = vector.broadcast %broadcast_in_dim3A_1024 : i32 to vector<16xi32>
      %gather3A_1026 = arith.constant 0 : i32
      %gather3A_1027 = arith.constant 0 : i32
      %gather3A_1028 = tpu.memref_slice %arg8[%gather3A_1026, %gather3A_1027] : memref<4x10240xf32, #tpu.memory_space<vmem>> -> memref<4x10240xf32, #tpu.memory_space<vmem>>
      %gather3A_1029 = tpu.vector_load_idx %gather3A_1028[%broadcast_in_dim3A_1025, %get3A_1002] : memref<4x10240xf32, #tpu.memory_space<vmem>>[vector<16xi32>, vector<16xi32>], vector<16xf32>,
      %max3A_1030 = arith.maximumf %max3A_996, %gather3A_1029 : vector<16xf32>
      %mul3A_1031 = arith.constant 16 : i32
      %mul3A_1032 = arith.muli %scan3A_20, %mul3A_1031 : i32
      %add3A_1033 = arith.constant 30720 : i32
      %add3A_1034 = arith.addi %add3A_1033, %mul3A_1032 : i32
      %get3A_1035 = arith.index_cast %add3A_1034 : i32 to index
      %get3A_1036 = tpu.vector_load %arg9[%get3A_1035] {strides = array<i32>} : memref<32768xi32, #tpu.memory_space<vmem>>, vector<16xi32>,
      %broadcast_in_dim3A_1037 = arith.constant 0 : i32
      %broadcast_in_dim3A_1038 = vector.broadcast %broadcast_in_dim3A_1037 : i32 to vector<16xi32>
      %gather3A_1039 = arith.constant 0 : i32
      %gather3A_1040 = arith.constant 0 : i32
      %gather3A_1041 = tpu.memref_slice %arg8[%gather3A_1039, %gather3A_1040] : memref<4x10240xf32, #tpu.memory_space<vmem>> -> memref<4x10240xf32, #tpu.memory_space<vmem>>
      %gather3A_1042 = tpu.vector_load_idx %gather3A_1041[%broadcast_in_dim3A_1038, %get3A_1036] : memref<4x10240xf32, #tpu.memory_space<vmem>>[vector<16xi32>, vector<16xi32>], vector<16xf32>,
      %max3A_1043 = arith.maximumf %max3A_1009, %gather3A_1042 : vector<16xf32>
      %broadcast_in_dim3A_1044 = arith.constant 1 : i32
      %broadcast_in_dim3A_1045 = vector.broadcast %broadcast_in_dim3A_1044 : i32 to vector<16xi32>
      %gather3A_1046 = arith.constant 0 : i32
      %gather3A_1047 = arith.constant 0 : i32
      %gather3A_1048 = tpu.memref_slice %arg8[%gather3A_1046, %gather3A_1047] : memref<4x10240xf32, #tpu.memory_space<vmem>> -> memref<4x10240xf32, #tpu.memory_space<vmem>>
      %gather3A_1049 = tpu.vector_load_idx %gather3A_1048[%broadcast_in_dim3A_1045, %get3A_1036] : memref<4x10240xf32, #tpu.memory_space<vmem>>[vector<16xi32>, vector<16xi32>], vector<16xf32>,
      %max3A_1050 = arith.maximumf %max3A_1016, %gather3A_1049 : vector<16xf32>
      %broadcast_in_dim3A_1051 = arith.constant 2 : i32
      %broadcast_in_dim3A_1052 = vector.broadcast %broadcast_in_dim3A_1051 : i32 to vector<16xi32>
      %gather3A_1053 = arith.constant 0 : i32
      %gather3A_1054 = arith.constant 0 : i32
      %gather3A_1055 = tpu.memref_slice %arg8[%gather3A_1053, %gather3A_1054] : memref<4x10240xf32, #tpu.memory_space<vmem>> -> memref<4x10240xf32, #tpu.memory_space<vmem>>
      %gather3A_1056 = tpu.vector_load_idx %gather3A_1055[%broadcast_in_dim3A_1052, %get3A_1036] : memref<4x10240xf32, #tpu.memory_space<vmem>>[vector<16xi32>, vector<16xi32>], vector<16xf32>,
      %max3A_1057 = arith.maximumf %max3A_1023, %gather3A_1056 : vector<16xf32>
      %broadcast_in_dim3A_1058 = arith.constant 3 : i32
      %broadcast_in_dim3A_1059 = vector.broadcast %broadcast_in_dim3A_1058 : i32 to vector<16xi32>
      %gather3A_1060 = arith.constant 0 : i32
      %gather3A_1061 = arith.constant 0 : i32
      %gather3A_1062 = tpu.memref_slice %arg8[%gather3A_1060, %gather3A_1061] : memref<4x10240xf32, #tpu.memory_space<vmem>> -> memref<4x10240xf32, #tpu.memory_space<vmem>>
      %gather3A_1063 = tpu.vector_load_idx %gather3A_1062[%broadcast_in_dim3A_1059, %get3A_1036] : memref<4x10240xf32, #tpu.memory_space<vmem>>[vector<16xi32>, vector<16xi32>], vector<16xf32>,
      %max3A_1064 = arith.maximumf %max3A_1030, %gather3A_1063 : vector<16xf32>
      %mul3A_1065 = arith.constant 16 : i32
      %mul3A_1066 = arith.muli %scan3A_20, %mul3A_1065 : i32
      %add3A_1067 = arith.constant 31744 : i32
      %add3A_1068 = arith.addi %add3A_1067, %mul3A_1066 : i32
      %get3A_1069 = arith.index_cast %add3A_1068 : i32 to index
      %get3A_1070 = tpu.vector_load %arg9[%get3A_1069] {strides = array<i32>} : memref<32768xi32, #tpu.memory_space<vmem>>, vector<16xi32>,
      %broadcast_in_dim3A_1071 = arith.constant 0 : i32
      %broadcast_in_dim3A_1072 = vector.broadcast %broadcast_in_dim3A_1071 : i32 to vector<16xi32>
      %gather3A_1073 = arith.constant 0 : i32
      %gather3A_1074 = arith.constant 0 : i32
      %gather3A_1075 = tpu.memref_slice %arg8[%gather3A_1073, %gather3A_1074] : memref<4x10240xf32, #tpu.memory_space<vmem>> -> memref<4x10240xf32, #tpu.memory_space<vmem>>
      %gather3A_1076 = tpu.vector_load_idx %gather3A_1075[%broadcast_in_dim3A_1072, %get3A_1070] : memref<4x10240xf32, #tpu.memory_space<vmem>>[vector<16xi32>, vector<16xi32>], vector<16xf32>,
      %max3A_1077 = arith.maximumf %max3A_1043, %gather3A_1076 : vector<16xf32>
      %broadcast_in_dim3A_1078 = arith.constant 1 : i32
      %broadcast_in_dim3A_1079 = vector.broadcast %broadcast_in_dim3A_1078 : i32 to vector<16xi32>
      %gather3A_1080 = arith.constant 0 : i32
      %gather3A_1081 = arith.constant 0 : i32
      %gather3A_1082 = tpu.memref_slice %arg8[%gather3A_1080, %gather3A_1081] : memref<4x10240xf32, #tpu.memory_space<vmem>> -> memref<4x10240xf32, #tpu.memory_space<vmem>>
      %gather3A_1083 = tpu.vector_load_idx %gather3A_1082[%broadcast_in_dim3A_1079, %get3A_1070] : memref<4x10240xf32, #tpu.memory_space<vmem>>[vector<16xi32>, vector<16xi32>], vector<16xf32>,
      %max3A_1084 = arith.maximumf %max3A_1050, %gather3A_1083 : vector<16xf32>
      %broadcast_in_dim3A_1085 = arith.constant 2 : i32
      %broadcast_in_dim3A_1086 = vector.broadcast %broadcast_in_dim3A_1085 : i32 to vector<16xi32>
      %gather3A_1087 = arith.constant 0 : i32
      %gather3A_1088 = arith.constant 0 : i32
      %gather3A_1089 = tpu.memref_slice %arg8[%gather3A_1087, %gather3A_1088] : memref<4x10240xf32, #tpu.memory_space<vmem>> -> memref<4x10240xf32, #tpu.memory_space<vmem>>
      %gather3A_1090 = tpu.vector_load_idx %gather3A_1089[%broadcast_in_dim3A_1086, %get3A_1070] : memref<4x10240xf32, #tpu.memory_space<vmem>>[vector<16xi32>, vector<16xi32>], vector<16xf32>,
      %max3A_1091 = arith.maximumf %max3A_1057, %gather3A_1090 : vector<16xf32>
      %broadcast_in_dim3A_1092 = arith.constant 3 : i32
      %broadcast_in_dim3A_1093 = vector.broadcast %broadcast_in_dim3A_1092 : i32 to vector<16xi32>
      %gather3A_1094 = arith.constant 0 : i32
      %gather3A_1095 = arith.constant 0 : i32
      %gather3A_1096 = tpu.memref_slice %arg8[%gather3A_1094, %gather3A_1095] : memref<4x10240xf32, #tpu.memory_space<vmem>> -> memref<4x10240xf32, #tpu.memory_space<vmem>>
      %gather3A_1097 = tpu.vector_load_idx %gather3A_1096[%broadcast_in_dim3A_1093, %get3A_1070] : memref<4x10240xf32, #tpu.memory_space<vmem>>[vector<16xi32>, vector<16xi32>], vector<16xf32>,
      %max3A_1098 = arith.maximumf %max3A_1064, %gather3A_1097 : vector<16xf32>
      %mul3A_1099 = arith.constant 16 : i32
      %mul3A_1100 = arith.muli %scan3A_20, %mul3A_1099 : i32
      %add3A_1101 = arith.constant 0 : i32
      %add3A_1102 = arith.addi %add3A_1101, %mul3A_1100 : i32
      %swap3A = arith.index_cast %add3A_1102 : i32 to index
      %swap3A_1103 = tpu.vector_load %arg10[%swap3A] {strides = array<i32>} : memref<4096xf32, #tpu.memory_space<vmem>>, vector<16xf32>,
      tpu.vector_store %arg10[%swap3A], %max3A_1077 {strides = array<i32>} : memref<4096xf32, #tpu.memory_space<vmem>>, vector<16xf32>,
      %mul3A_1104 = arith.constant 16 : i32
      %mul3A_1105 = arith.muli %scan3A_20, %mul3A_1104 : i32
      %add3A_1106 = arith.constant 1024 : i32
      %add3A_1107 = arith.addi %add3A_1106, %mul3A_1105 : i32
      %swap3A_1108 = arith.index_cast %add3A_1107 : i32 to index
      %swap3A_1109 = tpu.vector_load %arg10[%swap3A_1108] {strides = array<i32>} : memref<4096xf32, #tpu.memory_space<vmem>>, vector<16xf32>,
      tpu.vector_store %arg10[%swap3A_1108], %max3A_1084 {strides = array<i32>} : memref<4096xf32, #tpu.memory_space<vmem>>, vector<16xf32>,
      %mul3A_1110 = arith.constant 16 : i32
      %mul3A_1111 = arith.muli %scan3A_20, %mul3A_1110 : i32
      %add3A_1112 = arith.constant 2048 : i32
      %add3A_1113 = arith.addi %add3A_1112, %mul3A_1111 : i32
      %swap3A_1114 = arith.index_cast %add3A_1113 : i32 to index
      %swap3A_1115 = tpu.vector_load %arg10[%swap3A_1114] {strides = array<i32>} : memref<4096xf32, #tpu.memory_space<vmem>>, vector<16xf32>,
      tpu.vector_store %arg10[%swap3A_1114], %max3A_1091 {strides = array<i32>} : memref<4096xf32, #tpu.memory_space<vmem>>, vector<16xf32>,
      %mul3A_1116 = arith.constant 16 : i32
      %mul3A_1117 = arith.muli %scan3A_20, %mul3A_1116 : i32
      %add3A_1118 = arith.constant 3072 : i32
      %add3A_1119 = arith.addi %add3A_1118, %mul3A_1117 : i32
      %swap3A_1120 = arith.index_cast %add3A_1119 : i32 to index
      %swap3A_1121 = tpu.vector_load %arg10[%swap3A_1120] {strides = array<i32>} : memref<4096xf32, #tpu.memory_space<vmem>>, vector<16xf32>,
      tpu.vector_store %arg10[%swap3A_1120], %max3A_1098 {strides = array<i32>} : memref<4096xf32, #tpu.memory_space<vmem>>, vector<16xf32>,
    }
    %scan3A_15 = arith.constant 64 : i32
    %mul3A_16 = arith.constant 4 : i32
    %mul3A_17 = arith.muli %add3A, %mul3A_16 : i32
    %mul3A_18 = arith.constant 1024 : i32
    %mul3A_19 = arith.muli %mul3A_17, %mul3A_18 : i32
    "tpu.region"() ({
      %run_scoped3A = tpu.sem_alloc : memref<!tpu.dma_semaphore, #tpu.memory_space<semaphore_mem>>
      %dma_start3A_20 = tpu.memref_slice %arg7[%mul3A_19] : memref<131072xf32, #tpu.memory_space<hbm>> -> memref<4096xf32, #tpu.memory_space<hbm>>
      %dma_start3A_21 = tpu.memref_slice %arg7[%mul3A_19] : memref<131072xf32, #tpu.memory_space<hbm>> -> memref<4096xf32, #tpu.memory_space<hbm>>
      tpu.enqueue_dma source(%arg10 : memref<4096xf32, #tpu.memory_space<vmem>>) target(%dma_start3A_21 : memref<4096xf32, #tpu.memory_space<hbm>>) target_semaphore(%run_scoped3A : memref<!tpu.dma_semaphore, #tpu.memory_space<semaphore_mem>>)
      %dma_wait3A_22 = tpu.memref_slice %arg7[%mul3A_19] : memref<131072xf32, #tpu.memory_space<hbm>> -> memref<4096xf32, #tpu.memory_space<hbm>>
      %dma_wait3A_23 = tpu.memref_slice %arg7[%mul3A_19] : memref<131072xf32, #tpu.memory_space<hbm>> -> memref<4096xf32, #tpu.memory_space<hbm>>
      tpu.wait_dma2 semaphore(%run_scoped3A : memref<!tpu.dma_semaphore, #tpu.memory_space<semaphore_mem>>) src(%arg10 : memref<4096xf32, #tpu.memory_space<vmem>>) dst(%dma_wait3A_23 : memref<4096xf32, #tpu.memory_space<hbm>>)
      tpu.yield
    }) : () -> ()
    return
  }
}

module attributes {stable_mosaic.version = 14 : i64} {
  func.func @_seed1_body(%arg0: memref<1024x128xf32, #tpu.memory_space<vmem>>, %arg1: memref<128x128xf32, #tpu.memory_space<vmem>>, %arg2: memref<1x128xf32, #tpu.memory_space<vmem>>, %arg3: memref<128x128xf32, #tpu.memory_space<vmem>>, %arg4: memref<1032x64xi32, #tpu.memory_space<vmem>>, %arg5: memref<1024x128xf32, #tpu.memory_space<vmem>>) attributes {dimension_semantics = [], scalar_prefetch = 0 : i64, scratch_operands = 0 : i64, tpu.core_type = #tpu.core_type<tc>} {
    %get3A = arith.constant 0 : index
    %get3A_0 = arith.constant 0 : index
    %get3A_1 = vector.load %arg0[%get3A, %get3A_0] : memref<1024x128xf32, #tpu.memory_space<vmem>>, vector<1024x128xf32>
    %get3A_2 = arith.constant 0 : index
    %get3A_3 = arith.constant 0 : index
    %get3A_4 = vector.load %arg1[%get3A_2, %get3A_3] : memref<128x128xf32, #tpu.memory_space<vmem>>, vector<128x128xf32>
    %dot_general3A = arith.constant dense<0.000000e+00> : vector<1024x128xf32>
    %dot_general3A_5 = tpu.matmul %get3A_1, %get3A_4, %dot_general3A {dimension_numbers = #tpu.dot_dimension_numbers<[1], [0], [0], [1], [0, 0, 1, 1], [], []>, transpose_lhs_hint = false} : vector<1024x128xf32>, vector<128x128xf32>, vector<1024x128xf32> -> vector<1024x128xf32>
    %get3A_6 = arith.constant 0 : index
    %get3A_7 = arith.constant 0 : index
    %get3A_8 = vector.load %arg2[%get3A_6, %get3A_7] : memref<1x128xf32, #tpu.memory_space<vmem>>, vector<1x128xf32>
    %add3A = vector.broadcast %get3A_8 : vector<1x128xf32> to vector<1024x128xf32>
    %add3A_9 = arith.addf %dot_general3A_5, %add3A : vector<1024x128xf32>
    %max3A = arith.constant 0.000000e+00 : f32
    %max3A_10 = vector.broadcast %max3A : f32 to vector<1024x128xf32>
    %max3A_11 = arith.maximumf %add3A_9, %max3A_10 : vector<1024x128xf32>
    %get3A_12 = arith.constant 0 : index
    %get3A_13 = arith.constant 0 : index
    %get3A_14 = vector.load %arg2[%get3A_12, %get3A_13] : memref<1x128xf32, #tpu.memory_space<vmem>>, vector<1x128xf32>
    %max3A_15 = arith.constant 0.000000e+00 : f32
    %max3A_16 = vector.broadcast %max3A_15 : f32 to vector<1x128xf32>
    %max3A_17 = arith.maximumf %get3A_14, %max3A_16 : vector<1x128xf32>
    %broadcast_in_dim3A = arith.constant 0.000000e+00 : f32
    %broadcast_in_dim3A_18 = vector.broadcast %broadcast_in_dim3A : f32 to vector<7x128xf32>
    %concatenate3A = tpu.concatenate %max3A_11, %max3A_17, %broadcast_in_dim3A_18 in 0 : vector<1024x128xf32>, vector<1x128xf32>, vector<7x128xf32> -> vector<1032x128xf32>
    %convert_element_type3A = arith.truncf %concatenate3A : vector<1032x128xf32> to vector<1032x128xbf16>
    %convert_element_type3A_19 = arith.extf %convert_element_type3A : vector<1032x128xbf16> to vector<1032x128xf32>
    %bitcast_convert_type3A = tpu.bitcast %convert_element_type3A_19 : vector<1032x128xf32> -> vector<1032x128xi32>
    %slice3A = vector.extract_strided_slice %bitcast_convert_type3A {offsets = [0, 0], sizes = [1032, 64], strides = [1, 1]} : vector<1032x128xi32> to vector<1032x64xi32>
    %shift_right_logical3A = arith.constant 16 : i32
    %shift_right_logical3A_20 = vector.broadcast %shift_right_logical3A : i32 to vector<1032x64xi32>
    %shift_right_logical3A_21 = arith.shrui %slice3A, %shift_right_logical3A_20 : vector<1032x64xi32>
    %slice3A_22 = vector.extract_strided_slice %bitcast_convert_type3A {offsets = [0, 64], sizes = [1032, 64], strides = [1, 1]} : vector<1032x128xi32> to vector<1032x64xi32>
    %and3A = arith.constant -65536 : i32
    %and3A_23 = vector.broadcast %and3A : i32 to vector<1032x64xi32>
    %and3A_24 = arith.andi %slice3A_22, %and3A_23 : vector<1032x64xi32>
    %or3A = arith.ori %shift_right_logical3A_21, %and3A_24 : vector<1032x64xi32>
    %swap3A = arith.constant 0 : index
    %swap3A_25 = arith.constant 0 : index
    %swap3A_26 = vector.load %arg4[%swap3A, %swap3A_25] : memref<1032x64xi32, #tpu.memory_space<vmem>>, vector<1032x64xi32>
    tpu.vector_store %arg4[%swap3A, %swap3A_25], %or3A {strides = array<i32>} : memref<1032x64xi32, #tpu.memory_space<vmem>>, vector<1032x64xi32>,
    %get3A_27 = arith.constant 0 : index
    %get3A_28 = arith.constant 0 : index
    %get3A_29 = vector.load %arg3[%get3A_27, %get3A_28] : memref<128x128xf32, #tpu.memory_space<vmem>>, vector<128x128xf32>
    %dot_general3A_30 = arith.constant dense<0.000000e+00> : vector<1024x128xf32>
    %dot_general3A_31 = tpu.matmul %get3A_1, %get3A_29, %dot_general3A_30 {dimension_numbers = #tpu.dot_dimension_numbers<[1], [0], [0], [1], [0, 0, 1, 1], [], []>, transpose_lhs_hint = false} : vector<1024x128xf32>, vector<128x128xf32>, vector<1024x128xf32> -> vector<1024x128xf32>
    %swap3A_32 = arith.constant 0 : index
    %swap3A_33 = arith.constant 0 : index
    %swap3A_34 = vector.load %arg5[%swap3A_32, %swap3A_33] : memref<1024x128xf32, #tpu.memory_space<vmem>>, vector<1024x128xf32>
    tpu.vector_store %arg5[%swap3A_32, %swap3A_33], %dot_general3A_31 {strides = array<i32>} : memref<1024x128xf32, #tpu.memory_space<vmem>>, vector<1024x128xf32>,
    return
  }
}

module attributes {stable_mosaic.version = 14 : i64} {
  func.func @_seed2_body(%arg0: memref<1024x128xf32, #tpu.memory_space<vmem>>, %arg1: memref<1024xi32, #tpu.memory_space<smem>>, %arg2: memref<10000x32xi32, #tpu.memory_space<vmem>>, %arg3: memref<10240x128xf32, #tpu.memory_space<vmem>>, %arg4: memref<1024x32xi32, #tpu.memory_space<vmem>>) attributes {dimension_semantics = [], scalar_prefetch = 0 : i64, scratch_operands = 0 : i64, tpu.core_type = #tpu.core_type<tc>} {
    %broadcast_in_dim3A = arith.constant 0.000000e+00 : f32
    %broadcast_in_dim3A_0 = vector.broadcast %broadcast_in_dim3A : f32 to vector<10240x128xf32>
    %swap3A = arith.constant 0 : index
    %swap3A_1 = arith.constant 0 : index
    %swap3A_2 = vector.load %arg3[%swap3A, %swap3A_1] : memref<10240x128xf32, #tpu.memory_space<vmem>>, vector<10240x128xf32>
    tpu.vector_store %arg3[%swap3A, %swap3A_1], %broadcast_in_dim3A_0 {strides = array<i32>} : memref<10240x128xf32, #tpu.memory_space<vmem>>, vector<10240x128xf32>,
    %scan3A = arith.constant 0 : i32
    %scan3A_3 = arith.constant 1024 : i32
    %scan3A_4 = arith.addi %scan3A, %scan3A_3 : i32
    %scan3A_5 = arith.constant 1 : i32
    scf.for %scan3A_7 = %scan3A to %scan3A_4 step %scan3A_5  : i32 {
      %get3A = arith.index_cast %scan3A_7 : i32 to index
      %get3A_8 = memref.load %arg1[%get3A] : memref<1024xi32, #tpu.memory_space<smem>>
      %get3A_9 = arith.index_cast %scan3A_7 : i32 to index
      %get3A_10 = arith.constant 0 : index
      %get3A_11 = vector.load %arg0[%get3A_9, %get3A_10] : memref<1024x128xf32, #tpu.memory_space<vmem>>, vector<1x128xf32>
      %swap3A_12 = arith.index_cast %get3A_8 : i32 to index
      %swap3A_13 = arith.constant 0 : index
      %swap3A_14 = vector.load %arg3[%swap3A_12, %swap3A_13] : memref<10240x128xf32, #tpu.memory_space<vmem>>, vector<1x128xf32>
      tpu.vector_store %arg3[%swap3A_12, %swap3A_13], %get3A_11 {strides = array<i32>} : memref<10240x128xf32, #tpu.memory_space<vmem>>, vector<1x128xf32>,
      %get3A_15 = arith.index_cast %get3A_8 : i32 to index
      %get3A_16 = arith.constant 0 : index
      %get3A_17 = vector.load %arg2[%get3A_15, %get3A_16] : memref<10000x32xi32, #tpu.memory_space<vmem>>, vector<1x32xi32>
      %swap3A_18 = arith.index_cast %scan3A_7 : i32 to index
      %swap3A_19 = arith.constant 0 : index
      %swap3A_20 = vector.load %arg4[%swap3A_18, %swap3A_19] : memref<1024x32xi32, #tpu.memory_space<vmem>>, vector<1x32xi32>
      tpu.vector_store %arg4[%swap3A_18, %swap3A_19], %get3A_17 {strides = array<i32>} : memref<1024x32xi32, #tpu.memory_space<vmem>>, vector<1x32xi32>,
    }
    %scan3A_6 = arith.constant 1024 : i32
    return
  }
}

module attributes {stable_mosaic.version = 14 : i64} {
  func.func @_mid_body(%arg0: i32, %arg1: memref<512x128xf32, #tpu.memory_space<vmem>>, %arg2: memref<512x64xi32, #tpu.memory_space<vmem>>, %arg3: memref<64x128xf32, #tpu.memory_space<vmem>>, %arg4: memref<64x128xf32, #tpu.memory_space<vmem>>, %arg5: memref<1x128xf32, #tpu.memory_space<vmem>>, %arg6: memref<128x128xf32, #tpu.memory_space<vmem>>, %arg7: memref<1x128xf32, #tpu.memory_space<vmem>>, %arg8: memref<512x128xf32, #tpu.memory_space<vmem>>, %arg9: memref<128x512xf32, #tpu.memory_space<vmem>>) attributes {dimension_semantics = [#tpu.dimension_semantics<arbitrary>], iteration_bounds = array<i64: 20>, scalar_prefetch = 0 : i64, scratch_operands = 0 : i64, tpu.core_type = #tpu.core_type<tc>, window_params = [{transform_indices = @transform_0, window_bounds = array<i64: 512, 128>}, {transform_indices = @transform_1, window_bounds = array<i64: 512, 64>}, {pipeline_mode = #tpu.pipeline_mode<synchronous>, transform_indices = @transform_2, window_bounds = array<i64: 64, 128>}, {pipeline_mode = #tpu.pipeline_mode<synchronous>, transform_indices = @transform_3, window_bounds = array<i64: 64, 128>}, {pipeline_mode = #tpu.pipeline_mode<synchronous>, transform_indices = @transform_4, window_bounds = array<i64: 1, 128>}, {pipeline_mode = #tpu.pipeline_mode<synchronous>, transform_indices = @transform_5, window_bounds = array<i64: 128, 128>}, {pipeline_mode = #tpu.pipeline_mode<synchronous>, transform_indices = @transform_6, window_bounds = array<i64: 1, 128>}, {transform_indices = @transform_7, window_bounds = array<i64: 512, 128>}, {transform_indices = @transform_8, window_bounds = array<i64: 128, 512>}]} {
    %get3A = arith.constant 0 : index
    %get3A_0 = arith.constant 0 : index
    %get3A_1 = vector.load %arg2[%get3A, %get3A_0] : memref<512x64xi32, #tpu.memory_space<vmem>>, vector<512x64xi32>
    %shift_left3A = arith.constant 16 : i32
    %shift_left3A_2 = vector.broadcast %shift_left3A : i32 to vector<512x64xi32>
    %shift_left3A_3 = arith.shli %get3A_1, %shift_left3A_2 : vector<512x64xi32>
    %bitcast_convert_type3A = tpu.bitcast %shift_left3A_3 : vector<512x64xi32> -> vector<512x64xf32>
    %and3A = arith.constant -65536 : i32
    %and3A_4 = vector.broadcast %and3A : i32 to vector<512x64xi32>
    %and3A_5 = arith.andi %get3A_1, %and3A_4 : vector<512x64xi32>
    %bitcast_convert_type3A_6 = tpu.bitcast %and3A_5 : vector<512x64xi32> -> vector<512x64xf32>
    %get3A_7 = arith.constant 0 : index
    %get3A_8 = arith.constant 0 : index
    %get3A_9 = vector.load %arg1[%get3A_7, %get3A_8] : memref<512x128xf32, #tpu.memory_space<vmem>>, vector<512x128xf32>
    %get3A_10 = arith.constant 0 : index
    %get3A_11 = arith.constant 0 : index
    %get3A_12 = vector.load %arg3[%get3A_10, %get3A_11] : memref<64x128xf32, #tpu.memory_space<vmem>>, vector<64x128xf32>
    %dot_general3A = arith.constant dense<0.000000e+00> : vector<512x128xf32>
    %dot_general3A_13 = tpu.matmul %bitcast_convert_type3A, %get3A_12, %dot_general3A {dimension_numbers = #tpu.dot_dimension_numbers<[1], [0], [0], [1], [0, 0, 1, 1], [], []>, transpose_lhs_hint = false} : vector<512x64xf32>, vector<64x128xf32>, vector<512x128xf32> -> vector<512x128xf32>
    %add3A = arith.addf %get3A_9, %dot_general3A_13 : vector<512x128xf32>
    %get3A_14 = arith.constant 0 : index
    %get3A_15 = arith.constant 0 : index
    %get3A_16 = vector.load %arg4[%get3A_14, %get3A_15] : memref<64x128xf32, #tpu.memory_space<vmem>>, vector<64x128xf32>
    %dot_general3A_17 = arith.constant dense<0.000000e+00> : vector<512x128xf32>
    %dot_general3A_18 = tpu.matmul %bitcast_convert_type3A_6, %get3A_16, %dot_general3A_17 {dimension_numbers = #tpu.dot_dimension_numbers<[1], [0], [0], [1], [0, 0, 1, 1], [], []>, transpose_lhs_hint = false} : vector<512x64xf32>, vector<64x128xf32>, vector<512x128xf32> -> vector<512x128xf32>
    %add3A_19 = arith.addf %add3A, %dot_general3A_18 : vector<512x128xf32>
    %get3A_20 = arith.constant 0 : index
    %get3A_21 = arith.constant 0 : index
    %get3A_22 = vector.load %arg5[%get3A_20, %get3A_21] : memref<1x128xf32, #tpu.memory_space<vmem>>, vector<1x128xf32>
    %add3A_23 = vector.broadcast %get3A_22 : vector<1x128xf32> to vector<512x128xf32>
    %add3A_24 = arith.addf %add3A_19, %add3A_23 : vector<512x128xf32>
    %max3A = arith.constant 0.000000e+00 : f32
    %max3A_25 = vector.broadcast %max3A : f32 to vector<512x128xf32>
    %max3A_26 = arith.maximumf %add3A_24, %max3A_25 : vector<512x128xf32>
    %mul3A = arith.mulf %max3A_26, %max3A_26 : vector<512x128xf32>
    %reduce_sum3A = arith.constant dense<0.000000e+00> : vector<512xf32>
    %reduce_sum3A_27 = vector.multi_reduction <add>, %mul3A, %reduce_sum3A [1] : vector<512x128xf32> to vector<512xf32>
    %broadcast_in_dim3A = vector.shape_cast %reduce_sum3A_27 : vector<512xf32> to vector<512x1xf32>
    %sqrt3A = math.sqrt %broadcast_in_dim3A : vector<512x1xf32>
    %max3A_28 = arith.constant 9.99999996E-13 : f32
    %max3A_29 = vector.broadcast %max3A_28 : f32 to vector<512x1xf32>
    %max3A_30 = arith.maximumf %sqrt3A, %max3A_29 : vector<512x1xf32>
    %div3A = vector.broadcast %max3A_30 : vector<512x1xf32> to vector<512x128xf32>
    %div3A_31 = arith.divf %max3A_26, %div3A : vector<512x128xf32>
    %swap3A = arith.constant 0 : index
    %swap3A_32 = arith.constant 0 : index
    %swap3A_33 = vector.load %arg8[%swap3A, %swap3A_32] : memref<512x128xf32, #tpu.memory_space<vmem>>, vector<512x128xf32>
    tpu.vector_store %arg8[%swap3A, %swap3A_32], %div3A_31 {strides = array<i32>} : memref<512x128xf32, #tpu.memory_space<vmem>>, vector<512x128xf32>,
    %get3A_34 = arith.constant 0 : index
    %get3A_35 = arith.constant 0 : index
    %get3A_36 = vector.load %arg6[%get3A_34, %get3A_35] : memref<128x128xf32, #tpu.memory_space<vmem>>, vector<128x128xf32>
    %dot_general3A_37 = arith.constant dense<0.000000e+00> : vector<512x128xf32>
    %dot_general3A_38 = tpu.matmul %div3A_31, %get3A_36, %dot_general3A_37 {dimension_numbers = #tpu.dot_dimension_numbers<[1], [0], [0], [1], [0, 0, 1, 1], [], []>, transpose_lhs_hint = false} : vector<512x128xf32>, vector<128x128xf32>, vector<512x128xf32> -> vector<512x128xf32>
    %get3A_39 = arith.constant 0 : index
    %get3A_40 = arith.constant 0 : index
    %get3A_41 = vector.load %arg7[%get3A_39, %get3A_40] : memref<1x128xf32, #tpu.memory_space<vmem>>, vector<1x128xf32>
    %add3A_42 = vector.broadcast %get3A_41 : vector<1x128xf32> to vector<512x128xf32>
    %add3A_43 = arith.addf %dot_general3A_38, %add3A_42 : vector<512x128xf32>
    %max3A_44 = arith.constant 0.000000e+00 : f32
    %max3A_45 = vector.broadcast %max3A_44 : f32 to vector<512x128xf32>
    %max3A_46 = arith.maximumf %add3A_43, %max3A_45 : vector<512x128xf32>
    %transpose3A = tpu.transpose %max3A_46, [1, 0] : vector<512x128xf32> -> vector<128x512xf32>
    %swap3A_47 = arith.constant 0 : index
    %swap3A_48 = arith.constant 0 : index
    %swap3A_49 = vector.load %arg9[%swap3A_47, %swap3A_48] : memref<128x512xf32, #tpu.memory_space<vmem>>, vector<128x512xf32>
    tpu.vector_store %arg9[%swap3A_47, %swap3A_48], %transpose3A {strides = array<i32>} : memref<128x512xf32, #tpu.memory_space<vmem>>, vector<128x512xf32>,
    return
  }
  func.func @transform_0(%arg0: i32) -> (i32, i32) {
    %c0_i32 = arith.constant 0 : i32
    %c0_i32_0 = arith.constant 0 : i32
    return %arg0, %c0_i32 : i32, i32
  }
  func.func @transform_1(%arg0: i32) -> (i32, i32) {
    %c0_i32 = arith.constant 0 : i32
    %c0_i32_0 = arith.constant 0 : i32
    return %arg0, %c0_i32 : i32, i32
  }
  func.func @transform_2(%arg0: i32) -> (i32, i32) {
    %c0_i32 = arith.constant 0 : i32
    %c0_i32_0 = arith.constant 0 : i32
    %c0_i32_1 = arith.constant 0 : i32
    return %c0_i32, %c0_i32_0 : i32, i32
  }
  func.func @transform_3(%arg0: i32) -> (i32, i32) {
    %c0_i32 = arith.constant 0 : i32
    %c0_i32_0 = arith.constant 0 : i32
    %c0_i32_1 = arith.constant 0 : i32
    return %c0_i32, %c0_i32_0 : i32, i32
  }
  func.func @transform_4(%arg0: i32) -> (i32, i32) {
    %c0_i32 = arith.constant 0 : i32
    %c0_i32_0 = arith.constant 0 : i32
    %c0_i32_1 = arith.constant 0 : i32
    return %c0_i32, %c0_i32_0 : i32, i32
  }
  func.func @transform_5(%arg0: i32) -> (i32, i32) {
    %c0_i32 = arith.constant 0 : i32
    %c0_i32_0 = arith.constant 0 : i32
    %c0_i32_1 = arith.constant 0 : i32
    return %c0_i32, %c0_i32_0 : i32, i32
  }
  func.func @transform_6(%arg0: i32) -> (i32, i32) {
    %c0_i32 = arith.constant 0 : i32
    %c0_i32_0 = arith.constant 0 : i32
    %c0_i32_1 = arith.constant 0 : i32
    return %c0_i32, %c0_i32_0 : i32, i32
  }
  func.func @transform_7(%arg0: i32) -> (i32, i32) {
    %c0_i32 = arith.constant 0 : i32
    %c0_i32_0 = arith.constant 0 : i32
    return %arg0, %c0_i32 : i32, i32
  }
  func.func @transform_8(%arg0: i32) -> (i32, i32) {
    %c0_i32 = arith.constant 0 : i32
    %c0_i32_0 = arith.constant 0 : i32
    return %c0_i32, %arg0 : i32, i32
  }
}

module attributes {stable_mosaic.version = 14 : i64} {
  func.func @_head_body(%arg0: memref<1024x128xf32, #tpu.memory_space<vmem>>, %arg1: memref<128x1024xf32, #tpu.memory_space<vmem>>, %arg2: memref<128x128xf32, #tpu.memory_space<vmem>>, %arg3: memref<128x128xf32, #tpu.memory_space<vmem>>, %arg4: memref<1x128xf32, #tpu.memory_space<vmem>>, %arg5: memref<1024x128xf32, #tpu.memory_space<vmem>>) attributes {dimension_semantics = [], scalar_prefetch = 0 : i64, scratch_operands = 0 : i64, tpu.core_type = #tpu.core_type<tc>} {
    %get3A = arith.constant 0 : index
    %get3A_0 = arith.constant 0 : index
    %get3A_1 = vector.load %arg0[%get3A, %get3A_0] : memref<1024x128xf32, #tpu.memory_space<vmem>>, vector<1024x128xf32>
    %get3A_2 = arith.constant 0 : index
    %get3A_3 = arith.constant 0 : index
    %get3A_4 = vector.load %arg2[%get3A_2, %get3A_3] : memref<128x128xf32, #tpu.memory_space<vmem>>, vector<128x128xf32>
    %dot_general3A = arith.constant dense<0.000000e+00> : vector<1024x128xf32>
    %dot_general3A_5 = tpu.matmul %get3A_1, %get3A_4, %dot_general3A {dimension_numbers = #tpu.dot_dimension_numbers<[1], [0], [0], [1], [0, 0, 1, 1], [], []>, transpose_lhs_hint = false} : vector<1024x128xf32>, vector<128x128xf32>, vector<1024x128xf32> -> vector<1024x128xf32>
    %get3A_6 = arith.constant 0 : index
    %get3A_7 = arith.constant 0 : index
    %get3A_8 = vector.load %arg1[%get3A_6, %get3A_7] : memref<128x1024xf32, #tpu.memory_space<vmem>>, vector<128x1024xf32>
    %transpose3A = tpu.transpose %get3A_8, [1, 0] : vector<128x1024xf32> -> vector<1024x128xf32>
    %get3A_9 = arith.constant 0 : index
    %get3A_10 = arith.constant 0 : index
    %get3A_11 = vector.load %arg3[%get3A_9, %get3A_10] : memref<128x128xf32, #tpu.memory_space<vmem>>, vector<128x128xf32>
    %dot_general3A_12 = arith.constant dense<0.000000e+00> : vector<1024x128xf32>
    %dot_general3A_13 = tpu.matmul %transpose3A, %get3A_11, %dot_general3A_12 {dimension_numbers = #tpu.dot_dimension_numbers<[1], [0], [0], [1], [0, 0, 1, 1], [], []>, transpose_lhs_hint = false} : vector<1024x128xf32>, vector<128x128xf32>, vector<1024x128xf32> -> vector<1024x128xf32>
    %add3A = arith.addf %dot_general3A_5, %dot_general3A_13 : vector<1024x128xf32>
    %get3A_14 = arith.constant 0 : index
    %get3A_15 = arith.constant 0 : index
    %get3A_16 = vector.load %arg4[%get3A_14, %get3A_15] : memref<1x128xf32, #tpu.memory_space<vmem>>, vector<1x128xf32>
    %add3A_17 = vector.broadcast %get3A_16 : vector<1x128xf32> to vector<1024x128xf32>
    %add3A_18 = arith.addf %add3A, %add3A_17 : vector<1024x128xf32>
    %max3A = arith.constant 0.000000e+00 : f32
    %max3A_19 = vector.broadcast %max3A : f32 to vector<1024x128xf32>
    %max3A_20 = arith.maximumf %add3A_18, %max3A_19 : vector<1024x128xf32>
    %mul3A = arith.mulf %max3A_20, %max3A_20 : vector<1024x128xf32>
    %reduce_sum3A = arith.constant dense<0.000000e+00> : vector<1024xf32>
    %reduce_sum3A_21 = vector.multi_reduction <add>, %mul3A, %reduce_sum3A [1] : vector<1024x128xf32> to vector<1024xf32>
    %broadcast_in_dim3A = vector.shape_cast %reduce_sum3A_21 : vector<1024xf32> to vector<1024x1xf32>
    %sqrt3A = math.sqrt %broadcast_in_dim3A : vector<1024x1xf32>
    %max3A_22 = arith.constant 9.99999996E-13 : f32
    %max3A_23 = vector.broadcast %max3A_22 : f32 to vector<1024x1xf32>
    %max3A_24 = arith.maximumf %sqrt3A, %max3A_23 : vector<1024x1xf32>
    %div3A = vector.broadcast %max3A_24 : vector<1024x1xf32> to vector<1024x128xf32>
    %div3A_25 = arith.divf %max3A_20, %div3A : vector<1024x128xf32>
    %swap3A = arith.constant 0 : index
    %swap3A_26 = arith.constant 0 : index
    %swap3A_27 = vector.load %arg5[%swap3A, %swap3A_26] : memref<1024x128xf32, #tpu.memory_space<vmem>>, vector<1024x128xf32>
    tpu.vector_store %arg5[%swap3A, %swap3A_26], %div3A_25 {strides = array<i32>} : memref<1024x128xf32, #tpu.memory_space<vmem>>, vector<1024x128xf32>,
    return
  }
}

</mosaic_0001>

<sc_bundles>
// kernel: kernel.11.cloned.1.call-start
scs
__scs_entry_jumppad:
0x0: {  	(pc) =	sbr.rel $0x88, $3  }
0x1: {  	(tag) =	ssettag $0x0;
	lr =	simm.s32 $0x1  }
0x2: {  	[smem:$0x3F9B] =	sst lr;
	_ =	strace $0xD0000000  }
0x3: {  	_ = 	snop  }
0x4: {  	_ = 	snop  }
0x5: {  	_ = 	snop  }
0x6: {  	_ = 	snop  }
0x7: {  	_ = 	snop  }
__scs_overlays_trampoline_lowered:
0x8: {  	[smem:$0x3FAA] =	sst s0  }
0x9: {  	[smem:$0x3FAB] =	sst s1  }
0xa: {  	[smem:$0x3FAC] =	sst s2  }
0xb: {  	[smem:$0x3FAD] =	sst s3  }
0xc: {  	[smem:$0x3FAE] =	sst s4  }
0xd: {  	[smem:$0x3FAF] =	sst s5  }
0xe: {  	[smem:$0x3FB0] =	sst s6  }
0xf: {  	[smem:$0x3FB1] =	sst s7  }
0x10: {  	[smem:$0x3FB2] =	sst s8  }
0x11: {  	[smem:$0x3FB3] =	sst s9;
	s0 =	simm.s32 @!p0 $0x0  }
0x12: {  	s1 =	sld [smem:$0x3F99];
	s0 =	simm.s32 @p0 $0x1  }
0x13: {  	[smem:$0x3FB4] =	sst s0;
	s0 =	simm.s32 @!p1 $0x0  }
0x14: {  	s2 =	sld [smem:$0x3F98];
	s0 =	simm.s32 @p1 $0x1  }
0x15: {  	[smem:$0x3FB5] =	sst s0;
	s0 =	simm.s32 @!p2 $0x0  }
0x16: {  	s3 =	sld [smem:$0x3FDB];
	s0 =	simm.s32 @p2 $0x1  }
0x17: {  	s4 =	simm.s32 $0x1BF5;
	[smem:$0x3FB7] =	sst s0  }
0x18: {  	s0 =	sld [smem:$0x3F9A];
	_ =	swait.ge [sflag:s4], $0x0  }
0x19: {  	s7 =	sld [smem:$0x3F9B]  }
0x1a: {  	s8 =	sadd.s32 $0xFFFFE003, lr  }
0x1b: {  	s9 =	sadd.s32 $0xFFFFFEF7, lr;
	s5 =	simm.s32 $0xFFFFFFFF;
	p2 =	slt.u32 s8, $0xFFFFF086  }
0x1c: {  	p1 =	slt.u32 s9, $0xF7A;
	s5 =	simm.s32 @!p2 $0x0  }
0x1d: {  	s5 =	simm.s32 @p1 $0x1;
	p0 =	seq.s32 s7, s2  }
0x1e: {  	s7 =	smul.u32 @!p0 $0xF7A, s2;
	p2 =	seq.s32 @!p0 s5, $0x0  }
0x1f: {  	s9 =	smul.u32 $0xF7A, s1;
	s8 =	simm.s32 @!p0 $0x1BF5;
	p2 =	por !p2, p0  }
0x20: {  	[sflag:s8] =	ssyncset.s32 @!p0 $0xFFFFF086;
	s6 =	sadd.s32 @!p0 s3, s7;
	s7 =	simm.s32 @!p0 $0x108  }
0x21: {  	s3 =	sadd.s32 s3, s9;
	s6 =	sadd.s32 @!p0 $0x88, s6;
	s7 =	simm.s32 @p2 $0x1082  }
0x22: {  	[simem:s7], [sflag:s8] =	dma.local @!p0 [hbm:s6], $0xF7A  }
0x23: {  	s9 =	sor.u32 $0xD0000000, s2;
	s6 =	simm.s32 $0x108;
	_ =	swait.ge @!p0 [sflag:s8], $0x0  }
0x24: {  	s3 =	sadd.s32 $0x88, s3;
	s6 =	simm.s32 @!p1 $0x1082;
	[sflag:s4] =	ssyncset.s32 $0xFFFFF086  }
0x25: {  	[simem:s6], [sflag:s4] =	dma.local [hbm:s3], $0xF7A  }
0x26: {  	[smem:$0x3F9B] =	sst s1;
	(tag) =	ssettag s2;
	_ =	strace s9  }
0x27: {  	s1 =	sld [smem:$0x3FAB]  }
0x28: {  	s2 =	sld [smem:$0x3FAC]  }
0x29: {  	s4 =	sld [smem:$0x3FAE]  }
0x2a: {  	p0 =	seq.s32 s5, $0x0;
	s5 =	sld [smem:$0x3FAF]  }
0x2b: {  	s6 =	sld [smem:$0x3FB0]  }
0x2c: {  	s7 =	sld [smem:$0x3FB1]  }
0x2d: {  	s3 =	simm.s32 $0x108;
	s8 =	sld [smem:$0x3FB2]  }
0x2e: {  	s3 =	simm.s32 @!p0 $0x1082;
	s9 =	sld [smem:$0x3FB3]  }
0x2f: {  	lr =	sadd.s32 s0, s3;
	s0 =	sld [smem:$0x3FAA]  }
0x30: {  	s3 =	sld [smem:$0x3FAD]  }
0x31: {  	[smem:$0x3FB6] =	sst s10  }
0x32: {  	s10 =	sld [smem:$0x3FB4];
	_ =	sdelay $0x3  }
0x33: {  	p0 =	seq.s32 s10, $0x1;
	s10 =	sld [smem:$0x3FB6];
	_ =	sdelay $0x3  }
0x34: {  	[smem:$0x3FB6] =	sst s10  }
0x35: {  	s10 =	sld [smem:$0x3FB5];
	_ =	sdelay $0x3  }
0x36: {  	p1 =	seq.s32 s10, $0x1;
	s10 =	sld [smem:$0x3FB6];
	_ =	sdelay $0x3  }
0x37: {  	[smem:$0x3FB6] =	sst s10  }
0x38: {  	s10 =	sld [smem:$0x3FB7]  }
0x39: {  	_ = 	snop;
	(pc) =	sbr.ind lr, $3  }
0x3a: {  	_ = 	snop  }
0x3b: {  	_ = 	snop  }
0x3c: {  	p2 =	seq.s32 s10, $0x1;
	s10 =	sld [smem:$0x3FB6]  }
0x3d: {  	_ =	shalt  }
0x3e: {  	_ =	shalt  }
0x3f: {  	_ =	shalt  }
0x40: {  	_ =	shalt  }
0x41: {  	_ =	shalt  }
0x42: {  	_ =	shalt  }
0x43: {  	_ =	shalt  }
0x44: {  	_ =	shalt  }
0x45: {  	_ =	shalt  }
0x46: {  	_ =	shalt  }
0x47: {  	_ =	shalt  }
0x48: {  	_ =	shalt  }
0x49: {  	_ =	shalt  }
0x4a: {  	_ =	shalt  }
0x4b: {  	_ =	shalt  }
0x4c: {  	_ =	shalt  }
0x4d: {  	_ =	shalt  }
0x4e: {  	_ =	shalt  }
0x4f: {  	_ =	shalt  }
0x50: {  	_ =	shalt  }
0x51: {  	_ =	shalt  }
0x52: {  	_ =	shalt  }
0x53: {  	_ =	shalt  }
0x54: {  	_ =	shalt  }
0x55: {  	_ =	shalt  }
0x56: {  	_ =	shalt  }
0x57: {  	_ =	shalt  }
0x58: {  	_ =	shalt  }
0x59: {  	_ =	shalt  }
0x5a: {  	_ =	shalt  }
0x5b: {  	_ =	shalt  }
0x5c: {  	_ =	shalt  }
0x5d: {  	_ =	shalt  }
0x5e: {  	_ =	shalt  }
0x5f: {  	_ =	shalt  }
0x60: {  	_ =	shalt  }
0x61: {  	_ =	shalt  }
0x62: {  	_ =	shalt  }
0x63: {  	_ =	shalt  }
0x64: {  	_ =	shalt  }
0x65: {  	_ =	shalt  }
0x66: {  	_ =	shalt  }
0x67: {  	_ =	shalt  }
0x68: {  	_ =	shalt  }
0x69: {  	_ =	shalt  }
0x6a: {  	_ =	shalt  }
0x6b: {  	_ =	shalt  }
0x6c: {  	_ =	shalt  }
0x6d: {  	_ =	shalt  }
0x6e: {  	_ =	shalt  }
0x6f: {  	_ =	shalt  }
0x70: {  	_ =	shalt  }
0x71: {  	_ =	shalt  }
0x72: {  	_ =	shalt  }
0x73: {  	_ =	shalt  }
0x74: {  	_ =	shalt  }
0x75: {  	_ =	shalt  }
0x76: {  	_ =	shalt  }
0x77: {  	_ =	shalt  }
0x78: {  	_ =	shalt  }
0x79: {  	_ =	shalt  }
0x7a: {  	_ =	shalt  }
0x7b: {  	_ =	shalt  }
0x7c: {  	_ =	shalt  }
0x7d: {  	_ =	shalt  }
0x7e: {  	_ =	shalt  }
0x7f: {  	_ =	shalt  }
0x80: {  	_ =	shalt  }
0x81: {  	_ =	shalt  }
0x82: {  	_ =	shalt  }
0x83: {  	_ =	shalt  }
0x84: {  	_ =	shalt  }
0x85: {  	_ =	shalt  }
0x86: {  	_ =	shalt  }
0x87: {  	_ =	shalt  }
.Lfunc_end0:
.L_simem_size_0:
called_computation.1_lowered:
.L_overlay_start_0:
0x88: {  	s2 =	sld [smem:$0x3FD9]  }
0x89: {  	s3 =	sld [smem:$0x3FFE];
	_ =	sdelay $0x1  }
0x8a: {  	s1 =	srdreg.scid  }
0x8b: {  	s0 =	sand.u32 $0x1, s1  }
0x8c: {  	s17 =	sshll.u32 s0, $0xA;
	s2 =	sadd.s32 s3, s2  }
0x8d: {  	s2 =	sadd.s32 s2, s17  }
0x8e: {  	[smem:$0x3FC2] =	sst s2  }
0x8f: {  	_ = 	snop  }
0x90: {  	s2 =	sld [smem:$0x3FD0];
	(tm) =	ssettm $0x1  }
0x91: {  	s18 =	sld [smem:$0x3FFB];
	_ =	sdelay $0x3  }
0x92: {  	_ =	strace s18  }
0x93: {  	s3 =	sld [smem:$0x3FFC];
	_ =	sdelay $0x3  }
0x94: {  	_ =	strace s3  }
0x95: {  	s3 =	sld [smem:$0x3FFD];
	_ =	sdelay $0x3  }
0x96: {  	_ =	strace s3  }
0x97: {  	_ =	strace $0x8FFFFFFF  }
0x98: {  	s19 =	sld [smem:$0x3FDB];
	_ =	sdelay $0x1  }
0x99: {  	s4 =	simm.s32 $_scs_section_size  }
0x9a: {  	s5 =	simm.s32 $_size__tile_overlayer_lowered;
	s6 =	simm.s32 $_tile_overlayer_lowered  }
0x9b: {  	s22 =	simm.s32 $0x1BFF;
	s21 =	sshll.u32 s6, $0x1;
	s3 =	sadd.s32 s4, s19  }
0x9c: {  	s7 =	simm.s32 $0x0;
	s20 =	sshll.u32 s5, $0x1;
	s5 =	sadd.s32 s21, s3  }
0x9d: {  	[timem:s7], [sflag:s22] =	dma.local [hbm:s5], s20  }
0x9e: {  	_ =	swait.ge [sflag:s22], s20  }
0x9f: {  	s4 =	ssub.s32 $0x0, s20;
	[sflag:s22] =	ssyncset.done $0x0  }
0xa0: {  	[sflag:s22] =	ssyncadd.s32 s4;
	_ =	sdelay $0x1  }
0xa1: {  	s23 =	simm.s32 $0x1B8B  }
0xa2: {  	_ =	swait.ge [sflag:s23], $0x1  }
0xa3: {  	[sflag:s23] =	ssyncset.done $0x0  }
0xa4: {  	s25 =	simm.s32 $0x1B8E;
	s24 =	sld [smem:$0x3FFE];
	[sflag:s23] =	ssyncadd.s32 $0xFFFFFFFF  }
0xa5: {  	s26 =	simm.s32 $execute0_lowered;
	[smem:$0x3FD2] =	sst s25  }
0xa6: {  	s5 =	sshll.u32 s26, $0x1;
	_ =	strace $0x80000049;
	[dreg:$0x1] =	wrdreg $0xFFFFFFFF  }
0xa7: {  	s28 =	simm.s32 $_size_execute0_lowered;
	s3 =	sadd.s32 s3, s5;
	[dreg:$0x0] =	wrdreg $0x0  }
0xa8: {  	s5 =	sshll.u32 s28, $0x1;
	[dreg:$0x2] =	wrdreg s3  }
0xa9: {  	[dreg:$0x3] =	wrdreg s5  }
0xaa: {  	[dreg:$0x4] =	wrdreg $0xC0  }
0xab: {  	_ =	task [dreg:s7], $0x5FFFF  }
0xac: {  	[dreg:$0x1] =	wrdreg $0xFFFFFFFF  }
0xad: {  	[dreg:$0x0] =	wrdreg $0x60  }
0xae: {  	[dreg:$0x2] =	wrdreg s24  }
0xaf: {  	[dreg:$0x3] =	wrdreg s2  }
0xb0: {  	[dreg:$0x4] =	wrdreg $0x9  }
0xb1: {  	_ =	task.clear_ibuf [dreg:s7], $0x5FFFF;
	_ =	strace $0x90000049  }
0xb2: {  	s29 =	simm.s32 $0x9;
	_ =	strace $0x8000004B  }
0xb3: {  	_ =	swait.ge [sflag:s29], $0x1  }
0xb4: {  	[sflag:s29] =	ssyncadd.s32 $0xFFFFFFFF  }
0xb5: {  	_ =	strace $0x9000004B  }
0xb6: {  	_ =	sfence  }
0xb7: {  	s30 =	sld [smem:$0x0];
	_ =	sdelay $0x2  }
0xb8: {  	s31 =	sshll.u32 s1, $0xD;
	s1 =	sshrl.u32 s1, $0x2  }
0xb9: {  	s3 =	sand.u32 $0x4000, s31;
	s1 =	sadd.s32 s1, s30  }
0xba: {  	s0 =	sor.u32 s3, s0;
	s1 =	sshll.u32 s1, $0x11  }
0xbb: {  	s0 =	sor.u32 s1, s0  }
0xbc: {  	s0 =	sadd.s32 $0x8F2B, s0  }
0xbd: {  	[sflag:s0] =	ssyncadd.remote.s32 $0x1  }
0xbe: {  	_ =	sfence.sel $0xFFFF  }
0xbf: {  	[dreg:$0x0] =	wrdreg $0xFFFFFFFF;
	(pc) =	sbr.abs _section_cstart, $3  }
0xc0: {  	[dreg:$0x1] =	wrdreg $0xFFFFFFFF  }
0xc1: {  	_ =	task.clear_ibuf [dreg:s7], $0x2FFFF;
	_ =	strace $0x9FFFFFFF  }
0xc2: {  	(tm) =	ssettm $0x7FFFFFFF  }
0xc3: {  	_ =	shalt  }
tec
execute0_lowered:
.L_overlay_start_1:
0x0: {  	(tag) =	ssettag $0x1  }
0x1: {  	s5 =	rddreg [dreg:$0x0];
	s1 =	srdreg.scid  }
0x2: {  	s0 =	stileid.u32;
	s7 =	rddreg [dreg:$0x1]  }
0x3: {  	s2 =	simm.s32 $0x0;
	s13 =	simm.s32 $0xA000;
	s14 =	simm.s32 $0x13000  }
0x4: {  	s15 =	simm.s32 $0x20;
	s16 =	simm.s32 $0x13080;
	s17 =	simm.s32 $0x1  }
0x5: {  	s18 =	simm.s32 $0x12000;
	s6 =	sand.u32 $0x1, s1;
	s1 =	rddreg [dreg:$0x2]  }
0x6: {  	s19 =	simm.s32 $0x0;
	s3 =	smul.u32 $0x14000, s0;
	[smem:$0x7FF] =	sst s2  }
0x7: {  	s9 =	sshll.u32 s0, $0x1;
	s4 =	sshll.u32 s6, $0x9;
	_ =	strace $0x8000004A  }
0x8: {  	s9 =	sor.u32 s6, s9;
	s6 =	ssub.s32 $0x2, s6;
	s3 =	sor.u32 s4, s3  }
0x9: {  	s4 =	sadd.s32 $0x20A00, s5;
	s10 =	sshll.u32 s9, $0x2;
	s9 =	sshll.u32 s9, $0x9  }
0xa: {  	s11 =	sshrl.u32 s6, $0x1;
	s3 =	sshrl.u32 s3, $0x3;
	s10 =	sadd.s32 s10, s5  }
0xb: {  	s12 =	sadd.s32 s9, s5;
	s11 =	ssub.s32 s6, s11;
	s7 =	sadd.s32 s7, s9  }
0xc: {  	s8 =	sadd.s32 s3, s5;
	s3 =	sadd.s32 $0x49A00, s5;
	s6 =	sadd.s32 $0x2A00, s10  }
0xd: {  	s9 =	smax.u32 s11, $0x1;
	s10 =	simm.s32 $0x200;
	s11 =	simm.s32 $0x400  }
0xe: {  	s5 =	sadd.s32 $0x21A00, s8;
	s8 =	sadd.s32 $0x2C00, s12;
	s12 =	simm.s32 $0x2  }
.LBB2_1:
0xf: {  	[tilespmem:s2], [sflag:$0x2] =	stream.strided.gather [hbm4b:s5+s10], $0xA000, s11, s10, $0x38;
	[tilespmem:$0x14080] =	vst v63  }
0x10: {  	_ =	swait.ge [sflag:s12], $0xA000  }
0x11: {  	[sflag:s12] =	ssyncset.done $0x0  }
0x12: {  	[sflag:s12] =	ssyncadd.s32 $0xFFFF6000  }
0x13: {  	[tilespmem:s13], [sflag:$0x2] =	stream.linear.gather [hbm4b:s4+s2], $0x8000, $0x38;
	[tilespmem:$0x14080] =	vst v63  }
0x14: {  	_ =	swait.ge [sflag:s12], $0x8000  }
0x15: {  	[sflag:s12] =	ssyncset.done $0x0  }
0x16: {  	[sflag:s12] =	ssyncadd.s32 $0xFFFF8000  }
0x17: {  	[tilespmem:s14], [sflag:$0x2] =	stream.linear.gather [hbm4b:s6+s2], $0x20, $0x38;
	[tilespmem:$0x14080] =	vst v63  }
0x18: {  	_ =	swait.ge [sflag:s12], $0x20  }
0x19: {  	[sflag:s12] =	ssyncset.done $0x0  }
0x1a: {  	[sflag:s12] =	ssyncadd.s32 $0xFFFFFFE0  }
0x1b: {  	[tilespmem:s16], [sflag:$0x1] =	stream.indirect.gather [hbm4b:s3+s15], $0x80, s14, s15, $0xb8;
	[tilespmem:$0x14080] =	vst v63  }
0x1c: {  	_ =	swait.ge [sflag:s17], $0x1000  }
0x1d: {  	[sflag:s17] =	ssyncset.done $0x0  }
0x1e: {  	[sflag:s17] =	ssyncadd.s32 $0xFFFFF000  }
0x1f: {  	[hbm4b:s7+s2] =	stream.linear.scatter [tilespmem:s16], [sflag:$0x2], $0x1000, $0x38;
	[tilespmem:$0x14080] =	vst v63  }
0x20: {  	_ =	swait.ge [sflag:s12], $0x1000  }
0x21: {  	s20 =	simm.s32 $0xA800;
	[sflag:s12] =	ssyncset.done $0x0  }
0x22: {  	s21 =	simm.s32 $0x12800;
	s22 =	simm.s32 $0x0;
	[sflag:s12] =	ssyncadd.s32 $0xFFFFF000  }
.LBB2_2:
0x23: {  	v0 =	vld [tilespmem:s20+$0xFFFFF800]  }
0x24: {  	v2 =	vld [tilespmem:s20+$0xFFFFFC00];
	_ =	sdelay $0x1  }
0x25: {  	v5 =	vld [tilespmem:s20+$0x0]  }
0x26: {  	v46 =	vld [tilespmem:s20+$0x400];
	s23 =	sand.u32 $0x3F0, s22  }
0x27: {  	v52 =	vld [tilespmem:s23+$0xB000];
	v1 =	vshll.u32 v0, $0x2  }
0x28: {  	v58 =	vld [tilespmem:s23+$0xB400];
	v0 =	vand.u32 $0x7F, v0;
	v4 =	vshll.u32 v2, $0x2;
	v1 =	vand.u32 $0xFFFFFE00, v1  }
0x29: {  	v9 =	vld [tilespmem:s23+$0xB800];
	v2 =	vand.u32 $0x7F, v2;
	v4 =	vand.u32 $0xFFFFFE00, v4;
	v0 =	vor.u32 v0, v1  }
0x2a: {  	v25 =	vld [tilespmem:s23+$0xBC00];
	v43 =	vor.u32 v2, v4  }
0x2b: {  	v34 =	vld [tilespmem:s23+$0xC000];
	v1 =	vor.u32 $0x80, v0  }
0x2c: {  	v40 =	vld [tilespmem:s23+$0xC400];
	v3 =	vor.u32 $0x100, v0  }
0x2d: {  	v51 =	vshll.u32 v46, $0x2;
	v4 =	vand.u32 $0x7F, v46;
	v46 =	vld [tilespmem:s23+$0xC800];
	v6 =	vor.u32 $0x180, v0  }
0x2e: {  	v44 =	vor.u32 $0x80, v43;
	v27 =	vld.idx.msk [tilespmem:v0+s2+$0x0], $0xffff  }
0x2f: {  	v2 =	vor.u32 $0x100, v43;
	v29 =	vld.idx.msk [tilespmem:v43+s2+$0x0], $0xffff  }
0x30: {  	v10 =	vld.idx.msk [tilespmem:v1+s2+$0x0], $0xffff  }
0x31: {  	v28 =	vld.idx.msk [tilespmem:v3+s2+$0x0], $0xffff  }
0x32: {  	v45 =	vshll.u32 v5, $0x2;
	v5 =	vand.u32 $0x7F, v5;
	v6 =	vld.idx.msk [tilespmem:v6+s2+$0x0], $0xffff  }
0x33: {  	v57 =	vshll.u32 v52, $0x2;
	v47 =	vor.u32 $0x180, v43;
	v3 =	vand.u32 $0xFFFFFE00, v45;
	v1 =	vld.idx.msk [tilespmem:v44+s2+$0x0], $0xffff  }
0x34: {  	v63 =	vshll.u32 v58, $0x2;
	v2 =	vld.idx.msk [tilespmem:v2+s2+$0x0], $0xffff;
	v48 =	vor.u32 v5, v3;
	v3 =	vand.u32 $0xFFFFFE00, v51  }
0x35: {  	v5 =	vand.u32 $0x7F, v52;
	v52 =	vld [tilespmem:s23+$0xCC00];
	v49 =	vor.u32 $0x80, v48;
	v50 =	vor.u32 $0x100, v48  }
0x36: {  	v54 =	vor.u32 v4, v3;
	v3 =	vand.u32 $0xFFFFFE00, v57;
	v4 =	vand.u32 $0x7F, v58;
	v58 =	vld [tilespmem:s23+$0xD000]  }
0x37: {  	v24 =	vshll.u32 v9, $0x2;
	v60 =	vor.u32 v5, v3;
	v5 =	vand.u32 $0x7F, v9;
	v9 =	vld [tilespmem:s23+$0xD400]  }
0x38: {  	v56 =	vor.u32 $0x100, v54;
	[tilespmem:$0x1FF00] =	vst v6;
	v6 =	vld.idx.msk [tilespmem:v47+s2+$0x0], $0xffff  }
0x39: {  	v11 =	vld.idx.msk [tilespmem:v48+s2+$0x0], $0xffff  }
0x3a: {  	v61 =	vor.u32 $0x80, v60;
	[tilespmem:$0x1FEE0] =	vst v1;
	v1 =	vld.idx.msk [tilespmem:v49+s2+$0x0], $0xffff  }
0x3b: {  	v3 =	vand.u32 $0xFFFFFE00, v63;
	v62 =	vor.u32 $0x100, v60;
	v12 =	vld.idx.msk [tilespmem:v50+s2+$0x0], $0xffff  }
0x3c: {  	v21 =	vor.u32 v4, v3;
	v13 =	vld.idx.msk [tilespmem:v54+s2+$0x0], $0xffff  }
0x3d: {  	v53 =	vor.u32 $0x180, v48;
	[tilespmem:$0x1FEF0] =	vst v2;
	v2 =	vld.idx.msk [tilespmem:v56+s2+$0x0], $0xffff  }
0x3e: {  	v23 =	vor.u32 $0x100, v21;
	v14 =	vld.idx.msk [tilespmem:v60+s2+$0x0], $0xffff  }
0x3f: {  	v33 =	vshll.u32 v25, $0x2;
	v3 =	vand.u32 $0xFFFFFE00, v24;
	v26 =	vor.u32 $0x180, v21;
	v16 =	vld.idx.msk [tilespmem:v61+s2+$0x0], $0xffff  }
0x40: {  	v4 =	vand.u32 $0x7F, v25;
	v30 =	vor.u32 v5, v3;
	v3 =	vand.u32 $0xFFFFFE00, v33;
	v15 =	vld.idx.msk [tilespmem:v62+s2+$0x0], $0xffff  }
0x41: {  	v39 =	vshll.u32 v34, $0x2;
	v36 =	vor.u32 v4, v3;
	v0 =	vld.idx.msk [tilespmem:v21+s2+$0x0], $0xffff  }
0x42: {  	v55 =	vor.u32 $0x80, v54;
	v5 =	vand.u32 $0x7F, v34;
	v3 =	vand.u32 $0xFFFFFE00, v39;
	[tilespmem:$0x1FF10] =	vst v6;
	v6 =	vld.idx.msk [tilespmem:v53+s2+$0x0], $0xffff  }
0x43: {  	v38 =	vor.u32 $0x100, v36;
	v42 =	vor.u32 v5, v3;
	v18 =	vld.idx.msk [tilespmem:v23+s2+$0x0], $0xffff  }
0x44: {  	v45 =	vshll.u32 v40, $0x2;
	v43 =	vor.u32 $0x80, v42;
	v19 =	vld.idx.msk [tilespmem:v26+s2+$0x0], $0xffff  }
0x45: {  	v4 =	vand.u32 $0x7F, v40;
	v3 =	vand.u32 $0xFFFFFE00, v45;
	v44 =	vor.u32 $0x100, v42;
	v17 =	vld.idx.msk [tilespmem:v30+s2+$0x0], $0xffff  }
0x46: {  	v22 =	vor.u32 $0x80, v21;
	v48 =	vor.u32 v4, v3;
	v21 =	vld.idx.msk [tilespmem:v36+s2+$0x0], $0xffff  }
0x47: {  	v51 =	vshll.u32 v46, $0x2;
	v49 =	vor.u32 $0x80, v48;
	[tilespmem:$0x1FF20] =	vst v1;
	v1 =	vld.idx.msk [tilespmem:v55+s2+$0x0], $0xffff  }
0x48: {  	v5 =	vand.u32 $0x7F, v46;
	v3 =	vand.u32 $0xFFFFFE00, v51;
	v50 =	vor.u32 $0x100, v48;
	[tilespmem:$0x1FF50] =	vst v2;
	v2 =	vld.idx.msk [tilespmem:v38+s2+$0x0], $0xffff  }
0x49: {  	v59 =	vor.u32 $0x180, v54;
	v54 =	vor.u32 v5, v3;
	v24 =	vld.idx.msk [tilespmem:v43+s2+$0x0], $0xffff  }
0x4a: {  	v23 =	vld.idx.msk [tilespmem:v44+s2+$0x0], $0xffff  }
0x4b: {  	v25 =	vld.idx.msk [tilespmem:v48+s2+$0x0], $0xffff  }
0x4c: {  	v57 =	vshll.u32 v52, $0x2;
	v53 =	vor.u32 $0x180, v48;
	v26 =	vld.idx.msk [tilespmem:v49+s2+$0x0], $0xffff  }
0x4d: {  	v4 =	vand.u32 $0x7F, v52;
	v3 =	vand.u32 $0xFFFFFE00, v57;
	v56 =	vor.u32 $0x100, v54;
	v38 =	vld.idx.msk [tilespmem:v50+s2+$0x0], $0xffff  }
0x4e: {  	v20 =	vor.u32 $0x180, v60;
	v60 =	vor.u32 v4, v3;
	v43 =	vld.idx.msk [tilespmem:v54+s2+$0x0], $0xffff  }
0x4f: {  	v62 =	vor.u32 $0x100, v60;
	[tilespmem:$0x1FF80] =	vst v0;
	v0 =	vld [tilespmem:s23+$0xEC00]  }
0x50: {  	[tilespmem:$0x1FF30] =	vst v6;
	v6 =	vld.idx.msk [tilespmem:v59+s2+$0x0], $0xffff  }
0x51: {  	v39 =	vld.idx.msk [tilespmem:v53+s2+$0x0], $0xffff  }
0x52: {  	v61 =	vor.u32 $0x80, v60;
	v44 =	vld.idx.msk [tilespmem:v56+s2+$0x0], $0xffff  }
0x53: {  	v45 =	vld.idx.msk [tilespmem:v60+s2+$0x0], $0xffff  }
0x54: {  	v32 =	vor.u32 $0x100, v30;
	v46 =	vld.idx.msk [tilespmem:v62+s2+$0x0], $0xffff  }
0x55: {  	v31 =	vor.u32 $0x80, v30;
	[tilespmem:$0x1FF40] =	vst v1;
	v1 =	vld.idx.msk [tilespmem:v22+s2+$0x0], $0xffff  }
0x56: {  	v59 =	vor.u32 $0x180, v54;
	v22 =	vld.idx.msk [tilespmem:v42+s2+$0x0], $0xffff  }
0x57: {  	v47 =	vor.u32 $0x180, v42;
	v42 =	vld.idx.msk [tilespmem:v61+s2+$0x0], $0xffff  }
0x58: {  	v35 =	vor.u32 $0x180, v30;
	[tilespmem:$0x1FF60] =	vst v6;
	v6 =	vld.idx.msk [tilespmem:v20+s2+$0x0], $0xffff  }
0x59: {  	v63 =	vshll.u32 v58, $0x2;
	v20 =	vld.idx.msk [tilespmem:v32+s2+$0x0], $0xffff  }
0x5a: {  	v37 =	vor.u32 $0x80, v36;
	v5 =	vand.u32 $0x7F, v58;
	v3 =	vand.u32 $0xFFFFFE00, v63;
	[tilespmem:$0x1FF90] =	vst v1;
	v1 =	vld.idx.msk [tilespmem:v31+s2+$0x0], $0xffff  }
0x5b: {  	v40 =	vld.idx.msk [tilespmem:v59+s2+$0x0], $0xffff;
	v31 =	vor.u32 v5, v3  }
0x5c: {  	v59 =	vld [tilespmem:s23+$0xDC00];
	v32 =	vor.u32 $0x80, v31  }
0x5d: {  	v33 =	vor.u32 $0x100, v31;
	[tilespmem:$0x1FF70] =	vst v6;
	v6 =	vld.idx.msk [tilespmem:v35+s2+$0x0], $0xffff  }
0x5e: {  	v41 =	vor.u32 $0x180, v36;
	v35 =	vld [tilespmem:s23+$0xD800]  }
0x5f: {  	v36 =	vor.u32 $0x180, v31;
	[tilespmem:$0x1FFA0] =	vst v1;
	v1 =	vld.idx.msk [tilespmem:v37+s2+$0x0], $0xffff  }
0x60: {  	v34 =	vshll.u32 v9, $0x2;
	v51 =	vld.idx.msk [tilespmem:v31+s2+$0x0], $0xffff  }
0x61: {  	v4 =	vand.u32 $0x7F, v9;
	v55 =	vor.u32 $0x80, v54;
	v3 =	vand.u32 $0xFFFFFE00, v34;
	v49 =	vld.idx.msk [tilespmem:v32+s2+$0x0], $0xffff  }
0x62: {  	v37 =	vor.u32 v4, v3;
	v52 =	vld.idx.msk [tilespmem:v33+s2+$0x0], $0xffff  }
0x63: {  	[tilespmem:$0x1FFB0] =	vst v6;
	v6 =	vld.idx.msk [tilespmem:v41+s2+$0x0], $0xffff  }
0x64: {  	v30 =	vor.u32 $0x180, v60;
	v48 =	vld.idx.msk [tilespmem:v36+s2+$0x0], $0xffff  }
0x65: {  	v9 =	vshll.u32 v59, $0x2;
	v4 =	vand.u32 $0x7F, v59;
	v36 =	vld [tilespmem:s23+$0xE400];
	v58 =	vshll.u32 v35, $0x2  }
0x66: {  	v56 =	vor.u32 $0x80, v37;
	v41 =	vld.idx.msk [tilespmem:v55+s2+$0x0], $0xffff;
	v5 =	vand.u32 $0x7F, v35;
	v3 =	vand.u32 $0xFFFFFE00, v58  }
0x67: {  	v57 =	vor.u32 $0x100, v37;
	v53 =	vld.idx.msk [tilespmem:v37+s2+$0x0], $0xffff;
	v61 =	vor.u32 v5, v3;
	v3 =	vand.u32 $0xFFFFFE00, v9  }
0x68: {  	v32 =	vor.u32 v4, v3;
	[tilespmem:$0x1FFE0] =	vst v6;
	v6 =	vld.idx.msk [tilespmem:v47+s2+$0x0], $0xffff  }
0x69: {  	v34 =	vor.u32 $0x100, v32;
	v47 =	vld.idx.msk [tilespmem:v30+s2+$0x0], $0xffff  }
0x6a: {  	v60 =	vor.u32 $0x180, v37;
	v30 =	vld [tilespmem:s23+$0xE000]  }
0x6b: {  	v50 =	vld.idx.msk [tilespmem:v56+s2+$0x0], $0xffff;
	v62 =	vor.u32 $0x80, v61  }
0x6c: {  	v54 =	vld.idx.msk [tilespmem:v57+s2+$0x0], $0xffff;
	v63 =	vor.u32 $0x100, v61  }
0x6d: {  	v59 =	vld.idx.msk [tilespmem:v61+s2+$0x0], $0xffff  }
0x6e: {  	v31 =	vor.u32 $0x180, v61;
	v4 =	vand.u32 $0x7F, v36;
	v61 =	vld.idx.msk [tilespmem:v34+s2+$0x0], $0xffff;
	v34 =	vshll.u32 v36, $0x2  }
0x6f: {  	[tilespmem:$0x1FFD0] =	vst v2;
	v55 =	vld.idx.msk [tilespmem:v60+s2+$0x0], $0xffff;
	v37 =	vor.u32 $0x180, v32;
	v35 =	vshll.u32 v30, $0x2;
	v2 =	vand.u32 $0xFFFFFE00, v34  }
0x70: {  	v57 =	vld.idx.msk [tilespmem:v62+s2+$0x0], $0xffff;
	v5 =	vand.u32 $0x7F, v30;
	v3 =	vand.u32 $0xFFFFFE00, v35;
	v2 =	vor.u32 v4, v2  }
0x71: {  	v60 =	vld.idx.msk [tilespmem:v63+s2+$0x0], $0xffff;
	v3 =	vor.u32 v5, v3  }
0x72: {  	v62 =	vld.idx.msk [tilespmem:v32+s2+$0x0], $0xffff;
	v9 =	vor.u32 $0x80, v3  }
0x73: {  	[tilespmem:$0x1FFC0] =	vst v1;
	v5 =	vld [tilespmem:s23+$0xE800];
	v1 =	vor.u32 $0x100, v3  }
0x74: {  	v63 =	vld.idx.msk [tilespmem:v37+s2+$0x0], $0xffff;
	v7 =	vor.u32 $0x180, v3  }
0x75: {  	v30 =	vld.idx.msk [tilespmem:v2+s2+$0x0], $0xffff  }
0x76: {  	v33 =	vor.u32 $0x80, v32;
	v32 =	vld.idx.msk [tilespmem:v3+s2+$0x0], $0xffff  }
0x77: {  	v36 =	vld.idx.msk [tilespmem:v9+s2+$0x0], $0xffff  }
0x78: {  	v35 =	vshll.u32 v5, $0x2;
	v3 =	vor.u32 $0x180, v2;
	v34 =	vld.idx.msk [tilespmem:v1+s2+$0x0], $0xffff  }
0x79: {  	v5 =	vand.u32 $0x7F, v5;
	v1 =	vor.u32 $0x100, v2;
	v37 =	vld.idx.msk [tilespmem:v7+s2+$0x0], $0xffff;
	v4 =	vand.u32 $0xFFFFFE00, v35  }
0x7a: {  	v9 =	vor.u32 $0x80, v2;
	v2 =	vmax.f32 v27, v29;
	v27 =	vld [tilespmem:$0x1FEF0];
	v7 =	vor.u32 v5, v4  }
0x7b: {  	v56 =	vld.idx.msk [tilespmem:v31+s2+$0x0], $0xffff;
	v4 =	vor.u32 $0x80, v7  }
0x7c: {  	v58 =	vld.idx.msk [tilespmem:v33+s2+$0x0], $0xffff  }
0x7d: {  	v31 =	vld.idx.msk [tilespmem:v3+s2+$0x0], $0xffff  }
0x7e: {  	v33 =	vld.idx.msk [tilespmem:v1+s2+$0x0], $0xffff  }
0x7f: {  	v3 =	vmax.f32 v28, v27;
	v28 =	vld [tilespmem:$0x1FF10]  }
0x80: {  	v8 =	vshll.u32 v0, $0x2;
	v27 =	vld.idx.msk [tilespmem:v4+s2+$0x0], $0xffff  }
0x81: {  	v1 =	vand.u32 $0xFFFFFE00, v8;
	v8 =	vor.u32 $0x180, v7;
	v4 =	vld [tilespmem:$0x1FF00];
	_ =	sdelay $0x1  }
0x82: {  	v5 =	vld [tilespmem:s23+$0xF000]  }
0x83: {  	v35 =	vld.idx.msk [tilespmem:v9+s2+$0x0], $0xffff  }
0x84: {  	[tilespmem:$0x1FFF0] =	vst v6;
	v6 =	vor.u32 $0x100, v7;
	v9 =	vld [tilespmem:$0x1FEE0]  }
0x85: {  	v4 =	vmax.f32 v4, v28;
	v28 =	vld.idx.msk [tilespmem:v8+s2+$0x0], $0xffff  }
0x86: {  	v11 =	vmax.f32 v2, v11;
	v8 =	vld [tilespmem:$0x1FF30]  }
0x87: {  	v11 =	vmax.f32 v11, v13;
	v13 =	vld [tilespmem:$0x1FF50]  }
0x88: {  	v0 =	vand.u32 $0x7F, v0;
	v29 =	vld.idx.msk [tilespmem:v7+s2+$0x0], $0xffff  }
0x89: {  	v1 =	vor.u32 v0, v1;
	v0 =	vmax.f32 v10, v9;
	v10 =	vld.idx.msk [tilespmem:v6+s2+$0x0], $0xffff  }
0x8a: {  	v6 =	vld [tilespmem:$0x1FF20]  }
0x8b: {  	v7 =	vor.u32 $0x80, v1;
	v4 =	vmax.f32 v4, v8;
	v8 =	vld [tilespmem:$0x1FF40];
	_ =	sdelay $0x1  }
0x8c: {  	v3 =	vmax.f32 v3, v12;
	v12 =	vshll.u32 v5, $0x2  }
0x8d: {  	v5 =	vand.u32 $0x7F, v5;
	v12 =	vand.u32 $0xFFFFFE00, v12  }
0x8e: {  	v5 =	vor.u32 v5, v12;
	v9 =	vor.u32 $0x100, v1;
	v12 =	vld.idx.msk [tilespmem:v1+s2+$0x0], $0xffff;
	v2 =	vmax.f32 v0, v6  }
0x8f: {  	v6 =	vor.u32 $0x180, v1;
	v1 =	vmax.f32 v2, v8;
	v2 =	vmax.f32 v3, v13;
	v13 =	vld.idx.msk [tilespmem:v7+s2+$0x0], $0xffff  }
0x90: {  	v7 =	vld [tilespmem:$0x1FF60]  }
0x91: {  	v1 =	vmax.f32 v1, v16;
	v16 =	vld [tilespmem:$0x1FF70];
	_ =	sdelay $0x2  }
0x92: {  	v0 =	vld [tilespmem:s23+$0xF400]  }
0x93: {  	v4 =	vmax.f32 v4, v7  }
0x94: {  	v4 =	vmax.f32 v4, v16;
	v16 =	vld [tilespmem:$0x1FF80]  }
0x95: {  	v2 =	vmax.f32 v2, v15;
	v15 =	vld [tilespmem:s23+$0xF800]  }
0x96: {  	v7 =	vmax.f32 v11, v14;
	v14 =	vld.idx.msk [tilespmem:v9+s2+$0x0], $0xffff;
	v9 =	vor.u32 $0x100, v5  }
0x97: {  	v11 =	vshll.u32 v0, $0x2  }
0x98: {  	v0 =	vand.u32 $0x7F, v0;
	v11 =	vand.u32 $0xFFFFFE00, v11  }
0x99: {  	v0 =	vor.u32 v0, v11;
	v11 =	vld [tilespmem:$0x1FF90];
	v7 =	vmax.f32 v7, v16  }
0x9a: {  	v3 =	vor.u32 $0x180, v5;
	v2 =	vmax.f32 v2, v18;
	v7 =	vmax.f32 v7, v17;
	v17 =	vld [tilespmem:$0x1FFA0]  }
0x9b: {  	v2 =	vmax.f32 v2, v20;
	v20 =	vshll.u32 v15, $0x2;
	v4 =	vmax.f32 v4, v19;
	v19 =	vld.idx.msk [tilespmem:v9+s2+$0x0], $0xffff  }
0x9c: {  	v9 =	vand.u32 $0xFFFFFE00, v20;
	v20 =	vld [tilespmem:$0x1FFB0]  }
0x9d: {  	v8 =	vor.u32 $0x80, v5;
	v16 =	vld.idx.msk [tilespmem:v5+s2+$0x0], $0xffff  }
0x9e: {  	v1 =	vmax.f32 v1, v11;
	v7 =	vmax.f32 v7, v21;
	v21 =	vld [tilespmem:$0x1FFD0]  }
0x9f: {  	v1 =	vmax.f32 v1, v17;
	v17 =	vld.idx.msk [tilespmem:v3+s2+$0x0], $0xffff;
	v3 =	vand.u32 $0x7F, v15  }
0xa0: {  	v5 =	vor.u32 $0x80, v0;
	v3 =	vor.u32 v3, v9;
	v9 =	vld [tilespmem:$0x1FFC0];
	_ =	sdelay $0x1  }
0xa1: {  	v18 =	vld.idx.msk [tilespmem:v8+s2+$0x0], $0xffff;
	v8 =	vor.u32 $0x100, v0  }
0xa2: {  	v11 =	vld [tilespmem:s23+$0xFC00];
	v15 =	vor.u32 $0x180, v0  }
0xa3: {  	v4 =	vmax.f32 v4, v20;
	v20 =	vld.idx.msk [tilespmem:v0+s2+$0x0], $0xffff  }
0xa4: {  	v0 =	vmax.f32 v1, v9;
	v1 =	vmax.f32 v2, v21;
	v21 =	vld.idx.msk [tilespmem:v5+s2+$0x0], $0xffff  }
0xa5: {  	v2 =	vor.u32 $0x80, v3;
	v9 =	vld [tilespmem:$0x1FFE0];
	v5 =	vmax.f32 v7, v22  }
0xa6: {  	v22 =	vld.idx.msk [tilespmem:v8+s2+$0x0], $0xffff;
	v7 =	vor.u32 $0x100, v3;
	v0 =	vmax.f32 v0, v24;
	v1 =	vmax.f32 v1, v23  }
0xa7: {  	v23 =	vshll.u32 v11, $0x2;
	v24 =	vld.idx.msk [tilespmem:v15+s2+$0x0], $0xffff;
	v15 =	vor.u32 $0x180, v3;
	v11 =	vand.u32 $0x7F, v11  }
0xa8: {  	v5 =	vmax.f32 v5, v25;
	v8 =	vand.u32 $0xFFFFFE00, v23;
	v23 =	vld [tilespmem:$0x1FFF0];
	v0 =	vmax.f32 v0, v26  }
0xa9: {  	v6 =	vld.idx.msk [tilespmem:v6+s2+$0x0], $0xffff;
	v1 =	vmax.f32 v1, v38;
	v8 =	vor.u32 v11, v8;
	v0 =	vmax.f32 v0, v41  }
0xaa: {  	v1 =	vmax.f32 v1, v44;
	v11 =	vld [tilespmem:s23+$0x10400];
	v44 =	vor.u32 $0x180, v8;
	v0 =	vmax.f32 v0, v42  }
0xab: {  	v1 =	vmax.f32 v1, v46;
	v4 =	vmax.f32 v4, v9;
	v9 =	vld [tilespmem:s23+$0x10000];
	v0 =	vmax.f32 v0, v49  }
0xac: {  	v25 =	vld.idx.msk [tilespmem:v2+s2+$0x0], $0xffff;
	v2 =	vor.u32 $0x80, v8;
	v1 =	vmax.f32 v1, v52;
	v0 =	vmax.f32 v0, v50  }
0xad: {  	v26 =	vld.idx.msk [tilespmem:v7+s2+$0x0], $0xffff;
	v1 =	vmax.f32 v1, v54;
	v4 =	vmax.f32 v4, v23;
	v0 =	vmax.f32 v0, v57  }
0xae: {  	v23 =	vld.idx.msk [tilespmem:v3+s2+$0x0], $0xffff;
	v1 =	vmax.f32 v1, v60;
	v3 =	vmax.f32 v4, v39;
	v4 =	vmax.f32 v5, v43  }
0xaf: {  	v15 =	vld.idx.msk [tilespmem:v15+s2+$0x0], $0xffff;
	v5 =	vor.u32 $0x100, v8;
	v49 =	vshll.u32 v11, $0x2;
	v11 =	vand.u32 $0x7F, v11  }
0xb0: {  	v54 =	vld [tilespmem:s23+$0x11400];
	v0 =	vmax.f32 v0, v58;
	v1 =	vmax.f32 v1, v61;
	v3 =	vmax.f32 v3, v40  }
0xb1: {  	v8 =	vld.idx.msk [tilespmem:v8+s2+$0x0], $0xffff;
	v4 =	vmax.f32 v4, v45;
	v40 =	vand.u32 $0xFFFFFE00, v49;
	v0 =	vmax.f32 v0, v36  }
0xb2: {  	v58 =	vld [tilespmem:s23+$0x11800];
	v1 =	vmax.f32 v1, v34;
	v43 =	vshll.u32 v9, $0x2;
	v9 =	vand.u32 $0x7F, v9  }
0xb3: {  	v38 =	vld.idx.msk [tilespmem:v44+s2+$0x0], $0xffff;
	v3 =	vmax.f32 v3, v47;
	v4 =	vmax.f32 v4, v51;
	v11 =	vor.u32 v11, v40  }
0xb4: {  	v2 =	vld.idx.msk [tilespmem:v2+s2+$0x0], $0xffff;
	v0 =	vmax.f32 v0, v35;
	v1 =	vmax.f32 v1, v33;
	v7 =	vand.u32 $0xFFFFFE00, v43  }
0xb5: {  	v51 =	vld [tilespmem:s23+$0x10800];
	v3 =	vmax.f32 v3, v48;
	v4 =	vmax.f32 v4, v53;
	v40 =	vor.u32 $0x80, v11  }
0xb6: {  	v60 =	vor.u32 $0x180, v11;
	v48 =	vld [tilespmem:s23+$0x11000];
	v1 =	vmax.f32 v1, v10;
	v7 =	vor.u32 v9, v7  }
0xb7: {  	v3 =	vmax.f32 v3, v55;
	v4 =	vmax.f32 v4, v59;
	v55 =	vor.u32 $0x100, v11;
	v59 =	vld [tilespmem:s23+$0x10C00]  }
0xb8: {  	v1 =	vmax.f32 v1, v14;
	v9 =	vor.u32 $0x80, v7;
	v5 =	vld.idx.msk [tilespmem:v5+s2+$0x0], $0xffff;
	v4 =	vmax.f32 v4, v62  }
0xb9: {  	v47 =	vor.u32 $0x100, v7;
	v52 =	vor.u32 $0x180, v7;
	v4 =	vmax.f32 v4, v32;
	v11 =	vld.idx.msk [tilespmem:v11+s2+$0x0], $0xffff  }
0xba: {  	v3 =	vmax.f32 v3, v56;
	v1 =	vmax.f32 v1, v19;
	v4 =	vmax.f32 v4, v30;
	v30 =	vld [tilespmem:s23+$0x11C00]  }
0xbb: {  	v35 =	vshll.u32 v58, $0x2;
	v14 =	vand.u32 $0x7F, v58;
	v57 =	vshll.u32 v51, $0x2;
	v40 =	vld.idx.msk [tilespmem:v40+s2+$0x0], $0xffff  }
0xbc: {  	v3 =	vmax.f32 v3, v63;
	v41 =	vand.u32 $0x7F, v51;
	v44 =	vand.u32 $0xFFFFFE00, v57;
	v46 =	vld.idx.msk [tilespmem:v60+s2+$0x0], $0xffff  }
0xbd: {  	v1 =	vmax.f32 v1, v22;
	v22 =	vand.u32 $0xFFFFFE00, v35;
	v7 =	vld.idx.msk [tilespmem:v7+s2+$0x0], $0xffff;
	v41 =	vor.u32 v41, v44  }
0xbe: {  	v14 =	vor.u32 v14, v22;
	v4 =	vmax.f32 v4, v29;
	v32 =	vld.idx.msk [tilespmem:v55+s2+$0x0], $0xffff;
	v44 =	vor.u32 $0x80, v41  }
0xbf: {  	v53 =	vshll.u32 v48, $0x2;
	v36 =	vand.u32 $0x7F, v48;
	v9 =	vld.idx.msk [tilespmem:v9+s2+$0x0], $0xffff;
	v62 =	vor.u32 $0x100, v41  }
0xc0: {  	v63 =	vshll.u32 v59, $0x2;
	v29 =	vand.u32 $0xFFFFFE00, v53;
	v39 =	vld.idx.msk [tilespmem:v47+s2+$0x0], $0xffff;
	v49 =	vor.u32 $0x180, v41  }
0xc1: {  	v45 =	vand.u32 $0x7F, v59;
	v42 =	vld.idx.msk [tilespmem:v52+s2+$0x0], $0xffff;
	v34 =	vand.u32 $0xFFFFFE00, v63;
	v56 =	vor.u32 v36, v29  }
0xc2: {  	v47 =	vor.u32 $0x100, v14;
	v50 =	vor.u32 v45, v34;
	v34 =	vld.idx.msk [tilespmem:v41+s2+$0x0], $0xffff  }
0xc3: {  	v33 =	vld.idx.msk [tilespmem:v44+s2+$0x0], $0xffff  }
0xc4: {  	v0 =	vmax.f32 v0, v27;
	v57 =	vor.u32 $0x80, v56;
	v27 =	vld.idx.msk [tilespmem:v62+s2+$0x0], $0xffff  }
0xc5: {  	v3 =	vmax.f32 v3, v37;
	v59 =	vor.u32 $0x100, v56;
	v37 =	vld.idx.msk [tilespmem:v49+s2+$0x0], $0xffff  }
0xc6: {  	v4 =	vmax.f32 v4, v12;
	v29 =	vor.u32 $0x180, v56;
	v12 =	vld.idx.msk [tilespmem:v56+s2+$0x0], $0xffff  }
0xc7: {  	v0 =	vmax.f32 v0, v13;
	v3 =	vmax.f32 v3, v31;
	v51 =	vor.u32 $0x80, v50;
	v56 =	vld.idx.msk [tilespmem:v47+s2+$0x0], $0xffff  }
0xc8: {  	v0 =	vmax.f32 v0, v18;
	v3 =	vmax.f32 v3, v28;
	v52 =	vor.u32 $0x100, v50;
	v28 =	vld.idx.msk [tilespmem:v50+s2+$0x0], $0xffff  }
0xc9: {  	v0 =	vmax.f32 v0, v21;
	v60 =	vshll.u32 v54, $0x2;
	v55 =	vor.u32 $0x180, v50;
	v13 =	vld.idx.msk [tilespmem:v57+s2+$0x0], $0xffff  }
0xca: {  	v0 =	vmax.f32 v0, v25;
	v18 =	vand.u32 $0xFFFFFE00, v60;
	v4 =	vmax.f32 v4, v16;
	v16 =	vld.idx.msk [tilespmem:v59+s2+$0x0], $0xffff  }
0xcb: {  	v3 =	vmax.f32 v3, v6;
	v4 =	vmax.f32 v4, v20;
	v44 =	vor.u32 $0x80, v14;
	v41 =	vld.idx.msk [tilespmem:v29+s2+$0x0], $0xffff  }
0xcc: {  	v48 =	vshll.u32 v30, $0x2;
	v62 =	vand.u32 $0x7F, v54;
	v49 =	vor.u32 $0x180, v14;
	v6 =	vld.idx.msk [tilespmem:v51+s2+$0x0], $0xffff  }
0xcd: {  	v20 =	vand.u32 $0x7F, v30;
	v22 =	vand.u32 $0xFFFFFE00, v48;
	v63 =	vor.u32 v62, v18;
	v10 =	vld.idx.msk [tilespmem:v52+s2+$0x0], $0xffff  }
0xce: {  	v1 =	vmax.f32 v1, v26;
	v0 =	vmax.f32 v0, v2;
	v50 =	vor.u32 v20, v22;
	v61 =	vld.idx.msk [tilespmem:v55+s2+$0x0], $0xffff  }
0xcf: {  	v1 =	vmax.f32 v1, v5;
	v3 =	vmax.f32 v3, v17;
	v18 =	vor.u32 $0x80, v63;
	v52 =	vld.idx.msk [tilespmem:v14+s2+$0x0], $0xffff  }
0xd0: {  	v3 =	vmax.f32 v3, v24;
	v4 =	vmax.f32 v4, v23;
	v31 =	vor.u32 $0x100, v63;
	v54 =	vld.idx.msk [tilespmem:v44+s2+$0x0], $0xffff  }
0xd1: {  	v3 =	vmax.f32 v3, v15;
	v4 =	vmax.f32 v4, v8;
	v36 =	vor.u32 $0x180, v63;
	v58 =	vld.idx.msk [tilespmem:v49+s2+$0x0], $0xffff  }
0xd2: {  	v3 =	vmax.f32 v3, v38;
	v4 =	vmax.f32 v4, v7;
	v53 =	vor.u32 $0x80, v50;
	v43 =	vld.idx.msk [tilespmem:v63+s2+$0x0], $0xffff  }
0xd3: {  	v0 =	vmax.f32 v0, v9;
	v1 =	vmax.f32 v1, v39;
	v55 =	vor.u32 $0x100, v50;
	v2 =	vld.idx.msk [tilespmem:v50+s2+$0x0], $0xffff  }
0xd4: {  	v3 =	vmax.f32 v3, v42;
	v4 =	vmax.f32 v4, v11;
	v57 =	vor.u32 $0x180, v50;
	v45 =	vld.idx.msk [tilespmem:v18+s2+$0x0], $0xffff  }
0xd5: {  	v0 =	vmax.f32 v0, v40;
	v1 =	vmax.f32 v1, v32;
	v3 =	vmax.f32 v3, v46;
	v21 =	vld.idx.msk [tilespmem:v31+s2+$0x0], $0xffff  }
0xd6: {  	v4 =	vmax.f32 v4, v34;
	v0 =	vmax.f32 v0, v33;
	v1 =	vmax.f32 v1, v27;
	v51 =	vld.idx.msk [tilespmem:v36+s2+$0x0], $0xffff  }
0xd7: {  	v3 =	vmax.f32 v3, v37;
	v4 =	vmax.f32 v4, v28;
	v0 =	vmax.f32 v0, v6;
	v59 =	vld.idx.msk [tilespmem:v53+s2+$0x0], $0xffff  }
0xd8: {  	v1 =	vmax.f32 v1, v10;
	v3 =	vmax.f32 v3, v61;
	v4 =	vmax.f32 v4, v12;
	v60 =	vld.idx.msk [tilespmem:v55+s2+$0x0], $0xffff  }
0xd9: {  	v61 =	vld.idx.msk [tilespmem:v57+s2+$0x0], $0xffff;
	v0 =	vmax.f32 v0, v13;
	v1 =	vmax.f32 v1, v16;
	v4 =	vmax.f32 v4, v43  }
0xda: {  	p0 =	sne.s32 s22, $0x3F0;
	v3 =	vmax.f32 v3, v41;
	v0 =	vmax.f32 v0, v45;
	v4 =	vmax.f32 v4, v52  }
.Ltmp0:
0xdb: {  	v1 =	vmax.f32 v1, v21;
	v0 =	vmax.f32 v0, v54;
	v2 =	vmax.f32 v4, v2;
	(pc) =	sbr.rel @p0 .LBB2_2-.Ltmp0, $4  }
0xdc: {  	v3 =	vmax.f32 v3, v51;
	v1 =	vmax.f32 v1, v56;
	v0 =	vmax.f32 v0, v59;
	[tilespmem:s21+$0xFFFFF800] =	vst v2  }
0xdd: {  	v62 =	vmax.f32 v3, v58;
	v1 =	vmax.f32 v1, v60;
	[tilespmem:s21+$0xFFFFFC00] =	vst v0  }
0xde: {  	v63 =	vmax.f32 v62, v61;
	[tilespmem:s21+$0x0] =	vst v1  }
0xdf: {  	s20 =	sadd.s32 $0x10, s20;
	s22 =	sadd.s32 $0x10, s22;
	[tilespmem:s21+$0x400] =	vst v63;
	s21 =	sadd.s32 $0x10, s21  }
0xe0: {  	s19 =	sadd.s32 $0x1, s19  }
0xe1: {  	p0 =	sne.s32 s19, s9  }
.Ltmp1:
0xe2: {  	_ = 	snop;
	(pc) =	sbr.rel @p0 .LBB2_1-.Ltmp1, $4  }
0xe3: {  	[hbm4b:s8+s2] =	stream.linear.scatter [tilespmem:s18], [sflag:$0x2], $0x1000, $0x38;
	[tilespmem:$0x14080] =	vst v63  }
0xe4: {  	_ =	swait.ge [sflag:s12], $0x1000  }
0xe5: {  	[sflag:s12] =	ssyncset.done $0x0  }
0xe6: {  	[sflag:s12] =	ssyncadd.s32 $0xFFFFF000  }
0xe7: {  	_ =	sfence.sel $0x180000  }
0xe8: {  	[bflag:$0x0] =	sbarrier.arrive $0xFFFF  }
0xe9: {  	p0 =	sne.s32 s0, $0x0;
	_ =	strace $0x9000004A  }
0xea: {  	s0 =	sadd.s32 @!p0 $0x100000, s1;
	[bflag:$0x2] =	sbarrier.arrive $0xFFFF  }
0xeb: {  	[sflag:s0] =	ssyncadd.tile.s32 @!p0 $0x1;
	_ =	shalt  }
.Lfunc_end2:
_tile_overlayer_lowered:
.L_overlay_start_2:
0xec: {  	(tag) =	ssettag $0x2  }
0xed: {  	s0 =	rddreg [dreg:$0x0];
	s2 =	stileid.u32  }
0xee: {  	s1 =	rddreg [dreg:$0x1];
	p0 =	sne.s32 s2, $0x0  }
0xef: {  	s3 =	rddreg [dreg:$0x2];
	[bflag:$0x3] =	sbarrier.arrive $0xFFFF;
	s2 =	simm.s32 @!p0 $0x1C02  }
0xf0: {  	[timem:s3], [sflag:s2] =	dma.local @!p0 [hbm:s0], s1  }
0xf1: {  	s0 =	simm.s32 @!p0 $0x2  }
0xf2: {  	_ =	swait.ge @!p0 [sflag:s0], s1  }
0xf3: {  	s1 =	ssub.s32 @!p0 $0x0, s1;
	[sflag:s0] =	ssyncset.done @!p0 $0x0  }
0xf4: {  	[sflag:s0] =	ssyncadd.s32 @!p0 s1  }
0xf5: {  	[bflag:$0x3] =	sbarrier.arrive $0xFFFF  }
0xf6: {  	_ =	shalt  }

// kernel: kernel.8.cloned.1.call-start
scs
__scs_entry_jumppad:
0x0: {  	(pc) =	sbr.rel $0x88, $3  }
0x1: {  	(tag) =	ssettag $0x0;
	lr =	simm.s32 $0x1  }
0x2: {  	[smem:$0x3F9B] =	sst lr;
	_ =	strace $0xD0000000  }
0x3: {  	_ = 	snop  }
0x4: {  	_ = 	snop  }
0x5: {  	_ = 	snop  }
0x6: {  	_ = 	snop  }
0x7: {  	_ = 	snop  }
__scs_overlays_trampoline_lowered:
0x8: {  	[smem:$0x3FAA] =	sst s0  }
0x9: {  	[smem:$0x3FAB] =	sst s1  }
0xa: {  	[smem:$0x3FAC] =	sst s2  }
0xb: {  	[smem:$0x3FAD] =	sst s3  }
0xc: {  	[smem:$0x3FAE] =	sst s4  }
0xd: {  	[smem:$0x3FAF] =	sst s5  }
0xe: {  	[smem:$0x3FB0] =	sst s6  }
0xf: {  	[smem:$0x3FB1] =	sst s7  }
0x10: {  	[smem:$0x3FB2] =	sst s8  }
0x11: {  	[smem:$0x3FB3] =	sst s9;
	s0 =	simm.s32 @!p0 $0x0  }
0x12: {  	s1 =	sld [smem:$0x3F99];
	s0 =	simm.s32 @p0 $0x1  }
0x13: {  	[smem:$0x3FB4] =	sst s0;
	s0 =	simm.s32 @!p1 $0x0  }
0x14: {  	s2 =	sld [smem:$0x3F98];
	s0 =	simm.s32 @p1 $0x1  }
0x15: {  	[smem:$0x3FB5] =	sst s0;
	s0 =	simm.s32 @!p2 $0x0  }
0x16: {  	s3 =	sld [smem:$0x3FDB];
	s0 =	simm.s32 @p2 $0x1  }
0x17: {  	s4 =	simm.s32 $0x1BF5;
	[smem:$0x3FB7] =	sst s0  }
0x18: {  	s0 =	sld [smem:$0x3F9A];
	_ =	swait.ge [sflag:s4], $0x0  }
0x19: {  	s7 =	sld [smem:$0x3F9B]  }
0x1a: {  	s8 =	sadd.s32 $0xFFFFE003, lr  }
0x1b: {  	s9 =	sadd.s32 $0xFFFFFEF7, lr;
	s5 =	simm.s32 $0xFFFFFFFF;
	p2 =	slt.u32 s8, $0xFFFFF086  }
0x1c: {  	p1 =	slt.u32 s9, $0xF7A;
	s5 =	simm.s32 @!p2 $0x0  }
0x1d: {  	s5 =	simm.s32 @p1 $0x1;
	p0 =	seq.s32 s7, s2  }
0x1e: {  	s7 =	smul.u32 @!p0 $0xF7A, s2;
	p2 =	seq.s32 @!p0 s5, $0x0  }
0x1f: {  	s9 =	smul.u32 $0xF7A, s1;
	s8 =	simm.s32 @!p0 $0x1BF5;
	p2 =	por !p2, p0  }
0x20: {  	[sflag:s8] =	ssyncset.s32 @!p0 $0xFFFFF086;
	s6 =	sadd.s32 @!p0 s3, s7;
	s7 =	simm.s32 @!p0 $0x108  }
0x21: {  	s3 =	sadd.s32 s3, s9;
	s6 =	sadd.s32 @!p0 $0x88, s6;
	s7 =	simm.s32 @p2 $0x1082  }
0x22: {  	[simem:s7], [sflag:s8] =	dma.local @!p0 [hbm:s6], $0xF7A  }
0x23: {  	s9 =	sor.u32 $0xD0000000, s2;
	s6 =	simm.s32 $0x108;
	_ =	swait.ge @!p0 [sflag:s8], $0x0  }
0x24: {  	s3 =	sadd.s32 $0x88, s3;
	s6 =	simm.s32 @!p1 $0x1082;
	[sflag:s4] =	ssyncset.s32 $0xFFFFF086  }
0x25: {  	[simem:s6], [sflag:s4] =	dma.local [hbm:s3], $0xF7A  }
0x26: {  	[smem:$0x3F9B] =	sst s1;
	(tag) =	ssettag s2;
	_ =	strace s9  }
0x27: {  	s1 =	sld [smem:$0x3FAB]  }
0x28: {  	s2 =	sld [smem:$0x3FAC]  }
0x29: {  	s4 =	sld [smem:$0x3FAE]  }
0x2a: {  	p0 =	seq.s32 s5, $0x0;
	s5 =	sld [smem:$0x3FAF]  }
0x2b: {  	s6 =	sld [smem:$0x3FB0]  }
0x2c: {  	s7 =	sld [smem:$0x3FB1]  }
0x2d: {  	s3 =	simm.s32 $0x108;
	s8 =	sld [smem:$0x3FB2]  }
0x2e: {  	s3 =	simm.s32 @!p0 $0x1082;
	s9 =	sld [smem:$0x3FB3]  }
0x2f: {  	lr =	sadd.s32 s0, s3;
	s0 =	sld [smem:$0x3FAA]  }
0x30: {  	s3 =	sld [smem:$0x3FAD]  }
0x31: {  	[smem:$0x3FB6] =	sst s10  }
0x32: {  	s10 =	sld [smem:$0x3FB4];
	_ =	sdelay $0x3  }
0x33: {  	p0 =	seq.s32 s10, $0x1;
	s10 =	sld [smem:$0x3FB6];
	_ =	sdelay $0x3  }
0x34: {  	[smem:$0x3FB6] =	sst s10  }
0x35: {  	s10 =	sld [smem:$0x3FB5];
	_ =	sdelay $0x3  }
0x36: {  	p1 =	seq.s32 s10, $0x1;
	s10 =	sld [smem:$0x3FB6];
	_ =	sdelay $0x3  }
0x37: {  	[smem:$0x3FB6] =	sst s10  }
0x38: {  	s10 =	sld [smem:$0x3FB7]  }
0x39: {  	_ = 	snop;
	(pc) =	sbr.ind lr, $3  }
0x3a: {  	_ = 	snop  }
0x3b: {  	_ = 	snop  }
0x3c: {  	p2 =	seq.s32 s10, $0x1;
	s10 =	sld [smem:$0x3FB6]  }
0x3d: {  	_ =	shalt  }
0x3e: {  	_ =	shalt  }
0x3f: {  	_ =	shalt  }
0x40: {  	_ =	shalt  }
0x41: {  	_ =	shalt  }
0x42: {  	_ =	shalt  }
0x43: {  	_ =	shalt  }
0x44: {  	_ =	shalt  }
0x45: {  	_ =	shalt  }
0x46: {  	_ =	shalt  }
0x47: {  	_ =	shalt  }
0x48: {  	_ =	shalt  }
0x49: {  	_ =	shalt  }
0x4a: {  	_ =	shalt  }
0x4b: {  	_ =	shalt  }
0x4c: {  	_ =	shalt  }
0x4d: {  	_ =	shalt  }
0x4e: {  	_ =	shalt  }
0x4f: {  	_ =	shalt  }
0x50: {  	_ =	shalt  }
0x51: {  	_ =	shalt  }
0x52: {  	_ =	shalt  }
0x53: {  	_ =	shalt  }
0x54: {  	_ =	shalt  }
0x55: {  	_ =	shalt  }
0x56: {  	_ =	shalt  }
0x57: {  	_ =	shalt  }
0x58: {  	_ =	shalt  }
0x59: {  	_ =	shalt  }
0x5a: {  	_ =	shalt  }
0x5b: {  	_ =	shalt  }
0x5c: {  	_ =	shalt  }
0x5d: {  	_ =	shalt  }
0x5e: {  	_ =	shalt  }
0x5f: {  	_ =	shalt  }
0x60: {  	_ =	shalt  }
0x61: {  	_ =	shalt  }
0x62: {  	_ =	shalt  }
0x63: {  	_ =	shalt  }
0x64: {  	_ =	shalt  }
0x65: {  	_ =	shalt  }
0x66: {  	_ =	shalt  }
0x67: {  	_ =	shalt  }
0x68: {  	_ =	shalt  }
0x69: {  	_ =	shalt  }
0x6a: {  	_ =	shalt  }
0x6b: {  	_ =	shalt  }
0x6c: {  	_ =	shalt  }
0x6d: {  	_ =	shalt  }
0x6e: {  	_ =	shalt  }
0x6f: {  	_ =	shalt  }
0x70: {  	_ =	shalt  }
0x71: {  	_ =	shalt  }
0x72: {  	_ =	shalt  }
0x73: {  	_ =	shalt  }
0x74: {  	_ =	shalt  }
0x75: {  	_ =	shalt  }
0x76: {  	_ =	shalt  }
0x77: {  	_ =	shalt  }
0x78: {  	_ =	shalt  }
0x79: {  	_ =	shalt  }
0x7a: {  	_ =	shalt  }
0x7b: {  	_ =	shalt  }
0x7c: {  	_ =	shalt  }
0x7d: {  	_ =	shalt  }
0x7e: {  	_ =	shalt  }
0x7f: {  	_ =	shalt  }
0x80: {  	_ =	shalt  }
0x81: {  	_ =	shalt  }
0x82: {  	_ =	shalt  }
0x83: {  	_ =	shalt  }
0x84: {  	_ =	shalt  }
0x85: {  	_ =	shalt  }
0x86: {  	_ =	shalt  }
0x87: {  	_ =	shalt  }
.Lfunc_end0:
.L_simem_size_0:
called_computation_lowered:
.L_overlay_start_0:
0x88: {  	s2 =	sld [smem:$0x3FD9]  }
0x89: {  	s3 =	sld [smem:$0x3FFE];
	_ =	sdelay $0x1  }
0x8a: {  	s1 =	srdreg.scid  }
0x8b: {  	s0 =	sand.u32 $0x1, s1  }
0x8c: {  	s17 =	sshll.u32 s0, $0xA;
	s2 =	sadd.s32 s3, s2  }
0x8d: {  	s2 =	sadd.s32 s2, s17  }
0x8e: {  	[smem:$0x3FC2] =	sst s2  }
0x8f: {  	_ = 	snop  }
0x90: {  	s2 =	sld [smem:$0x3FD0];
	(tm) =	ssettm $0x1  }
0x91: {  	s18 =	sld [smem:$0x3FFB];
	_ =	sdelay $0x3  }
0x92: {  	_ =	strace s18  }
0x93: {  	s3 =	sld [smem:$0x3FFC];
	_ =	sdelay $0x3  }
0x94: {  	_ =	strace s3  }
0x95: {  	s3 =	sld [smem:$0x3FFD];
	_ =	sdelay $0x3  }
0x96: {  	_ =	strace s3  }
0x97: {  	_ =	strace $0x8FFFFFFF  }
0x98: {  	s19 =	sld [smem:$0x3FDB];
	_ =	sdelay $0x1  }
0x99: {  	s4 =	simm.s32 $_scs_section_size  }
0x9a: {  	s5 =	simm.s32 $_size__tile_overlayer_lowered;
	s6 =	simm.s32 $_tile_overlayer_lowered  }
0x9b: {  	s22 =	simm.s32 $0x1BFF;
	s21 =	sshll.u32 s6, $0x1;
	s3 =	sadd.s32 s4, s19  }
0x9c: {  	s7 =	simm.s32 $0x0;
	s20 =	sshll.u32 s5, $0x1;
	s5 =	sadd.s32 s21, s3  }
0x9d: {  	[timem:s7], [sflag:s22] =	dma.local [hbm:s5], s20  }
0x9e: {  	_ =	swait.ge [sflag:s22], s20  }
0x9f: {  	s4 =	ssub.s32 $0x0, s20;
	[sflag:s22] =	ssyncset.done $0x0  }
0xa0: {  	[sflag:s22] =	ssyncadd.s32 s4;
	_ =	sdelay $0x1  }
0xa1: {  	s23 =	simm.s32 $0x1B8B  }
0xa2: {  	_ =	swait.ge [sflag:s23], $0x1  }
0xa3: {  	[sflag:s23] =	ssyncset.done $0x0  }
0xa4: {  	s25 =	simm.s32 $0x1B8E;
	s24 =	sld [smem:$0x3FFE];
	[sflag:s23] =	ssyncadd.s32 $0xFFFFFFFF  }
0xa5: {  	s26 =	simm.s32 $execute0_lowered;
	[smem:$0x3FD2] =	sst s25  }
0xa6: {  	s5 =	sshll.u32 s26, $0x1;
	_ =	strace $0x80000046;
	[dreg:$0x1] =	wrdreg $0xFFFFFFFF  }
0xa7: {  	s28 =	simm.s32 $_size_execute0_lowered;
	s3 =	sadd.s32 s3, s5;
	[dreg:$0x0] =	wrdreg $0x0  }
0xa8: {  	s5 =	sshll.u32 s28, $0x1;
	[dreg:$0x2] =	wrdreg s3  }
0xa9: {  	[dreg:$0x3] =	wrdreg s5  }
0xaa: {  	[dreg:$0x4] =	wrdreg $0xC0  }
0xab: {  	_ =	task [dreg:s7], $0x5FFFF  }
0xac: {  	[dreg:$0x1] =	wrdreg $0xFFFFFFFF  }
0xad: {  	[dreg:$0x0] =	wrdreg $0x60  }
0xae: {  	[dreg:$0x2] =	wrdreg s2  }
0xaf: {  	[dreg:$0x3] =	wrdreg s24  }
0xb0: {  	[dreg:$0x4] =	wrdreg $0x9  }
0xb1: {  	_ =	task.clear_ibuf [dreg:s7], $0x5FFFF;
	_ =	strace $0x90000046  }
0xb2: {  	s29 =	simm.s32 $0x9;
	_ =	strace $0x80000048  }
0xb3: {  	_ =	swait.ge [sflag:s29], $0x1  }
0xb4: {  	[sflag:s29] =	ssyncadd.s32 $0xFFFFFFFF  }
0xb5: {  	_ =	strace $0x90000048  }
0xb6: {  	_ =	sfence  }
0xb7: {  	s30 =	sld [smem:$0x0];
	_ =	sdelay $0x2  }
0xb8: {  	s31 =	sshll.u32 s1, $0xD;
	s1 =	sshrl.u32 s1, $0x2  }
0xb9: {  	s3 =	sand.u32 $0x4000, s31;
	s1 =	sadd.s32 s1, s30  }
0xba: {  	s0 =	sor.u32 s3, s0;
	s1 =	sshll.u32 s1, $0x11  }
0xbb: {  	s0 =	sor.u32 s1, s0  }
0xbc: {  	s0 =	sadd.s32 $0x8F2B, s0  }
0xbd: {  	[sflag:s0] =	ssyncadd.remote.s32 $0x1  }
0xbe: {  	_ =	sfence.sel $0xFFFF  }
0xbf: {  	[dreg:$0x0] =	wrdreg $0xFFFFFFFF;
	(pc) =	sbr.abs _section_cstart, $3  }
0xc0: {  	[dreg:$0x1] =	wrdreg $0xFFFFFFFF  }
0xc1: {  	_ =	task.clear_ibuf [dreg:s7], $0x2FFFF;
	_ =	strace $0x9FFFFFFF  }
0xc2: {  	(tm) =	ssettm $0x7FFFFFFF  }
0xc3: {  	_ =	shalt  }
tec
execute0_lowered:
.L_overlay_start_1:
0x0: {  	(tag) =	ssettag $0x1  }
0x1: {  	s1 =	srdreg.scid;
	s2 =	rddreg [dreg:$0x0]  }
0x2: {  	s0 =	stileid.u32;
	s6 =	rddreg [dreg:$0x1];
	s3 =	simm.s32 $0x0  }
0x3: {  	s11 =	simm.s32 $0x10200;
	s12 =	simm.s32 $0x1A600;
	s13 =	simm.s32 $0x1A610  }
0x4: {  	s14 =	simm.s32 $0x15200;
	s4 =	sand.u32 $0x1, s1;
	s31 =	sshll.u32 s0, $0x1  }
0x5: {  	s15 =	simm.s32 $0x0;
	s1 =	rddreg [dreg:$0x2];
	s9 =	sor.u32 s4, s31  }
0x6: {  	[smem:$0x7FF] =	sst s3;
	s8 =	ssub.s32 $0x2, s4;
	s5 =	smul.u32 $0x500, s9  }
.Ltmp0:
0x7: {  	_ =	strace $0x80000047;
	s4 =	sadd.s32 $0x2A00, s6;
	(pc) =	sbr.rel .LBB2_1-.Ltmp0, $4  }
0x8: {  	s7 =	smul.u32 $0xA00, s9;
	s10 =	sshrl.u32 s8, $0x1;
	p0 =	seq.s32 s9, $0x1F  }
0x9: {  	s9 =	simm.s32 $0x1;
	s8 =	ssub.s32 s8, s10;
	s10 =	simm.s32 $0x1A200  }
0xa: {  	v0 =	vimm.s32 $0x400;
	v1 =	vlaneseq.u32;
	v2 =	vimm.s32 $0x0;
	s5 =	sadd.s32 s5, s6;
	s7 =	sadd.s32 s7, s6;
	s6 =	sadd.s32 $0xC700, s6  }
0xb: {  	v3 =	vor.u32 $0x10, v1;
	v4 =	vor.u32 $0x20, v1;
	v5 =	vor.u32 $0x30, v1;
	s8 =	smax.u32 s8, $0x1;
	s5 =	sadd.s32 $0x2C00, s5;
	s7 =	sadd.s32 $0xCA00, s7  }
.LBB2_20:
0xc: {  	s15 =	sadd.s32 $0x1, s15  }
0xd: {  	p1 =	sne.s32 s15, s8  }
.Ltmp1:
0xe: {  	_ = 	snop;
	(pc) =	sbr.rel @!p1 .LBB2_21-.Ltmp1, $4  }
0xf: {  	[hbm4b:s7+s3] =	stream.linear.scatter [tilespmem:s14], [sflag:$0x1], $0x5000, $0x38;
	[tilespmem:$0x1A680] =	vst v63  }
0x10: {  	_ =	swait.ge [sflag:s9], $0x5000  }
0x11: {  	[sflag:s9] =	ssyncset.done $0x0  }
0x12: {  	[sflag:s9] =	ssyncadd.s32 $0xFFFFB000  }
.LBB2_1:
0x13: {  	[tilespmem:s3], [sflag:$0x1] =	stream.linear.gather [hbm4b:s2+s3], $0x10200, $0x38;
	[tilespmem:$0x1A680] =	vst v63  }
0x14: {  	_ =	swait.ge [sflag:s9], $0x10200  }
0x15: {  	[sflag:s9] =	ssyncset.done $0x0  }
0x16: {  	[sflag:s9] =	ssyncadd.s32 $0xFFFEFE00  }
0x17: {  	[tilespmem:s10], [sflag:$0x1] =	stream.linear.gather [hbm4b:s4+s3], $0x400, $0x38;
	[tilespmem:$0x1A680] =	vst v63  }
0x18: {  	_ =	swait.ge [sflag:s9], $0x400  }
0x19: {  	[sflag:s9] =	ssyncset.done $0x0  }
0x1a: {  	s16 =	simm.s32 @p0 $0x0;
	s17 =	simm.s32 @p0 $0x12A00;
	[sflag:s9] =	ssyncadd.s32 $0xFFFFFC00  }
0x1b: {  	[tilespmem:s17], [sflag:$0x1] =	stream.linear.gather @p0 [hbm4b:s6+s16], $0xA00, $0x38;
	[tilespmem:$0x1A680] =	vst v63  }
0x1c: {  	s16 =	simm.s32 @p0 $0x1  }
0x1d: {  	_ =	swait.ge @p0 [sflag:s16], $0xA00  }
0x1e: {  	[sflag:s16] =	ssyncset.done @p0 $0x0  }
0x1f: {  	s17 =	simm.s32 @!p0 $0x12A00;
	[sflag:s16] =	ssyncadd.s32 @p0 $0xFFFFF600;
	s16 =	simm.s32 @!p0 $0x0  }
0x20: {  	[tilespmem:s17], [sflag:$0x1] =	stream.linear.gather @!p0 [hbm4b:s5+s16], $0x2800, $0x38;
	[tilespmem:$0x1A680] =	vst v63  }
0x21: {  	s16 =	simm.s32 @!p0 $0x1  }
0x22: {  	_ =	swait.ge @!p0 [sflag:s16], $0x2800  }
0x23: {  	[sflag:s16] =	ssyncset.done @!p0 $0x0  }
0x24: {  	[sflag:s16] =	ssyncadd.s32 @!p0 $0xFFFFD800;
	s16 =	simm.s32 $0x0  }
.LBB2_2:
0x25: {  	p1 =	sne.s32 s16, $0x9FC0  }
.Ltmp2:
0x26: {  	_ = 	snop;
	(pc) =	sbr.rel @p1 .LBB2_2-.Ltmp2, $3  }
0x27: {  	_ =	sdelay $0x1  }
0x28: {  	s17 =	sshra.s32 s16, $0x2  }
0x29: {  	s16 =	sadd.s32 $0x40, s16;
	[tilespmem:s17+$0x10200] =	vst v0  }
0x2a: {  	s16 =	simm.s32 $0x1A200  }
0x2b: {  	s17 =	simm.s32 $0x0;
	s18 =	simm.s32 $0x10;
	v6 =	vld [tilespmem:s16+$0x0]  }
.LBB2_4:
0x2c: {  	p1 =	sne.s32 s18, $0x3F0;
	_ =	sdelay $0x3  }
.Ltmp3:
0x2d: {  	(pc) =	sbr.rel @p1 .LBB2_4-.Ltmp3, $4  }
0x2e: {  	_ = 	snop  }
0x2f: {  	v7 =	vor.u32 s17, v1;
	s17 =	smov.u32 s18  }
0x30: {  	s16 =	sadd.s32 $0x10, s16;
	[tilespmem:v6+s11+$0x0] =	vst.idx.msk $0xffff, v7  }
0x31: {  	s18 =	sadd.s32 $0x10, s18;
	v6 =	vld [tilespmem:s16+$0x0]  }
0x32: {  	_ =	sdelay $0x6  }
0x33: {  	v7 =	vor.u32 s17, v1  }
.Ltmp4:
0x34: {  	[tilespmem:v6+s11+$0x0] =	vst.idx.msk $0xffff, v7;
	(pc) =	sbr.rel .LBB2_6-.Ltmp4, $4  }
0x35: {  	v6 =	vld [tilespmem:$0x10000]  }
0x36: {  	v7 =	vld [tilespmem:$0x10010]  }
0x37: {  	v8 =	vld [tilespmem:$0x10020]  }
0x38: {  	s16 =	simm.s32 $0x0;
	s17 =	simm.s32 $0x0;
	v9 =	vld [tilespmem:$0x10030]  }
.LBB2_8:
0x39: {  	_ =	sdelay $0x3  }
0x3a: {  	s18 =	simm.s32 $0x0;
	v23 =	vmovc v6;
	v27 =	vmov v7;
	v31 =	vmov v8;
	v29 =	vmov v9  }
.LBB2_18:
0x3b: {  	_ =	sdelay $0x3  }
0x3c: {  	v25 =	vld.idx.msk @p1 [tilespmem:v25+s12+$0x0], $0xffff;
	vm0 =	vlt.s32 v12, v10;
	v10 =	vadd.s32 $0x10, v13  }
0x3d: {  	v10 =	vsel vm0, s18, v10  }
0x3e: {  	v11 =	vshll.u32 @p2 v11, $0x6;
	v14 =	vmax.bf16 @p4 v23, v14;
	v22 =	vmax.bf16 @p4 v27, v22  }
0x3f: {  	v12 =	vld.idx.msk @p3 [tilespmem:v15+s3+$0x0], $0xffff;
	v27 =	vmax.bf16 @p4 v29, v28;
	v28 =	vmax.bf16 @p4 v31, v30;
	v13 =	vor.u32 @p2 v1, v11  }
0x40: {  	v21 =	vld.idx.msk @p3 [tilespmem:v21+s3+$0x0], $0xffff;
	v15 =	vor.u32 @p2 v3, v11;
	v23 =	vor.u32 @p2 v4, v11;
	v13 =	vpsel p2, v13, v16  }
0x41: {  	v26 =	vld.idx.msk @p3 [tilespmem:v26+s3+$0x0], $0xffff;
	v11 =	vor.u32 @p2 v5, v11;
	v15 =	vpsel p2, v15, v17;
	v19 =	vpsel p1, v25, v19  }
0x42: {  	v14 =	vpsel p4, v14, v6;
	v16 =	vmovc @p2 v23;
	v11 =	vpsel p2, v11, v20;
	v10 =	vld.idx.msk [tilespmem:v10+s12+$0x0], $0xffff;
	v19 =	vshll.u32 @p1 v19, $0x6  }
0x43: {  	v17 =	vpsel p4, v22, v7;
	v16 =	vpsel p2, v16, v18;
	v18 =	vor.u32 @p1 v1, v19  }
0x44: {  	v20 =	vld.idx.msk @p3 [tilespmem:v24+s3+$0x0], $0xffff;
	v24 =	vpsel p4, v27, v9;
	v22 =	vor.u32 @p1 v3, v19;
	v18 =	vpsel p1, v18, v0  }
0x45: {  	v12 =	vpsel p3, v12, v0;
	v23 =	vor.u32 @p1 v5, v19;
	v13 =	vld.idx.msk @p2 [tilespmem:v13+s3+$0x0], $0xffff;
	v22 =	vpsel p1, v22, v0  }
0x46: {  	v21 =	vpsel p3, v21, v0;
	v19 =	vor.u32 @p1 v4, v19;
	v15 =	vld.idx.msk @p2 [tilespmem:v15+s3+$0x0], $0xffff;
	v23 =	vpsel p1, v23, v0  }
0x47: {  	v25 =	vpsel p3, v26, v0;
	v11 =	vld.idx.msk @p2 [tilespmem:v11+s3+$0x0], $0xffff;
	v19 =	vpsel p1, v19, v0;
	v10 =	vshll.u32 v10, $0x6  }
0x48: {  	v26 =	vpsel p4, v28, v8;
	v12 =	vmax.bf16 @p3 v14, v12;
	v16 =	vld.idx.msk @p2 [tilespmem:v16+s3+$0x0], $0xffff;
	v57 =	vor.u32 v1, v10  }
0x49: {  	v14 =	vmax.bf16 @p3 v17, v21;
	v21 =	vmax.bf16 @p3 v24, v25;
	v58 =	vor.u32 v3, v10;
	v18 =	vld.idx.msk @p1 [tilespmem:v18+s3+$0x0], $0xffff  }
0x4a: {  	v20 =	vpsel p3, v20, v0;
	v12 =	vpsel p3, v12, v6;
	v59 =	vor.u32 v5, v10;
	v22 =	vld.idx.msk @p1 [tilespmem:v22+s3+$0x0], $0xffff  }
0x4b: {  	v14 =	vpsel p3, v14, v7;
	v20 =	vmax.bf16 @p3 v26, v20;
	v10 =	vor.u32 v4, v10;
	v23 =	vld.idx.msk @p1 [tilespmem:v23+s3+$0x0], $0xffff  }
0x4c: {  	v21 =	vpsel p3, v21, v9;
	v20 =	vpsel p3, v20, v8;
	v13 =	vpsel p2, v13, v0;
	v19 =	vld.idx.msk @p1 [tilespmem:v19+s3+$0x0], $0xffff  }
0x4d: {  	v15 =	vpsel p2, v15, v0;
	v11 =	vpsel p2, v11, v0;
	v16 =	vpsel p2, v16, v0;
	v60 =	vld.idx.msk [tilespmem:v57+s3+$0x0], $0xffff  }
0x4e: {  	v12 =	vmax.bf16 @p2 v12, v13;
	v13 =	vmax.bf16 @p2 v14, v15;
	v11 =	vmax.bf16 @p2 v21, v11;
	v14 =	vld.idx.msk [tilespmem:v58+s3+$0x0], $0xffff  }
0x4f: {  	v15 =	vmax.bf16 @p2 v20, v16;
	v12 =	vpsel p2, v12, v6;
	v13 =	vpsel p2, v13, v7;
	v61 =	vld.idx.msk [tilespmem:v59+s3+$0x0], $0xffff  }
0x50: {  	v11 =	vpsel p2, v11, v9;
	v15 =	vpsel p2, v15, v8;
	v62 =	vld.idx.msk [tilespmem:v10+s3+$0x0], $0xffff;
	v16 =	vpsel p1, v18, v0  }
0x51: {  	v18 =	vpsel p1, v22, v0;
	v10 =	vpsel p1, v23, v0;
	v19 =	vpsel p1, v19, v0  }
0x52: {  	v12 =	vmax.bf16 @p1 v12, v16;
	v13 =	vmax.bf16 @p1 v13, v18;
	v10 =	vmax.bf16 @p1 v11, v10  }
0x53: {  	v11 =	vmax.bf16 @p1 v15, v19;
	v12 =	vpsel p1, v12, v6;
	v13 =	vpsel p1, v13, v7  }
0x54: {  	v15 =	vpsel p1, v10, v9;
	v63 =	vpsel p1, v11, v8;
	v10 =	vmax.bf16 v12, v60  }
0x55: {  	v12 =	vmax.bf16 v13, v14;
	v11 =	vmax.bf16 v15, v61;
	v13 =	vmax.bf16 v63, v62  }
.LBB2_19:
0x56: {  	s18 =	sshll.u32 s17, $0x6;
	s17 =	sadd.s32 $0x1, s17  }
0x57: {  	p1 =	sne.s32 s17, $0x140  }
.Ltmp5:
0x58: {  	s18 =	sand.u32 $0x3FFFFFC0, s18;
	(pc) =	sbr.rel @!p1 .LBB2_20-.Ltmp5, $4  }
0x59: {  	[tilespmem:s18+$0x15200] =	vst v10  }
0x5a: {  	[tilespmem:s18+$0x15210] =	vst v12  }
0x5b: {  	[tilespmem:s18+$0x15220] =	vst v13  }
0x5c: {  	[tilespmem:s18+$0x15230] =	vst v11  }
.LBB2_6:
0x5d: {  	s18 =	sshll.u32 s17, $0x5  }
0x5e: {  	s18 =	sand.u32 $0x3FFFFFE0, s18  }
0x5f: {  	v10 =	vld [tilespmem:s18+$0x12A00]  }
0x60: {  	v11 =	vld [tilespmem:s18+$0x12A10];
	_ =	sdelay $0x3  }
0x61: {  	vm0 =	vgt.s32 v10, $0x0  }
0x62: {  	v10 =	vnsel vm0, $0x0, v10;
	vm0 =	vgt.s32 v11, $0x0  }
0x63: {  	v10 =	vmin.u32 v10, $0x270F;
	v11 =	vnsel vm0, $0x0, v11  }
0x64: {  	v11 =	vmin.u32 v11, $0x270F;
	_ =	sdelay $0x3  }
0x65: {  	v10 =	vld.idx.msk [tilespmem:v10+s11+$0x0], $0xffff  }
0x66: {  	v11 =	vld.idx.msk [tilespmem:v11+s11+$0x0], $0xffff;
	_ =	sdelay $0x4  }
0x67: {  	vm0 =	vlt.s32 v10, $0x400;
	vm1 =	vlt.s32 v11, $0x400  }
0x68: {  	v12 =	vsel vm0, $0x1, v2;
	v13 =	vsel vm1, $0x1, v2  }
0x69: {  	v12 =	vadd.s32 v12, v13  }
0x6a: {  	(xrf0) =	vadd.scan.msk.s32 $0xffff, v12;
	_ =	sdelay $0x5  }
0x6b: {  	v12, _, _ =	vpop (xrf0)  }
0x6c: {  	(v2sf) =	vpush v12, $0xF;
	_ =	sdelay $0xe  }
0x6d: {  	s19 =	spop (v2sf)  }
0x6e: {  	p1 =	slt.s32 s19, $0x1  }
.Ltmp6:
0x6f: {  	_ = 	snop;
	(pc) =	sbr.rel @p1 .LBB2_19-.Ltmp6, $3  }
0x70: {  	_ =	sdelay $0x1  }
0x71: {  	[tilespmem:s12+$0x0] =	vst.msk vm0, v10  }
0x72: {  	v10 =	vmovc v6;
	[tilespmem:s13+$0x0] =	vst.msk vm1, v11;
	v11 =	vmov v9;
	v13 =	vmov v8;
	v12 =	vmov v7  }
0x73: {  	p5 =	sne.s32 s19, $0x1  }
.Ltmp7:
0x74: {  	_ = 	snop;
	(pc) =	sbr.rel @!p5 .LBB2_8-.Ltmp7, $4  }
0x75: {  	_ = 	snop  }
0x76: {  	v10 =	vmpcnt.ones.xlane vm0  }
0x77: {  	s18 =	simm.s32 $0x1;
	p1 =	por $0x0, $0x0  }
0x78: {  	v12 =	vmov s16;
	p2 =	por $0x0, $0x0;
	p3 =	por $0x0, $0x0;
	p4 =	por $0x0, $0x0;
	v13 =	vsub.s32 s16, v10  }
0x79: {  	p5 =	sne.s32 s19, $0x2  }
.Ltmp8:
0x7a: {  	_ = 	snop;
	(pc) =	sbr.rel @!p5 .LBB2_10-.Ltmp8, $3  }
0x7b: {  	_ =	sdelay $0x1  }
0x7c: {  	vm0 =	vlt.s32 v12, v10;
	v11 =	vadd.s32 $0x10, v13  }
0x7d: {  	s21 =	simm.s32 $0x2;
	v12 =	vmov s18;
	v13 =	vsub.s32 s18, v10;
	p1 =	por $0x1, $0x1;
	v25 =	vsel vm0, s16, v11  }
0x7e: {  	p5 =	sne.s32 s19, $0x3  }
.Ltmp9:
0x7f: {  	_ = 	snop;
	(pc) =	sbr.rel @!p5 .LBB2_12-.Ltmp9, $3  }
0x80: {  	_ =	sdelay $0x1  }
0x81: {  	vm0 =	vlt.s32 v12, v10;
	v11 =	vadd.s32 $0x10, v13  }
0x82: {  	s20 =	simm.s32 $0x3;
	v12 =	vmov s21;
	v13 =	vsub.s32 s21, v10;
	p2 =	por $0x1, $0x1;
	v14 =	vsel vm0, s18, v11;
	v11 =	vld.idx.msk [tilespmem:v25+s12+$0x0], $0xffff  }
0x83: {  	_ = 	snop  }
0x84: {  	p5 =	sne.s32 s19, $0x4  }
.Ltmp10:
0x85: {  	_ = 	snop;
	(pc) =	sbr.rel @!p5 .LBB2_14-.Ltmp10, $4  }
0x86: {  	vm0 =	vlt.s32 v12, v10  }
0x87: {  	v12 =	vadd.s32 $0x10, v13;
	v13 =	vsub.s32 s20, v10;
	v11 =	vshll.u32 v11, $0x6  }
0x88: {  	v25 =	vsel vm0, s21, v12;
	v12 =	vmov s20;
	v16 =	vor.u32 v1, v11  }
0x89: {  	s18 =	simm.s32 $0x4;
	v19 =	vld.idx.msk [tilespmem:v14+s12+$0x0], $0xffff;
	p3 =	por $0x1, $0x1;
	v17 =	vor.u32 v3, v11;
	v18 =	vor.u32 v4, v11;
	v20 =	vor.u32 v5, v11  }
0x8a: {  	_ =	sdelay $0x3  }
0x8b: {  	v11 =	vld.idx.msk [tilespmem:v25+s12+$0x0], $0xffff;
	p5 =	sne.s32 s19, $0x5  }
.Ltmp11:
0x8c: {  	v14 =	vld.idx.msk [tilespmem:v16+s3+$0x0], $0xffff;
	(pc) =	sbr.rel @!p5 .LBB2_16-.Ltmp11, $4  }
0x8d: {  	vm0 =	vlt.s32 v12, v10;
	v12 =	vadd.s32 $0x10, v13;
	v22 =	vld.idx.msk [tilespmem:v17+s3+$0x0], $0xffff  }
0x8e: {  	v28 =	vld.idx.msk [tilespmem:v20+s3+$0x0], $0xffff;
	v25 =	vsel vm0, s20, v12;
	v12 =	vshll.u32 v19, $0x6  }
0x8f: {  	v13 =	vsub.s32 s18, v10;
	v23 =	vmovc v6;
	v27 =	vmovc v7;
	v15 =	vor.u32 v1, v12;
	v21 =	vor.u32 v3, v12  }
0x90: {  	v30 =	vld.idx.msk [tilespmem:v18+s3+$0x0], $0xffff;
	p4 =	por $0x1, $0x1;
	v29 =	vmovc v9;
	v31 =	vmovc v8;
	s20 =	simm.s32 $0x5;
	v24 =	vor.u32 v4, v12;
	v26 =	vor.u32 v5, v12;
	v12 =	vmov s18  }
.LBB2_17:
0x91: {  	s21 =	smov.u32 s20;
	s20 =	sadd.s32 $0x1, s20  }
0x92: {  	vm0 =	vlt.s32 v12, v10;
	v12 =	vadd.s32 $0x10, v13;
	p5 =	sne.s32 s19, s20  }
.Ltmp12:
0x93: {  	v13 =	vshll.u32 v11, $0x6;
	v11 =	vld.idx.msk [tilespmem:v25+s12+$0x0], $0xffff;
	v25 =	vsel vm0, s18, v12;
	s18 =	smov.u32 s21;
	(pc) =	sbr.rel @p5 .LBB2_17-.Ltmp12, $4  }
0x94: {  	v23 =	vmax.bf16 v23, v14;
	v12 =	vor.u32 v3, v13;
	v14 =	vld.idx.msk [tilespmem:v15+s3+$0x0], $0xffff;
	v15 =	vor.u32 v1, v13  }
0x95: {  	v27 =	vmax.bf16 v27, v22;
	v32 =	vor.u32 v4, v13;
	v13 =	vor.u32 v5, v13;
	v22 =	vld.idx.msk [tilespmem:v21+s3+$0x0], $0xffff  }
0x96: {  	v29 =	vmax.bf16 v29, v28;
	v21 =	vmov v12;
	v28 =	vld.idx.msk [tilespmem:v26+s3+$0x0], $0xffff;
	v26 =	vmov v13  }
0x97: {  	v31 =	vmax.bf16 v31, v30;
	v12 =	vmov s18;
	v13 =	vsub.s32 s18, v10;
	v30 =	vld.idx.msk [tilespmem:v24+s3+$0x0], $0xffff;
	v24 =	vmovc v32  }
.Ltmp13:
0x98: {  	_ = 	snop;
	(pc) =	sbr.rel .LBB2_18-.Ltmp13, $1  }
0x99: {  	_ =	sdelay $0x3  }
.LBB2_10:
.Ltmp14:
0x9a: {  	(pc) =	sbr.rel .LBB2_18-.Ltmp14, $2  }
0x9b: {  	_ =	sdelay $0x2  }
0x9c: {  	v23 =	vmovc v6;
	v27 =	vmov v7;
	v29 =	vmov v9;
	v31 =	vmov v8  }
.LBB2_12:
.Ltmp15:
0x9d: {  	(pc) =	sbr.rel .LBB2_18-.Ltmp15, $2  }
0x9e: {  	_ =	sdelay $0x2  }
0x9f: {  	s18 =	simm.s32 $0x2;
	v25 =	vmovc v14;
	v23 =	vmovc v6;
	v27 =	vmov v7;
	v29 =	vmov v9;
	v31 =	vmov v8  }
.LBB2_14:
.Ltmp16:
0xa0: {  	_ = 	snop;
	(pc) =	sbr.rel .LBB2_18-.Ltmp16, $3  }
0xa1: {  	_ =	sdelay $0x1  }
0xa2: {  	v15 =	vmovc v16;
	v23 =	vmov v6;
	v21 =	vmov v17;
	v27 =	vmov v7  }
0xa3: {  	s18 =	simm.s32 $0x3;
	v26 =	vmovc v20;
	v29 =	vmovc v9;
	v24 =	vmov v18;
	v31 =	vmov v8;
	v11 =	vmov v19  }
.LBB2_16:
.Ltmp17:
0xa4: {  	(pc) =	sbr.rel .LBB2_18-.Ltmp17, $2  }
0xa5: {  	_ =	sdelay $0x2  }
0xa6: {  	v23 =	vmovc v6;
	v27 =	vmov v7;
	v29 =	vmov v9;
	v31 =	vmov v8  }
.LBB2_21:
0xa7: {  	_ =	sfence.sel $0x180000  }
0xa8: {  	[bflag:$0x0] =	sbarrier.arrive $0xFFFF  }
0xa9: {  	p0 =	sne.s32 s0, $0x0;
	_ =	strace $0x90000047  }
0xaa: {  	s0 =	sadd.s32 @!p0 $0x100000, s1;
	[bflag:$0x2] =	sbarrier.arrive $0xFFFF  }
0xab: {  	[sflag:s0] =	ssyncadd.tile.s32 @!p0 $0x1;
	_ =	shalt  }
.Lfunc_end2:
_tile_overlayer_lowered:
.L_overlay_start_2:
0xac: {  	(tag) =	ssettag $0x2  }
0xad: {  	s0 =	rddreg [dreg:$0x0];
	s2 =	stileid.u32  }
0xae: {  	s1 =	rddreg [dreg:$0x1];
	p0 =	sne.s32 s2, $0x0  }
0xaf: {  	s3 =	rddreg [dreg:$0x2];
	[bflag:$0x3] =	sbarrier.arrive $0xFFFF;
	s2 =	simm.s32 @!p0 $0x1C01  }
0xb0: {  	[timem:s3], [sflag:s2] =	dma.local @!p0 [hbm:s0], s1  }
0xb1: {  	s0 =	simm.s32 @!p0 $0x1  }
0xb2: {  	_ =	swait.ge @!p0 [sflag:s0], s1  }
0xb3: {  	s1 =	ssub.s32 @!p0 $0x0, s1;
	[sflag:s0] =	ssyncset.done @!p0 $0x0  }
0xb4: {  	[sflag:s0] =	ssyncadd.s32 @!p0 s1  }
0xb5: {  	[bflag:$0x3] =	sbarrier.arrive $0xFFFF  }
0xb6: {  	_ =	shalt  }

</sc_bundles>
